<compile_context>
chip_gen: v7x
topology: tpu7x:2x2x1
jax: 0.10.2.dev20260603
libtpu: 0.0.44.dev20260713+nightly
codegen_flags: <defaults>
</compile_context>

<pallas_src>
import functools

import numpy as np

import jax
import jax.numpy as jnp
from jax import lax
from jax.experimental import pallas as pl
from jax.experimental.pallas import tpu as pltpu
from jax.experimental.pallas import tpu_sc as plsc

_N = 10000
_E = 320000
_D = 128

_NC = 2
_NS = 16
_L = 16
_NW = _NC * _NS
_EPW = _E // _NW
_GCH = 200
_GNCH = _EPW // _GCH
_SCH = 1000
_SNCH = _EPW // _SCH
_NPT = _N // _NS

_BN = 1000
_BE = 2000

_f32 = jnp.float32


def _ln(y, g, b):
    mu = jnp.mean(y, axis=-1, keepdims=True)
    d = y - mu
    var = jnp.mean(d * d, axis=-1, keepdims=True)
    return d * lax.rsqrt(var + 1e-5) * g + b



def _node_pre_body(nl_ref, w1b_ref, wn1_ref, bn1_ref, wn2_ref, bn2_ref,
                   wnw2_ref, bnw2_ref, p_ref, nv_ref, w_ref):
    nl = nl_ref[...]
    p_ref[...] = jnp.dot(nl, w1b_ref[...], preferred_element_type=_f32)
    h = jnp.maximum(jnp.dot(nl, wn1_ref[...], preferred_element_type=_f32)
                    + bn1_ref[...], 0.0)
    nv = jnp.dot(h, wn2_ref[...], preferred_element_type=_f32) + bn2_ref[...]
    nv_ref[...] = nv
    w8 = jnp.dot(h[:, 0:_D], wnw2_ref[...], preferred_element_type=_f32)
    w_ref[...] = w8 + bnw2_ref[...]



def _gather_body(p_hbm, s_hbm, r_hbm, gp_hbm,
                 idx_s, idx_r, ra0, rb0, ra1, rb1,
                 sa0, sb0, so0, sa1, sb1, so1):
    wid = lax.axis_index("s") * _NC + lax.axis_index("c")
    tbase = wid * _EPW
    bufs = ((ra0, rb0, sa0, sb0, so0),
            (ra1, rb1, sa1, sb1, so1))

    def load_pair_idx(g):
        base = tbase + g * 2 * _GCH
        pltpu.sync_copy(s_hbm.at[pl.ds(base, 2 * _GCH)], idx_s)
        pltpu.sync_copy(r_hbm.at[pl.ds(base, 2 * _GCH)], idx_r)

    def issue(b, h):
        ra, rb, sa, sb, so = bufs[b]
        pltpu.async_copy(p_hbm.at[idx_s.at[pl.ds(h * _GCH, _GCH)]], ra, sa)
        pltpu.async_copy(p_hbm.at[idx_r.at[pl.ds(h * _GCH, _GCH)]], rb, sb)

    def wait_in(b, h):
        ra, rb, sa, sb, so = bufs[b]
        pltpu.make_async_copy(p_hbm.at[idx_s.at[pl.ds(h * _GCH, _GCH)]],
                              ra, sa).wait()
        pltpu.make_async_copy(p_hbm.at[idx_r.at[pl.ds(h * _GCH, _GCH)]],
                              rb, sb).wait()

    def drain_out(b, c):
        ra, rb, sa, sb, so = bufs[b]
        base = tbase + c * _GCH
        pltpu.make_async_copy(ra, gp_hbm.at[pl.ds(base, _GCH)], so).wait()

    def process(b, c):
        ra, rb, sa, sb, so = bufs[b]
        base = tbase + c * _GCH

        @plsc.parallel_loop(0, _GCH, step=1, unroll=4)
        def add_row(rr):
            for j in range(_D // _L):
                sl = pl.ds(j * _L, _L)
                ra[rr, sl] = ra[rr, sl] + rb[rr, sl]

        pltpu.async_copy(ra, gp_hbm.at[pl.ds(base, _GCH)], so)

    load_pair_idx(0)
    issue(0, 0)

    def pair(g, carry):
        c0 = g * 2

        @pl.when(g > 0)
        def _():
            drain_out(1, c0 - 1)
        wait_in(0, 0)
        issue(1, 1)
        process(0, c0)

        wait_in(1, 1)

        @pl.when(g < _GNCH // 2 - 1)
        def _():
            load_pair_idx(g + 1)
            drain_out(0, c0)
            issue(0, 0)
        process(1, c0 + 1)
        return carry

    lax.fori_loop(0, _GNCH // 2, pair, 0)
    drain_out(0, _GNCH - 2)
    drain_out(1, _GNCH - 1)



_WCH = 2000
_WNCH = _EPW // _WCH


def _wgather_body(w_hbm, s_hbm, r_hbm, ws_hbm, wr_hbm,
                  idx_s, idx_r, wv, xv, sem_a, sem_b):
    wid = lax.axis_index("s") * _NC + lax.axis_index("c")
    tbase = wid * _EPW

    def chunk(c, carry):
        base = tbase + c * _WCH
        pltpu.sync_copy(s_hbm.at[pl.ds(base, _WCH)], idx_s)
        pltpu.sync_copy(r_hbm.at[pl.ds(base, _WCH)], idx_r)
        cp_a = pltpu.async_copy(w_hbm.at[idx_s], wv, sem_a)
        cp_b = pltpu.async_copy(w_hbm.at[idx_r], xv, sem_b)
        cp_a.wait()
        cp_b.wait()
        pltpu.sync_copy(wv, ws_hbm.at[pl.ds(base, _WCH)])
        pltpu.sync_copy(xv, wr_hbm.at[pl.ds(base, _WCH)])
        return carry

    lax.fori_loop(0, _WNCH, chunk, 0)



def _edge_body(sm_ref, gp_ref, ws_ref, wr_ref,
               pl_ref, pr_ref, wsf_ref, wrf_ref, pn_ref, w1ef_ref, w1e0_ref,
               bnf1_ref, wnf2_ref, bnf2_ref, gnf_ref, benf_ref,
               bef1_ref, wef2_ref, bef2_ref, gef_ref, beef_ref,
               wia_ref, wic_ref, bi1_ref, wi2_ref, bi2_ref, gi_ref, bei_ref,
               wd1_ref, bd1_ref, wd2_ref, bd2_ref,
               qu_ref, qv2_ref, qfp_ref, qlam_ref, psp_ref, prp_ref, ow_ref,
               qpay_ref, qc_ref, one9_ref,
               il_ref, pay_ref):
    def dot(a, b):
        return jnp.dot(a, b, preferred_element_type=_f32)

    sm = sm_ref[...]
    lm = dot(sm, pl_ref[...]) * dot(sm, pr_ref[...])
    hs = jnp.maximum(dot(lm, wsf_ref[...]) + bnf1_ref[...], 0.0)
    s_lat = _ln(dot(hs, wnf2_ref[...]) + bnf2_ref[...],
                gnf_ref[...], benf_ref[...])
    hr = jnp.maximum(dot(lm, wrf_ref[...]) + bnf1_ref[...], 0.0)
    r_lat = _ln(dot(hr, wnf2_ref[...]) + bnf2_ref[...],
                gnf_ref[...], benf_ref[...])
    normw = jnp.sqrt(dot(lm, pn_ref[...]))
    he = jnp.maximum(normw * w1e0_ref[...] + dot(sm, w1ef_ref[...])
                     + bef1_ref[...], 0.0)
    e_lat = _ln(dot(he, wef2_ref[...]) + bef2_ref[...],
                gef_ref[...], beef_ref[...])

    x1 = (dot(s_lat + r_lat, wia_ref[...]) + gp_ref[...]
          + dot(e_lat, wic_ref[...]) + bi1_ref[...])
    il = _ln(dot(jnp.maximum(x1, 0.0), wi2_ref[...]) + bi2_ref[...],
             gi_ref[...], bei_ref[...])
    il_ref[...] = il

    hd = jnp.maximum(dot(il, wd1_ref[...]) + bd1_ref[...], 0.0)
    dec = dot(hd, wd2_ref[...]) + bd2_ref[...]

    w2p = dot(dec, qu_ref[...]) * dot(sm, qv2_ref[...])
    spp = dot(sm, psp_ref[...])
    rpp = dot(sm, prp_ref[...])
    wsw = dot(ws_ref[...], ow_ref[...])
    wrw = dot(wr_ref[...], ow_ref[...])
    leverw = rpp - (wsw * spp + wrw * rpp) / (wsw + wrw)
    tp = dot(w2p, qfp_ref[...]) * dot(dec, qlam_ref[...])
    cp = leverw * tp
    pay_ref[...] = (dot(w2p, qpay_ref[...]) + dot(cp, qc_ref[...])
                    + one9_ref[...])



def _scatter_body(pay_hbm, r_hbm, out_hbm, pay_v, idx_v, zbuf, accum, sem):
    cid = lax.axis_index("c")
    sid = lax.axis_index("s")
    wid = sid * _NC + cid

    def zrow(rr, c2):
        zbuf[rr, :] = jnp.zeros((_L,), _f32)
        return c2
    lax.fori_loop(0, _NPT, zrow, 0)
    pltpu.sync_copy(zbuf, accum.at[pl.ds(sid * _NPT, _NPT)])
    plsc.subcore_barrier()

    def chunk(c, carry):
        base = wid * _EPW + c * _SCH
        pltpu.sync_copy(r_hbm.at[pl.ds(base, _SCH)], idx_v)
        pltpu.sync_copy(pay_hbm.at[pl.ds(base, _SCH)], pay_v)
        pltpu.sync_copy(pay_v, accum.at[idx_v], add=True)
        return carry
    lax.fori_loop(0, _SNCH, chunk, 0)

    plsc.subcore_barrier()
    pltpu.sync_copy(accum.at[pl.ds(sid * _NPT, _NPT)],
                    out_hbm.at[cid, pl.ds(sid * _NPT, _NPT)])



def _combine_body(part_ref, nv_ref, vel_ref, dv_ref, dw_ref, disp_ref):
    r = part_ref[0] + part_ref[1]
    force = r[:, 0:3]
    torque = r[:, 3:6]
    corr = r[:, 6:9]
    cnt = r[:, 9:10]
    nv = nv_ref[...]
    dv_ref[...] = nv[:, 1:2] * force
    dw_ref[...] = nv[:, 2:3] * torque
    disp_ref[...] = ((vel_ref[...] + nv[:, 3:6]) * nv[:, 6:7]
                     + corr / jnp.maximum(cnt, 1.0))


def kernel(edge_index, senders_pos, receivers_pos, edge_dx_, edge_attr,
           vector_a, vector_b, vector_c, senders_v_t_, senders_w_t_,
           receivers_v_t_, receivers_w_t_, node_latent, vel, params):
    senders = edge_index[0]
    receivers = edge_index[1]

    nf = params['node_feat_encoder']
    ef = params['edge_feat_encoder']
    ie = params['interaction_encoder']
    i1 = params['i1_decoder']
    i2 = params['i2_decoder']
    fs = params['f_scaler']
    nw = params['node_weight_decoder']
    cc = params['compliance_corr_decoder']
    im = params['inv_mass_decoder']
    ii = params['inv_inertia_decoder']
    ed = params['external_dv_decoder']
    vs = params['velocity_scaler']

    def row2(x):
        return x.reshape(1, -1)

    npf = np.float32
    plm = np.zeros((46, 48), npf)
    prm = np.zeros((46, 48), npf)
    for g, gbase in enumerate((18, 21, 24, 27)):
        for k, vbase in enumerate((9, 12, 15)):
            for c in range(3):
                plm[vbase + c, g * 9 + k * 3 + c] = 1
                prm[gbase + c, g * 9 + k * 3 + c] = 1
    for c in range(3):
        plm[6 + c, 36 + c] = 1
        prm[6 + c, 36 + c] = 1
    rep6 = jnp.repeat(nf['W1'], 3, axis=0)
    wsf = jnp.concatenate([rep6, jnp.zeros((30, _D), _f32)])
    wrf = jnp.concatenate([jnp.zeros((18, _D), _f32), -rep6,
                           jnp.zeros((12, _D), _f32)])
    pnm = np.zeros((48, _D), npf)
    pnm[36:39, :] = 1.0
    w1ef = jnp.zeros((46, _D), _f32).at[30:46].set(ef['W1'][1:17])
    w1e0 = ef['W1'][0:1, :]

    qum = np.zeros((16, 48), npf)
    qv2m = np.zeros((46, 48), npf)
    for k in range(3):
        for c in range(3):
            qum[k, k * 3 + c] = 1
            qum[3 + k, 9 + k * 3 + c] = 1
            qum[7 + k, 18 + k * 3 + c] = 1
            for g in range(3):
                qv2m[9 + 3 * k + c, g * 9 + 3 * k + c] = 1
    qfpm = np.zeros((48, 48), npf)
    for out_l, m in enumerate((2, 0, 1, 1, 2, 0)):
        for k in range(3):
            qfpm[3 * k + m, out_l] = 1
    qlamm = np.zeros((16, 48), npf)
    qlamm[6, 0:6] = 1
    pspm = np.zeros((46, 48), npf)
    prpm = np.zeros((46, 48), npf)
    for out_l, m in enumerate((1, 2, 0, 2, 0, 1)):
        pspm[0 + m, out_l] = 1
        prpm[3 + m, out_l] = 1
    owm = np.zeros((8, 48), npf)
    owm[0, :] = 1
    qpaym = np.zeros((48, 16), npf)
    for k in range(3):
        for c in range(3):
            qpaym[3 * k + c, c] = 1
            qpaym[9 + 3 * k + c, 3 + c] = 1
            qpaym[18 + 3 * k + c, 6 + c] = 1
    qcm = np.zeros((48, 16), npf)
    for i in range(3):
        qcm[i, 3 + i] = -1
        qcm[3 + i, 3 + i] = 1
    one9m = np.zeros((1, 16), npf)
    one9m[0, 9] = 1

    wia = ie['W1'][0:_D]
    w1b = ie['W1'][_D:2 * _D]
    wic = ie['W1'][2 * _D:3 * _D]

    wd1 = jnp.concatenate([i1['W1'], i2['W1'], fs['W1'], cc['W1']], axis=1)
    bd1 = jnp.concatenate([i1['b1'], i2['b1'], fs['b1'], cc['b1']])
    wd2 = (jnp.zeros((4 * _D, 16), _f32)
           .at[0:_D, 0:3].set(i1['W2'])
           .at[_D:2 * _D, 3:6].set(i2['W2'])
           .at[2 * _D:3 * _D, 6:7].set(fs['W2'])
           .at[3 * _D:4 * _D, 7:10].set(cc['W2']))
    bd2 = (jnp.zeros((16,), _f32)
           .at[0:3].set(i1['b2']).at[3:6].set(i2['b2'])
           .at[6:7].set(fs['b2']).at[7:10].set(cc['b2']))

    wn1 = jnp.concatenate([nw['W1'], im['W1'], ii['W1'], ed['W1'], vs['W1']],
                          axis=1)
    bn1 = jnp.concatenate([nw['b1'], im['b1'], ii['b1'], ed['b1'], vs['b1']])
    wn2 = (jnp.zeros((5 * _D, 16), _f32)
           .at[0:_D, 0:1].set(nw['W2'])
           .at[_D:2 * _D, 1:2].set(im['W2'])
           .at[2 * _D:3 * _D, 2:3].set(ii['W2'])
           .at[3 * _D:4 * _D, 3:6].set(ed['W2'])
           .at[4 * _D:5 * _D, 6:7].set(vs['W2']))
    bn2 = (jnp.zeros((16,), _f32)
           .at[0:1].set(nw['b2']).at[1:2].set(im['b2'])
           .at[2:3].set(ii['b2']).at[3:6].set(ed['b2'])
           .at[6:7].set(vs['b2']))

    full = lambda shape: pl.BlockSpec(shape, lambda i: tuple(0 for _ in shape))
    p_tab, nodevals, w_col = pl.pallas_call(
        _node_pre_body,
        grid=(_N // _BN,),
        in_specs=[pl.BlockSpec((_BN, _D), lambda i: (i, 0)),
                  full((_D, _D)), full((_D, 5 * _D)), full((1, 5 * _D)),
                  full((5 * _D, 16)), full((1, 16)),
                  full((_D, 8)), full((1, 1))],
        out_specs=[pl.BlockSpec((_BN, _D), lambda i: (i, 0)),
                   pl.BlockSpec((_BN, 16), lambda i: (i, 0)),
                   pl.BlockSpec((_BN, 8), lambda i: (i, 0))],
        out_shape=[jax.ShapeDtypeStruct((_N, _D), _f32),
                   jax.ShapeDtypeStruct((_N, 16), _f32),
                   jax.ShapeDtypeStruct((_N, 8), _f32)],
    )(node_latent, w1b, wn1, row2(bn1), wn2, row2(bn2),
      jnp.zeros((_D, 8), _f32).at[:, 0:1].set(nw['W2']), row2(nw['b2']))

    mesh = plsc.VectorSubcoreMesh(core_axis_name="c", subcore_axis_name="s")
    gp = pl.kernel(
        _gather_body,
        out_type=jax.ShapeDtypeStruct((_E, _D), _f32),
        mesh=mesh,
        scratch_types=(
            [pltpu.VMEM((2 * _GCH,), jnp.int32)] * 2
            + [pltpu.VMEM((_GCH, _D), _f32)] * 4
            + [pltpu.SemaphoreType.DMA] * 6
        ),
    )(p_tab, senders, receivers)

    w_s, w_r = pl.kernel(
        _wgather_body,
        out_type=(jax.ShapeDtypeStruct((_E, 8), _f32),
                  jax.ShapeDtypeStruct((_E, 8), _f32)),
        mesh=mesh,
        scratch_types=(
            [pltpu.VMEM((_WCH,), jnp.int32)] * 2
            + [pltpu.VMEM((_WCH, 8), _f32)] * 2
            + [pltpu.SemaphoreType.DMA] * 2
        ),
        compiler_params=pltpu.CompilerParams(use_tc_tiling_on_sc=False),
    )(w_col, senders, receivers)

    small = jnp.concatenate(
        [senders_pos, receivers_pos, edge_dx_, vector_a, vector_b, vector_c,
         senders_v_t_, senders_w_t_, receivers_v_t_, receivers_w_t_,
         edge_attr], axis=1)
    il, payload = pl.pallas_call(
        _edge_body,
        grid=(_E // _BE,),
        in_specs=[pl.BlockSpec((_BE, 46), lambda i: (i, 0)),
                  pl.BlockSpec((_BE, _D), lambda i: (i, 0)),
                  pl.BlockSpec((_BE, 8), lambda i: (i, 0)),
                  pl.BlockSpec((_BE, 8), lambda i: (i, 0)),
                  full((46, 48)), full((46, 48)), full((48, _D)),
                  full((48, _D)), full((48, _D)), full((46, _D)),
                  full((1, _D)),
                  full((1, _D)), full((_D, _D)), full((1, _D)),
                  full((1, _D)), full((1, _D)),
                  full((1, _D)), full((_D, _D)), full((1, _D)),
                  full((1, _D)), full((1, _D)),
                  full((_D, _D)), full((_D, _D)), full((1, _D)),
                  full((_D, _D)), full((1, _D)), full((1, _D)), full((1, _D)),
                  full((_D, 4 * _D)), full((1, 4 * _D)),
                  full((4 * _D, 16)), full((1, 16)),
                  full((16, 48)), full((46, 48)), full((48, 48)),
                  full((16, 48)), full((46, 48)), full((46, 48)),
                  full((8, 48)), full((48, 16)), full((48, 16)),
                  full((1, 16))],
        out_specs=[pl.BlockSpec((_BE, _D), lambda i: (i, 0)),
                   pl.BlockSpec((_BE, 16), lambda i: (i, 0))],
        out_shape=[jax.ShapeDtypeStruct((_E, _D), _f32),
                   jax.ShapeDtypeStruct((_E, 16), _f32)],
    )(small, gp, w_s, w_r,
      jnp.asarray(plm), jnp.asarray(prm), wsf, wrf, jnp.asarray(pnm),
      w1ef, w1e0,
      row2(nf['b1']), nf['W2'], row2(nf['b2']),
      row2(nf['gamma']), row2(nf['beta']),
      row2(ef['b1']), ef['W2'], row2(ef['b2']),
      row2(ef['gamma']), row2(ef['beta']),
      wia, wic, row2(ie['b1']), ie['W2'], row2(ie['b2']),
      row2(ie['gamma']), row2(ie['beta']),
      wd1, row2(bd1), wd2, row2(bd2),
      jnp.asarray(qum), jnp.asarray(qv2m), jnp.asarray(qfpm),
      jnp.asarray(qlamm), jnp.asarray(pspm), jnp.asarray(prpm),
      jnp.asarray(owm), jnp.asarray(qpaym), jnp.asarray(qcm),
      jnp.asarray(one9m))

    partials = pl.kernel(
        _scatter_body,
        out_type=jax.ShapeDtypeStruct((_NC, _N, 16), _f32),
        mesh=mesh,
        scratch_types=[
            pltpu.VMEM((_SCH, 16), _f32),
            pltpu.VMEM((_SCH,), jnp.int32),
            pltpu.VMEM((_NPT, 16), _f32),
            pltpu.VMEM_SHARED((_N, 16), _f32),
            pltpu.SemaphoreType.DMA,
        ],
        compiler_params=pltpu.CompilerParams(use_tc_tiling_on_sc=False),
    )(payload, receivers)

    dv, dw, disp = pl.pallas_call(
        _combine_body,
        grid=(_N // _BN,),
        in_specs=[pl.BlockSpec((_NC, _BN, 16), lambda i: (0, i, 0)),
                  pl.BlockSpec((_BN, 16), lambda i: (i, 0)),
                  pl.BlockSpec((_BN, 3), lambda i: (i, 0))],
        out_specs=[pl.BlockSpec((_BN, 3), lambda i: (i, 0)),
                   pl.BlockSpec((_BN, 3), lambda i: (i, 0)),
                   pl.BlockSpec((_BN, 3), lambda i: (i, 0))],
        out_shape=[jax.ShapeDtypeStruct((_N, 3), _f32),
                   jax.ShapeDtypeStruct((_N, 3), _f32),
                   jax.ShapeDtypeStruct((_N, 3), _f32)],
    )(partials, nodevals, vel)

    return (dv, dw, disp, il)

# --- scband reference (transcript-rebuilt; emitter-appended) ---
"""Pipeline reference for scband-interaction-block-82429012345240 (READ-ONLY COPY).

The authoritative reference and input builder live on the scoring server;
editing this copy changes nothing except your own understanding.
"""

import jax, jax.numpy as jnp
import numpy as np

N_NODES = 10000
N_EDGES = 320000
LATENT = 128
EDGE_IN_F = 16

def _mlp_params(key, din, dh, dout, ln):
    k1, k2 = jax.random.split(key)
    p = {'W1': jax.random.normal(k1, (din, dh), dtype=jnp.float32) * 0.05,
         'b1': jnp.zeros((dh,), jnp.float32),
         'W2': jax.random.normal(k2, (dh, dout), dtype=jnp.float32) * 0.05,
         'b2': jnp.zeros((dout,), jnp.float32)}
    if ln:
        p['gamma'] = jnp.ones((dout,), jnp.float32)
        p['beta'] = jnp.zeros((dout,), jnp.float32)
    return p

def _mlp_apply(p, x):
    h = jnp.maximum(x @ p['W1'] + p['b1'], 0.0)
    y = h @ p['W2'] + p['b2']
    if 'gamma' in p:
        mu = jnp.mean(y, axis=-1, keepdims=True)
        var = jnp.var(y, axis=-1, keepdims=True)
        y = (y - mu) / jnp.sqrt(var + 1e-5) * p['gamma'] + p['beta']
    return y

def _make_params(key):
    specs = [('edge_feat_encoder', 1 + EDGE_IN_F, LATENT, LATENT, True),
             ('node_feat_encoder', 6, LATENT, LATENT, True),
             ('interaction_encoder', 3 * LATENT, LATENT, LATENT, True),
             ('i1_decoder', LATENT, LATENT, 3, False),
             ('i2_decoder', LATENT, LATENT, 3, False),
             ('f_scaler', LATENT, LATENT, 1, False),
             ('node_weight_decoder', LATENT, LATENT, 1, False),
             ('compliance_corr_decoder', LATENT, LATENT, 3, False),
             ('inv_mass_decoder', LATENT, LATENT, 1, False),
             ('inv_inertia_decoder', LATENT, LATENT, 1, False),
             ('external_dv_decoder', LATENT, LATENT, 3, False),
             ('velocity_scaler', LATENT, LATENT, 1, False)]
    params = {}
    for i, (nm, din, dh, dout, ln) in enumerate(specs):
        params[nm] = _mlp_params(jax.random.fold_in(key, i + 100), din, dh, dout, ln)
    return params

def setup_inputs(seed: int = 0):
    key = jax.random.key(seed)
    inp = {}
    inp['edge_index'] = jax.random.randint(jax.random.fold_in(key, 0), (2, N_EDGES), 0, N_NODES, dtype=jnp.int32)
    for i, nm in enumerate(['senders_pos', 'receivers_pos', 'edge_dx_', 'vector_a', 'vector_b', 'vector_c', 'senders_v_t_', 'senders_w_t_', 'receivers_v_t_', 'receivers_w_t_']):
        inp[nm] = jax.random.normal(jax.random.fold_in(key, i + 1), (N_EDGES, 3), dtype=jnp.float32)
    inp['edge_attr'] = jax.random.normal(jax.random.fold_in(key, 20), (N_EDGES, EDGE_IN_F), dtype=jnp.float32)
    inp['node_latent'] = jax.random.normal(jax.random.fold_in(key, 21), (N_NODES, LATENT), dtype=jnp.float32)
    inp['vel'] = jax.random.normal(jax.random.fold_in(key, 22), (N_NODES, 3), dtype=jnp.float32)
    inp['params'] = _make_params(key)
    return inp

def reference(edge_index, senders_pos, receivers_pos, edge_dx_, edge_attr, vector_a, vector_b, vector_c, senders_v_t_, senders_w_t_, receivers_v_t_, receivers_w_t_, node_latent, vel, params):
    senders = edge_index[0]
    receivers = edge_index[1]
    basis = jnp.stack([vector_a, vector_b, vector_c], axis=1)
    def project(v):
        return jnp.einsum('eij,ej->ei', basis, v)
    s_vt = project(senders_v_t_)
    s_wt = project(senders_w_t_)
    r_vt = -project(receivers_v_t_)
    r_wt = -project(receivers_w_t_)
    senders_features = jnp.concatenate([s_vt, s_wt], axis=1)
    receivers_features = jnp.concatenate([r_vt, r_wt], axis=1)
    edge_features = jnp.concatenate([jnp.linalg.norm(edge_dx_, axis=1, keepdims=True), edge_attr], axis=1)
    s_lat = _mlp_apply(params['node_feat_encoder'], senders_features)
    r_lat = _mlp_apply(params['node_feat_encoder'], receivers_features)
    e_lat = _mlp_apply(params['edge_feat_encoder'], edge_features)
    interaction_latent = _mlp_apply(params['interaction_encoder'], jnp.concatenate([s_lat + r_lat, node_latent[senders] + node_latent[receivers], e_lat], axis=1))
    coeff_f = _mlp_apply(params['i1_decoder'], interaction_latent)
    coeff_a = _mlp_apply(params['i2_decoder'], interaction_latent)
    lambda_ij = _mlp_apply(params['f_scaler'], interaction_latent)
    coeff_cc = _mlp_apply(params['compliance_corr_decoder'], interaction_latent)
    fij = coeff_f[:, 0:1] * vector_a + coeff_f[:, 1:2] * vector_b + coeff_f[:, 2:3] * vector_c
    aij = coeff_a[:, 0:1] * vector_a + coeff_a[:, 1:2] * vector_b + coeff_a[:, 2:3] * vector_c
    dxij = coeff_cc[:, 0:1] * vector_a + coeff_cc[:, 1:2] * vector_b + coeff_cc[:, 2:3] * vector_c
    w_s = _mlp_apply(params['node_weight_decoder'], node_latent[senders])
    w_r = _mlp_apply(params['node_weight_decoder'], node_latent[receivers])
    denom = w_s + w_r
    r0ij = (w_s * senders_pos + w_r * receivers_pos) / denom
    lever_arm = receivers_pos - r0ij
    torque_contribution = jnp.cross(lever_arm, fij * lambda_ij, axis=1)
    tauij = aij - torque_contribution
    num_nodes = node_latent.shape[0]
    inverse_mass = _mlp_apply(params['inv_mass_decoder'], node_latent)
    inverse_inertia = _mlp_apply(params['inv_inertia_decoder'], node_latent)
    net_force = jax.ops.segment_sum(fij, receivers, num_segments=num_nodes)
    net_torque = jax.ops.segment_sum(tauij, receivers, num_segments=num_nodes)
    cnt = jax.ops.segment_sum(jnp.ones((fij.shape[0],), jnp.float32), receivers, num_segments=num_nodes)
    net_static_correction = jax.ops.segment_sum(dxij, receivers, num_segments=num_nodes) / jnp.maximum(cnt, 1.0)[:, None]
    delta_velocity = inverse_mass * net_force
    delta_velocity_ext = _mlp_apply(params['external_dv_decoder'], node_latent)
    delta_angular_velocity = inverse_inertia * net_torque
    displacement = (vel + delta_velocity_ext) * _mlp_apply(params['velocity_scaler'], node_latent) + net_static_correction
    return (delta_velocity, delta_angular_velocity, displacement, interaction_latent)

if __name__ == "__main__":
    import jax
    _d = setup_inputs()
    print(jax.jit(kernel)(*tuple(_d.values())))

</pallas_src>

<mosaic_0001>
#map = affine_map<(d0, d1) -> (0, 0)>
#map1 = affine_map<(d0, d1) -> (0)>
module attributes {stable_mosaic.version = 14 : i64} {
  func.func @_wgather_body(%arg0: i32, %arg1: i32, %arg2: memref<10000x8xf32, #tpu.memory_space<hbm>>, %arg3: memref<320000xi32, #tpu.memory_space<hbm>>, %arg4: memref<320000xi32, #tpu.memory_space<hbm>>, %arg5: memref<320000x8xf32, #tpu.memory_space<hbm>>, %arg6: memref<320000x8xf32, #tpu.memory_space<hbm>>, %arg7: memref<2000xi32, #tpu.memory_space<vmem>>, %arg8: memref<2000xi32, #tpu.memory_space<vmem>>, %arg9: memref<2000x8xf32, #tpu.memory_space<vmem>>, %arg10: memref<2000x8xf32, #tpu.memory_space<vmem>>, %arg11: memref<!tpu.dma_semaphore, #tpu.memory_space<semaphore_mem>>, %arg12: memref<!tpu.dma_semaphore, #tpu.memory_space<semaphore_mem>>) attributes {dimension_semantics = [#tpu.dimension_semantics<core_parallel>, #tpu.dimension_semantics<subcore_parallel>], iteration_bounds = array<i64: 2, 16>, scalar_prefetch = 0 : i64, scratch_operands = 6 : i64, tpu.core_type = #tpu.core_type<sc_vector_subcore>, window_params = [{transform_indices = #map}, {transform_indices = #map1}, {transform_indices = #map1}, {transform_indices = #map}, {transform_indices = #map}]} {
    %mul3A = arith.constant 2 : i32
    %mul3A_0 = arith.muli %arg1, %mul3A : i32
    %add3A = arith.addi %mul3A_0, %arg0 : i32
    %mul3A_1 = arith.constant 10000 : i32
    %mul3A_2 = arith.muli %add3A, %mul3A_1 : i32
    %scan3A = arith.constant 0 : i32
    %scan3A_3 = arith.constant 0 : i32
    %scan3A_4 = arith.constant 5 : i32
    %scan3A_5 = arith.addi %scan3A_3, %scan3A_4 : i32
    %scan3A_6 = arith.constant 1 : i32
    scf.for %scan3A_8 = %scan3A_3 to %scan3A_5 step %scan3A_6  : i32 {
      %mul3A_9 = arith.constant 2000 : i32
      %mul3A_10 = arith.muli %scan3A_8, %mul3A_9 : i32
      %add3A_11 = arith.addi %mul3A_2, %mul3A_10 : i32
      "tpu.region"() ({
        %run_scoped3A = tpu.sem_alloc : memref<!tpu.dma_semaphore, #tpu.memory_space<semaphore_mem>>
        %dma_start3A_22 = tpu.memref_slice %arg3[%add3A_11] : memref<320000xi32, #tpu.memory_space<hbm>> -> memref<2000xi32, #tpu.memory_space<hbm>>
        %dma_start3A_23 = tpu.memref_slice %arg3[%add3A_11] : memref<320000xi32, #tpu.memory_space<hbm>> -> memref<2000xi32, #tpu.memory_space<hbm>>
        tpu.enqueue_dma source(%dma_start3A_23 : memref<2000xi32, #tpu.memory_space<hbm>>) target(%arg7 : memref<2000xi32, #tpu.memory_space<vmem>>) target_semaphore(%run_scoped3A : memref<!tpu.dma_semaphore, #tpu.memory_space<semaphore_mem>>)
        %dma_wait3A_24 = tpu.memref_slice %arg3[%add3A_11] : memref<320000xi32, #tpu.memory_space<hbm>> -> memref<2000xi32, #tpu.memory_space<hbm>>
        %dma_wait3A_25 = tpu.memref_slice %arg3[%add3A_11] : memref<320000xi32, #tpu.memory_space<hbm>> -> memref<2000xi32, #tpu.memory_space<hbm>>
        tpu.wait_dma2 semaphore(%run_scoped3A : memref<!tpu.dma_semaphore, #tpu.memory_space<semaphore_mem>>) src(%dma_wait3A_25 : memref<2000xi32, #tpu.memory_space<hbm>>) dst(%arg7 : memref<2000xi32, #tpu.memory_space<vmem>>)
        tpu.yield
      }) : () -> ()
      "tpu.region"() ({
        %run_scoped3A = tpu.sem_alloc : memref<!tpu.dma_semaphore, #tpu.memory_space<semaphore_mem>>
        %dma_start3A_22 = tpu.memref_slice %arg4[%add3A_11] : memref<320000xi32, #tpu.memory_space<hbm>> -> memref<2000xi32, #tpu.memory_space<hbm>>
        %dma_start3A_23 = tpu.memref_slice %arg4[%add3A_11] : memref<320000xi32, #tpu.memory_space<hbm>> -> memref<2000xi32, #tpu.memory_space<hbm>>
        tpu.enqueue_dma source(%dma_start3A_23 : memref<2000xi32, #tpu.memory_space<hbm>>) target(%arg8 : memref<2000xi32, #tpu.memory_space<vmem>>) target_semaphore(%run_scoped3A : memref<!tpu.dma_semaphore, #tpu.memory_space<semaphore_mem>>)
        %dma_wait3A_24 = tpu.memref_slice %arg4[%add3A_11] : memref<320000xi32, #tpu.memory_space<hbm>> -> memref<2000xi32, #tpu.memory_space<hbm>>
        %dma_wait3A_25 = tpu.memref_slice %arg4[%add3A_11] : memref<320000xi32, #tpu.memory_space<hbm>> -> memref<2000xi32, #tpu.memory_space<hbm>>
        tpu.wait_dma2 semaphore(%run_scoped3A : memref<!tpu.dma_semaphore, #tpu.memory_space<semaphore_mem>>) src(%dma_wait3A_25 : memref<2000xi32, #tpu.memory_space<hbm>>) dst(%arg8 : memref<2000xi32, #tpu.memory_space<vmem>>)
        tpu.yield
      }) : () -> ()
      %dma_start3A = arith.constant 0 : i32
      %dma_start3A_12 = arith.constant 0 : i32
      %dma_start3A_13 = tpu.memref_slice %arg2[%dma_start3A, %dma_start3A_12] : memref<10000x8xf32, #tpu.memory_space<hbm>> -> memref<10000x8xf32, #tpu.memory_space<hbm>>
      tpu.enqueue_indirect_dma source(%dma_start3A_13 : memref<10000x8xf32, #tpu.memory_space<hbm>>) target(%arg9 : memref<2000x8xf32, #tpu.memory_space<vmem>>) offsets(%arg7 : memref<2000xi32, #tpu.memory_space<vmem>>) semaphore(%arg11 : memref<!tpu.dma_semaphore, #tpu.memory_space<semaphore_mem>>)
      %dma_start3A_14 = arith.constant 0 : i32
      %dma_start3A_15 = arith.constant 0 : i32
      %dma_start3A_16 = tpu.memref_slice %arg2[%dma_start3A_14, %dma_start3A_15] : memref<10000x8xf32, #tpu.memory_space<hbm>> -> memref<10000x8xf32, #tpu.memory_space<hbm>>
      tpu.enqueue_indirect_dma source(%dma_start3A_16 : memref<10000x8xf32, #tpu.memory_space<hbm>>) target(%arg10 : memref<2000x8xf32, #tpu.memory_space<vmem>>) offsets(%arg8 : memref<2000xi32, #tpu.memory_space<vmem>>) semaphore(%arg12 : memref<!tpu.dma_semaphore, #tpu.memory_space<semaphore_mem>>)
      %dma_wait3A = arith.constant 0 : i32
      %dma_wait3A_17 = arith.constant 0 : i32
      %dma_wait3A_18 = tpu.memref_slice %arg2[%dma_wait3A, %dma_wait3A_17] : memref<10000x8xf32, #tpu.memory_space<hbm>> -> memref<10000x8xf32, #tpu.memory_space<hbm>>
      tpu.wait_indirect_dma semaphore(%arg11 : memref<!tpu.dma_semaphore, #tpu.memory_space<semaphore_mem>>) src(%dma_wait3A_18 : memref<10000x8xf32, #tpu.memory_space<hbm>>) dst(%arg9 : memref<2000x8xf32, #tpu.memory_space<vmem>>)
      %dma_wait3A_19 = arith.constant 0 : i32
      %dma_wait3A_20 = arith.constant 0 : i32
      %dma_wait3A_21 = tpu.memref_slice %arg2[%dma_wait3A_19, %dma_wait3A_20] : memref<10000x8xf32, #tpu.memory_space<hbm>> -> memref<10000x8xf32, #tpu.memory_space<hbm>>
      tpu.wait_indirect_dma semaphore(%arg12 : memref<!tpu.dma_semaphore, #tpu.memory_space<semaphore_mem>>) src(%dma_wait3A_21 : memref<10000x8xf32, #tpu.memory_space<hbm>>) dst(%arg10 : memref<2000x8xf32, #tpu.memory_space<vmem>>)
      "tpu.region"() ({
        %run_scoped3A = tpu.sem_alloc : memref<!tpu.dma_semaphore, #tpu.memory_space<semaphore_mem>>
        %dma_start3A_22 = arith.constant 0 : i32
        %dma_start3A_23 = tpu.memref_slice %arg5[%add3A_11, %dma_start3A_22] : memref<320000x8xf32, #tpu.memory_space<hbm>> -> memref<2000x8xf32, #tpu.memory_space<hbm>>
        %dma_start3A_24 = arith.constant 0 : i32
        %dma_start3A_25 = tpu.memref_slice %arg5[%add3A_11, %dma_start3A_24] : memref<320000x8xf32, #tpu.memory_space<hbm>> -> memref<2000x8xf32, #tpu.memory_space<hbm>>
        tpu.enqueue_dma source(%arg9 : memref<2000x8xf32, #tpu.memory_space<vmem>>) target(%dma_start3A_25 : memref<2000x8xf32, #tpu.memory_space<hbm>>) target_semaphore(%run_scoped3A : memref<!tpu.dma_semaphore, #tpu.memory_space<semaphore_mem>>)
        %dma_wait3A_26 = arith.constant 0 : i32
        %dma_wait3A_27 = tpu.memref_slice %arg5[%add3A_11, %dma_wait3A_26] : memref<320000x8xf32, #tpu.memory_space<hbm>> -> memref<2000x8xf32, #tpu.memory_space<hbm>>
        %dma_wait3A_28 = arith.constant 0 : i32
        %dma_wait3A_29 = tpu.memref_slice %arg5[%add3A_11, %dma_wait3A_28] : memref<320000x8xf32, #tpu.memory_space<hbm>> -> memref<2000x8xf32, #tpu.memory_space<hbm>>
        tpu.wait_dma2 semaphore(%run_scoped3A : memref<!tpu.dma_semaphore, #tpu.memory_space<semaphore_mem>>) src(%arg9 : memref<2000x8xf32, #tpu.memory_space<vmem>>) dst(%dma_wait3A_29 : memref<2000x8xf32, #tpu.memory_space<hbm>>)
        tpu.yield
      }) : () -> ()
      "tpu.region"() ({
        %run_scoped3A = tpu.sem_alloc : memref<!tpu.dma_semaphore, #tpu.memory_space<semaphore_mem>>
        %dma_start3A_22 = arith.constant 0 : i32
        %dma_start3A_23 = tpu.memref_slice %arg6[%add3A_11, %dma_start3A_22] : memref<320000x8xf32, #tpu.memory_space<hbm>> -> memref<2000x8xf32, #tpu.memory_space<hbm>>
        %dma_start3A_24 = arith.constant 0 : i32
        %dma_start3A_25 = tpu.memref_slice %arg6[%add3A_11, %dma_start3A_24] : memref<320000x8xf32, #tpu.memory_space<hbm>> -> memref<2000x8xf32, #tpu.memory_space<hbm>>
        tpu.enqueue_dma source(%arg10 : memref<2000x8xf32, #tpu.memory_space<vmem>>) target(%dma_start3A_25 : memref<2000x8xf32, #tpu.memory_space<hbm>>) target_semaphore(%run_scoped3A : memref<!tpu.dma_semaphore, #tpu.memory_space<semaphore_mem>>)
        %dma_wait3A_26 = arith.constant 0 : i32
        %dma_wait3A_27 = tpu.memref_slice %arg6[%add3A_11, %dma_wait3A_26] : memref<320000x8xf32, #tpu.memory_space<hbm>> -> memref<2000x8xf32, #tpu.memory_space<hbm>>
        %dma_wait3A_28 = arith.constant 0 : i32
        %dma_wait3A_29 = tpu.memref_slice %arg6[%add3A_11, %dma_wait3A_28] : memref<320000x8xf32, #tpu.memory_space<hbm>> -> memref<2000x8xf32, #tpu.memory_space<hbm>>
        tpu.wait_dma2 semaphore(%run_scoped3A : memref<!tpu.dma_semaphore, #tpu.memory_space<semaphore_mem>>) src(%arg10 : memref<2000x8xf32, #tpu.memory_space<vmem>>) dst(%dma_wait3A_29 : memref<2000x8xf32, #tpu.memory_space<hbm>>)
        tpu.yield
      }) : () -> ()
    }
    %scan3A_7 = arith.constant 5 : i32
    return
  }
}

#map = affine_map<(d0, d1) -> (0, 0)>
#map1 = affine_map<(d0, d1) -> (0)>
module attributes {stable_mosaic.version = 14 : i64} {
  func.func @_gather_body(%arg0: i32, %arg1: i32, %arg2: memref<10000x128xf32, #tpu.memory_space<hbm>>, %arg3: memref<320000xi32, #tpu.memory_space<hbm>>, %arg4: memref<320000xi32, #tpu.memory_space<hbm>>, %arg5: memref<320000x128xf32, #tpu.memory_space<hbm>>, %arg6: memref<400xi32, #tpu.memory_space<vmem>>, %arg7: memref<400xi32, #tpu.memory_space<vmem>>, %arg8: memref<200x128xf32, #tpu.memory_space<vmem>>, %arg9: memref<200x128xf32, #tpu.memory_space<vmem>>, %arg10: memref<200x128xf32, #tpu.memory_space<vmem>>, %arg11: memref<200x128xf32, #tpu.memory_space<vmem>>, %arg12: memref<!tpu.dma_semaphore, #tpu.memory_space<semaphore_mem>>, %arg13: memref<!tpu.dma_semaphore, #tpu.memory_space<semaphore_mem>>, %arg14: memref<!tpu.dma_semaphore, #tpu.memory_space<semaphore_mem>>, %arg15: memref<!tpu.dma_semaphore, #tpu.memory_space<semaphore_mem>>, %arg16: memref<!tpu.dma_semaphore, #tpu.memory_space<semaphore_mem>>, %arg17: memref<!tpu.dma_semaphore, #tpu.memory_space<semaphore_mem>>) attributes {dimension_semantics = [#tpu.dimension_semantics<core_parallel>, #tpu.dimension_semantics<subcore_parallel>], iteration_bounds = array<i64: 2, 16>, scalar_prefetch = 0 : i64, scratch_operands = 12 : i64, tpu.core_type = #tpu.core_type<sc_vector_subcore>, window_params = [{transform_indices = #map}, {transform_indices = #map1}, {transform_indices = #map1}, {transform_indices = #map}]} {
    %mul3A = arith.constant 2 : i32
    %mul3A_0 = arith.muli %arg1, %mul3A : i32
    %add3A = arith.addi %mul3A_0, %arg0 : i32
    %mul3A_1 = arith.constant 10000 : i32
    %mul3A_2 = arith.muli %add3A, %mul3A_1 : i32
    %add3A_3 = arith.constant 0 : i32
    %add3A_4 = arith.addi %mul3A_2, %add3A_3 : i32
    "tpu.region"() ({
      %run_scoped3A = tpu.sem_alloc : memref<!tpu.dma_semaphore, #tpu.memory_space<semaphore_mem>>
      %dma_start3A_30 = tpu.memref_slice %arg3[%add3A_4] : memref<320000xi32, #tpu.memory_space<hbm>> -> memref<400xi32, #tpu.memory_space<hbm>>
      %dma_start3A_31 = tpu.memref_slice %arg3[%add3A_4] : memref<320000xi32, #tpu.memory_space<hbm>> -> memref<400xi32, #tpu.memory_space<hbm>>
      tpu.enqueue_dma source(%dma_start3A_31 : memref<400xi32, #tpu.memory_space<hbm>>) target(%arg6 : memref<400xi32, #tpu.memory_space<vmem>>) target_semaphore(%run_scoped3A : memref<!tpu.dma_semaphore, #tpu.memory_space<semaphore_mem>>)
      %dma_wait3A_32 = tpu.memref_slice %arg3[%add3A_4] : memref<320000xi32, #tpu.memory_space<hbm>> -> memref<400xi32, #tpu.memory_space<hbm>>
      %dma_wait3A_33 = tpu.memref_slice %arg3[%add3A_4] : memref<320000xi32, #tpu.memory_space<hbm>> -> memref<400xi32, #tpu.memory_space<hbm>>
      tpu.wait_dma2 semaphore(%run_scoped3A : memref<!tpu.dma_semaphore, #tpu.memory_space<semaphore_mem>>) src(%dma_wait3A_33 : memref<400xi32, #tpu.memory_space<hbm>>) dst(%arg6 : memref<400xi32, #tpu.memory_space<vmem>>)
      tpu.yield
    }) : () -> ()
    "tpu.region"() ({
      %run_scoped3A = tpu.sem_alloc : memref<!tpu.dma_semaphore, #tpu.memory_space<semaphore_mem>>
      %dma_start3A_30 = tpu.memref_slice %arg4[%add3A_4] : memref<320000xi32, #tpu.memory_space<hbm>> -> memref<400xi32, #tpu.memory_space<hbm>>
      %dma_start3A_31 = tpu.memref_slice %arg4[%add3A_4] : memref<320000xi32, #tpu.memory_space<hbm>> -> memref<400xi32, #tpu.memory_space<hbm>>
      tpu.enqueue_dma source(%dma_start3A_31 : memref<400xi32, #tpu.memory_space<hbm>>) target(%arg7 : memref<400xi32, #tpu.memory_space<vmem>>) target_semaphore(%run_scoped3A : memref<!tpu.dma_semaphore, #tpu.memory_space<semaphore_mem>>)
      %dma_wait3A_32 = tpu.memref_slice %arg4[%add3A_4] : memref<320000xi32, #tpu.memory_space<hbm>> -> memref<400xi32, #tpu.memory_space<hbm>>
      %dma_wait3A_33 = tpu.memref_slice %arg4[%add3A_4] : memref<320000xi32, #tpu.memory_space<hbm>> -> memref<400xi32, #tpu.memory_space<hbm>>
      tpu.wait_dma2 semaphore(%run_scoped3A : memref<!tpu.dma_semaphore, #tpu.memory_space<semaphore_mem>>) src(%dma_wait3A_33 : memref<400xi32, #tpu.memory_space<hbm>>) dst(%arg7 : memref<400xi32, #tpu.memory_space<vmem>>)
      tpu.yield
    }) : () -> ()
    %dma_start3A = arith.constant 0 : i32
    %dma_start3A_5 = tpu.memref_slice %arg6[%dma_start3A] : memref<400xi32, #tpu.memory_space<vmem>> -> memref<200xi32, #tpu.memory_space<vmem>>
    %dma_start3A_6 = arith.constant 0 : i32
    %dma_start3A_7 = arith.constant 0 : i32
    %dma_start3A_8 = tpu.memref_slice %arg2[%dma_start3A_6, %dma_start3A_7] : memref<10000x128xf32, #tpu.memory_space<hbm>> -> memref<10000x128xf32, #tpu.memory_space<hbm>>
    tpu.enqueue_indirect_dma source(%dma_start3A_8 : memref<10000x128xf32, #tpu.memory_space<hbm>>) target(%arg8 : memref<200x128xf32, #tpu.memory_space<vmem>>) offsets(%dma_start3A_5 : memref<200xi32, #tpu.memory_space<vmem>>) semaphore(%arg12 : memref<!tpu.dma_semaphore, #tpu.memory_space<semaphore_mem>>)
    %dma_start3A_9 = arith.constant 0 : i32
    %dma_start3A_10 = tpu.memref_slice %arg7[%dma_start3A_9] : memref<400xi32, #tpu.memory_space<vmem>> -> memref<200xi32, #tpu.memory_space<vmem>>
    %dma_start3A_11 = arith.constant 0 : i32
    %dma_start3A_12 = arith.constant 0 : i32
    %dma_start3A_13 = tpu.memref_slice %arg2[%dma_start3A_11, %dma_start3A_12] : memref<10000x128xf32, #tpu.memory_space<hbm>> -> memref<10000x128xf32, #tpu.memory_space<hbm>>
    tpu.enqueue_indirect_dma source(%dma_start3A_13 : memref<10000x128xf32, #tpu.memory_space<hbm>>) target(%arg9 : memref<200x128xf32, #tpu.memory_space<vmem>>) offsets(%dma_start3A_10 : memref<200xi32, #tpu.memory_space<vmem>>) semaphore(%arg13 : memref<!tpu.dma_semaphore, #tpu.memory_space<semaphore_mem>>)
    %scan3A = arith.constant 0 : i32
    %scan3A_14 = arith.constant 0 : i32
    %scan3A_15 = arith.constant 25 : i32
    %scan3A_16 = arith.addi %scan3A_14, %scan3A_15 : i32
    %scan3A_17 = arith.constant 1 : i32
    scf.for %scan3A_30 = %scan3A_14 to %scan3A_16 step %scan3A_17  : i32 {
      %mul3A_31 = arith.constant 2 : i32
      %mul3A_32 = arith.muli %scan3A_30, %mul3A_31 : i32
      %gt3A = arith.constant 0 : i32
      %gt3A_33 = arith.cmpi sgt, %scan3A_30, %gt3A : i32
      %convert_element_type3A = arith.extui %gt3A_33 : i1 to i32
      %cond3A = arith.constant 0 : i32
      %cond3A_34 = arith.cmpi ne, %convert_element_type3A, %cond3A : i32
      scf.if %cond3A_34 {
        %sub3A = arith.constant 1 : i32
        %sub3A_90 = arith.subi %mul3A_32, %sub3A : i32
        %mul3A_91 = arith.constant 200 : i32
        %mul3A_92 = arith.muli %sub3A_90, %mul3A_91 : i32
        %add3A_93 = arith.addi %mul3A_2, %mul3A_92 : i32
        %dma_wait3A_94 = arith.constant 0 : i32
        %dma_wait3A_95 = tpu.memref_slice %arg5[%add3A_93, %dma_wait3A_94] : memref<320000x128xf32, #tpu.memory_space<hbm>> -> memref<200x128xf32, #tpu.memory_space<hbm>>
        %dma_wait3A_96 = arith.constant 0 : i32
        %dma_wait3A_97 = tpu.memref_slice %arg5[%add3A_93, %dma_wait3A_96] : memref<320000x128xf32, #tpu.memory_space<hbm>> -> memref<200x128xf32, #tpu.memory_space<hbm>>
        tpu.wait_dma2 semaphore(%arg17 : memref<!tpu.dma_semaphore, #tpu.memory_space<semaphore_mem>>) src(%arg10 : memref<200x128xf32, #tpu.memory_space<vmem>>) dst(%dma_wait3A_97 : memref<200x128xf32, #tpu.memory_space<hbm>>)
      } else {
      }
      %dma_wait3A_35 = arith.constant 0 : i32
      %dma_wait3A_36 = tpu.memref_slice %arg6[%dma_wait3A_35] : memref<400xi32, #tpu.memory_space<vmem>> -> memref<200xi32, #tpu.memory_space<vmem>>
      %dma_wait3A_37 = arith.constant 0 : i32
      %dma_wait3A_38 = arith.constant 0 : i32
      %dma_wait3A_39 = tpu.memref_slice %arg2[%dma_wait3A_37, %dma_wait3A_38] : memref<10000x128xf32, #tpu.memory_space<hbm>> -> memref<10000x128xf32, #tpu.memory_space<hbm>>
      tpu.wait_indirect_dma semaphore(%arg12 : memref<!tpu.dma_semaphore, #tpu.memory_space<semaphore_mem>>) src(%dma_wait3A_39 : memref<10000x128xf32, #tpu.memory_space<hbm>>) dst(%arg8 : memref<200x128xf32, #tpu.memory_space<vmem>>)
      %dma_wait3A_40 = arith.constant 0 : i32
      %dma_wait3A_41 = tpu.memref_slice %arg7[%dma_wait3A_40] : memref<400xi32, #tpu.memory_space<vmem>> -> memref<200xi32, #tpu.memory_space<vmem>>
      %dma_wait3A_42 = arith.constant 0 : i32
      %dma_wait3A_43 = arith.constant 0 : i32
      %dma_wait3A_44 = tpu.memref_slice %arg2[%dma_wait3A_42, %dma_wait3A_43] : memref<10000x128xf32, #tpu.memory_space<hbm>> -> memref<10000x128xf32, #tpu.memory_space<hbm>>
      tpu.wait_indirect_dma semaphore(%arg13 : memref<!tpu.dma_semaphore, #tpu.memory_space<semaphore_mem>>) src(%dma_wait3A_44 : memref<10000x128xf32, #tpu.memory_space<hbm>>) dst(%arg9 : memref<200x128xf32, #tpu.memory_space<vmem>>)
      %dma_start3A_45 = arith.constant 200 : i32
      %dma_start3A_46 = tpu.memref_slice %arg6[%dma_start3A_45] : memref<400xi32, #tpu.memory_space<vmem>> -> memref<200xi32, #tpu.memory_space<vmem>>
      %dma_start3A_47 = arith.constant 0 : i32
      %dma_start3A_48 = arith.constant 0 : i32
      %dma_start3A_49 = tpu.memref_slice %arg2[%dma_start3A_47, %dma_start3A_48] : memref<10000x128xf32, #tpu.memory_space<hbm>> -> memref<10000x128xf32, #tpu.memory_space<hbm>>
      tpu.enqueue_indirect_dma source(%dma_start3A_49 : memref<10000x128xf32, #tpu.memory_space<hbm>>) target(%arg10 : memref<200x128xf32, #tpu.memory_space<vmem>>) offsets(%dma_start3A_46 : memref<200xi32, #tpu.memory_space<vmem>>) semaphore(%arg15 : memref<!tpu.dma_semaphore, #tpu.memory_space<semaphore_mem>>)
      %dma_start3A_50 = arith.constant 200 : i32
      %dma_start3A_51 = tpu.memref_slice %arg7[%dma_start3A_50] : memref<400xi32, #tpu.memory_space<vmem>> -> memref<200xi32, #tpu.memory_space<vmem>>
      %dma_start3A_52 = arith.constant 0 : i32
      %dma_start3A_53 = arith.constant 0 : i32
      %dma_start3A_54 = tpu.memref_slice %arg2[%dma_start3A_52, %dma_start3A_53] : memref<10000x128xf32, #tpu.memory_space<hbm>> -> memref<10000x128xf32, #tpu.memory_space<hbm>>
      tpu.enqueue_indirect_dma source(%dma_start3A_54 : memref<10000x128xf32, #tpu.memory_space<hbm>>) target(%arg11 : memref<200x128xf32, #tpu.memory_space<vmem>>) offsets(%dma_start3A_51 : memref<200xi32, #tpu.memory_space<vmem>>) semaphore(%arg16 : memref<!tpu.dma_semaphore, #tpu.memory_space<semaphore_mem>>)
      %mul3A_55 = arith.constant 200 : i32
      %mul3A_56 = arith.muli %mul3A_32, %mul3A_55 : i32
      %add3A_57 = arith.addi %mul3A_2, %mul3A_56 : i32
      %parallel_loop3A = arith.constant 0 : i32
      %parallel_loop3A_58 = arith.constant 200 : i32
      %parallel_loop3A_59 = arith.constant 1 : i32
      scf.for %parallel_loop3A_90 = %parallel_loop3A to %parallel_loop3A_58 step %parallel_loop3A_59  : i32 {
        %parallel_loop3A_91 = arith.index_cast %parallel_loop3A_90 : i32 to index
        %parallel_loop3A_92 = arith.constant 0 : index
        %parallel_loop3A_93 = tpu.vector_load %arg8[%parallel_loop3A_91, %parallel_loop3A_92] {strides = array<i32>} : memref<200x128xf32, #tpu.memory_space<vmem>>, vector<1x16xf32>,
        %parallel_loop3A_94 = vector.shape_cast %parallel_loop3A_93 : vector<1x16xf32> to vector<16xf32>
        %parallel_loop3A_95 = arith.index_cast %parallel_loop3A_90 : i32 to index
        %parallel_loop3A_96 = arith.constant 0 : index
        %parallel_loop3A_97 = tpu.vector_load %arg9[%parallel_loop3A_95, %parallel_loop3A_96] {strides = array<i32>} : memref<200x128xf32, #tpu.memory_space<vmem>>, vector<1x16xf32>,
        %parallel_loop3A_98 = vector.shape_cast %parallel_loop3A_97 : vector<1x16xf32> to vector<16xf32>
        %parallel_loop3A_99 = arith.addf %parallel_loop3A_94, %parallel_loop3A_98 : vector<16xf32>
        %parallel_loop3A_100 = arith.index_cast %parallel_loop3A_90 : i32 to index
        %parallel_loop3A_101 = arith.constant 0 : index
        %parallel_loop3A_102 = tpu.vector_load %arg8[%parallel_loop3A_100, %parallel_loop3A_101] {strides = array<i32>} : memref<200x128xf32, #tpu.memory_space<vmem>>, vector<1x16xf32>,
        %parallel_loop3A_103 = vector.shape_cast %parallel_loop3A_102 : vector<1x16xf32> to vector<16xf32>
        %parallel_loop3A_104 = vector.shape_cast %parallel_loop3A_99 : vector<16xf32> to vector<1x16xf32>
        tpu.vector_store %arg8[%parallel_loop3A_100, %parallel_loop3A_101], %parallel_loop3A_104 {strides = array<i32>} : memref<200x128xf32, #tpu.memory_space<vmem>>, vector<1x16xf32>,
        %parallel_loop3A_105 = arith.index_cast %parallel_loop3A_90 : i32 to index
        %parallel_loop3A_106 = arith.constant 16 : index
        %parallel_loop3A_107 = tpu.vector_load %arg8[%parallel_loop3A_105, %parallel_loop3A_106] {strides = array<i32>} : memref<200x128xf32, #tpu.memory_space<vmem>>, vector<1x16xf32>,
        %parallel_loop3A_108 = vector.shape_cast %parallel_loop3A_107 : vector<1x16xf32> to vector<16xf32>
        %parallel_loop3A_109 = arith.index_cast %parallel_loop3A_90 : i32 to index
        %parallel_loop3A_110 = arith.constant 16 : index
        %parallel_loop3A_111 = tpu.vector_load %arg9[%parallel_loop3A_109, %parallel_loop3A_110] {strides = array<i32>} : memref<200x128xf32, #tpu.memory_space<vmem>>, vector<1x16xf32>,
        %parallel_loop3A_112 = vector.shape_cast %parallel_loop3A_111 : vector<1x16xf32> to vector<16xf32>
        %parallel_loop3A_113 = arith.addf %parallel_loop3A_108, %parallel_loop3A_112 : vector<16xf32>
        %parallel_loop3A_114 = arith.index_cast %parallel_loop3A_90 : i32 to index
        %parallel_loop3A_115 = arith.constant 16 : index
        %parallel_loop3A_116 = tpu.vector_load %arg8[%parallel_loop3A_114, %parallel_loop3A_115] {strides = array<i32>} : memref<200x128xf32, #tpu.memory_space<vmem>>, vector<1x16xf32>,
        %parallel_loop3A_117 = vector.shape_cast %parallel_loop3A_116 : vector<1x16xf32> to vector<16xf32>
        %parallel_loop3A_118 = vector.shape_cast %parallel_loop3A_113 : vector<16xf32> to vector<1x16xf32>
        tpu.vector_store %arg8[%parallel_loop3A_114, %parallel_loop3A_115], %parallel_loop3A_118 {strides = array<i32>} : memref<200x128xf32, #tpu.memory_space<vmem>>, vector<1x16xf32>,
        %parallel_loop3A_119 = arith.index_cast %parallel_loop3A_90 : i32 to index
        %parallel_loop3A_120 = arith.constant 32 : index
        %parallel_loop3A_121 = tpu.vector_load %arg8[%parallel_loop3A_119, %parallel_loop3A_120] {strides = array<i32>} : memref<200x128xf32, #tpu.memory_space<vmem>>, vector<1x16xf32>,
        %parallel_loop3A_122 = vector.shape_cast %parallel_loop3A_121 : vector<1x16xf32> to vector<16xf32>
        %parallel_loop3A_123 = arith.index_cast %parallel_loop3A_90 : i32 to index
        %parallel_loop3A_124 = arith.constant 32 : index
        %parallel_loop3A_125 = tpu.vector_load %arg9[%parallel_loop3A_123, %parallel_loop3A_124] {strides = array<i32>} : memref<200x128xf32, #tpu.memory_space<vmem>>, vector<1x16xf32>,
        %parallel_loop3A_126 = vector.shape_cast %parallel_loop3A_125 : vector<1x16xf32> to vector<16xf32>
        %parallel_loop3A_127 = arith.addf %parallel_loop3A_122, %parallel_loop3A_126 : vector<16xf32>
        %parallel_loop3A_128 = arith.index_cast %parallel_loop3A_90 : i32 to index
        %parallel_loop3A_129 = arith.constant 32 : index
        %parallel_loop3A_130 = tpu.vector_load %arg8[%parallel_loop3A_128, %parallel_loop3A_129] {strides = array<i32>} : memref<200x128xf32, #tpu.memory_space<vmem>>, vector<1x16xf32>,
        %parallel_loop3A_131 = vector.shape_cast %parallel_loop3A_130 : vector<1x16xf32> to vector<16xf32>
        %parallel_loop3A_132 = vector.shape_cast %parallel_loop3A_127 : vector<16xf32> to vector<1x16xf32>
        tpu.vector_store %arg8[%parallel_loop3A_128, %parallel_loop3A_129], %parallel_loop3A_132 {strides = array<i32>} : memref<200x128xf32, #tpu.memory_space<vmem>>, vector<1x16xf32>,
        %parallel_loop3A_133 = arith.index_cast %parallel_loop3A_90 : i32 to index
        %parallel_loop3A_134 = arith.constant 48 : index
        %parallel_loop3A_135 = tpu.vector_load %arg8[%parallel_loop3A_133, %parallel_loop3A_134] {strides = array<i32>} : memref<200x128xf32, #tpu.memory_space<vmem>>, vector<1x16xf32>,
        %parallel_loop3A_136 = vector.shape_cast %parallel_loop3A_135 : vector<1x16xf32> to vector<16xf32>
        %parallel_loop3A_137 = arith.index_cast %parallel_loop3A_90 : i32 to index
        %parallel_loop3A_138 = arith.constant 48 : index
        %parallel_loop3A_139 = tpu.vector_load %arg9[%parallel_loop3A_137, %parallel_loop3A_138] {strides = array<i32>} : memref<200x128xf32, #tpu.memory_space<vmem>>, vector<1x16xf32>,
        %parallel_loop3A_140 = vector.shape_cast %parallel_loop3A_139 : vector<1x16xf32> to vector<16xf32>
        %parallel_loop3A_141 = arith.addf %parallel_loop3A_136, %parallel_loop3A_140 : vector<16xf32>
        %parallel_loop3A_142 = arith.index_cast %parallel_loop3A_90 : i32 to index
        %parallel_loop3A_143 = arith.constant 48 : index
        %parallel_loop3A_144 = tpu.vector_load %arg8[%parallel_loop3A_142, %parallel_loop3A_143] {strides = array<i32>} : memref<200x128xf32, #tpu.memory_space<vmem>>, vector<1x16xf32>,
        %parallel_loop3A_145 = vector.shape_cast %parallel_loop3A_144 : vector<1x16xf32> to vector<16xf32>
        %parallel_loop3A_146 = vector.shape_cast %parallel_loop3A_141 : vector<16xf32> to vector<1x16xf32>
        tpu.vector_store %arg8[%parallel_loop3A_142, %parallel_loop3A_143], %parallel_loop3A_146 {strides = array<i32>} : memref<200x128xf32, #tpu.memory_space<vmem>>, vector<1x16xf32>,
        %parallel_loop3A_147 = arith.index_cast %parallel_loop3A_90 : i32 to index
        %parallel_loop3A_148 = arith.constant 64 : index
        %parallel_loop3A_149 = tpu.vector_load %arg8[%parallel_loop3A_147, %parallel_loop3A_148] {strides = array<i32>} : memref<200x128xf32, #tpu.memory_space<vmem>>, vector<1x16xf32>,
        %parallel_loop3A_150 = vector.shape_cast %parallel_loop3A_149 : vector<1x16xf32> to vector<16xf32>
        %parallel_loop3A_151 = arith.index_cast %parallel_loop3A_90 : i32 to index
        %parallel_loop3A_152 = arith.constant 64 : index
        %parallel_loop3A_153 = tpu.vector_load %arg9[%parallel_loop3A_151, %parallel_loop3A_152] {strides = array<i32>} : memref<200x128xf32, #tpu.memory_space<vmem>>, vector<1x16xf32>,
        %parallel_loop3A_154 = vector.shape_cast %parallel_loop3A_153 : vector<1x16xf32> to vector<16xf32>
        %parallel_loop3A_155 = arith.addf %parallel_loop3A_150, %parallel_loop3A_154 : vector<16xf32>
        %parallel_loop3A_156 = arith.index_cast %parallel_loop3A_90 : i32 to index
        %parallel_loop3A_157 = arith.constant 64 : index
        %parallel_loop3A_158 = tpu.vector_load %arg8[%parallel_loop3A_156, %parallel_loop3A_157] {strides = array<i32>} : memref<200x128xf32, #tpu.memory_space<vmem>>, vector<1x16xf32>,
        %parallel_loop3A_159 = vector.shape_cast %parallel_loop3A_158 : vector<1x16xf32> to vector<16xf32>
        %parallel_loop3A_160 = vector.shape_cast %parallel_loop3A_155 : vector<16xf32> to vector<1x16xf32>
        tpu.vector_store %arg8[%parallel_loop3A_156, %parallel_loop3A_157], %parallel_loop3A_160 {strides = array<i32>} : memref<200x128xf32, #tpu.memory_space<vmem>>, vector<1x16xf32>,
        %parallel_loop3A_161 = arith.index_cast %parallel_loop3A_90 : i32 to index
        %parallel_loop3A_162 = arith.constant 80 : index
        %parallel_loop3A_163 = tpu.vector_load %arg8[%parallel_loop3A_161, %parallel_loop3A_162] {strides = array<i32>} : memref<200x128xf32, #tpu.memory_space<vmem>>, vector<1x16xf32>,
        %parallel_loop3A_164 = vector.shape_cast %parallel_loop3A_163 : vector<1x16xf32> to vector<16xf32>
        %parallel_loop3A_165 = arith.index_cast %parallel_loop3A_90 : i32 to index
        %parallel_loop3A_166 = arith.constant 80 : index
        %parallel_loop3A_167 = tpu.vector_load %arg9[%parallel_loop3A_165, %parallel_loop3A_166] {strides = array<i32>} : memref<200x128xf32, #tpu.memory_space<vmem>>, vector<1x16xf32>,
        %parallel_loop3A_168 = vector.shape_cast %parallel_loop3A_167 : vector<1x16xf32> to vector<16xf32>
        %parallel_loop3A_169 = arith.addf %parallel_loop3A_164, %parallel_loop3A_168 : vector<16xf32>
        %parallel_loop3A_170 = arith.index_cast %parallel_loop3A_90 : i32 to index
        %parallel_loop3A_171 = arith.constant 80 : index
        %parallel_loop3A_172 = tpu.vector_load %arg8[%parallel_loop3A_170, %parallel_loop3A_171] {strides = array<i32>} : memref<200x128xf32, #tpu.memory_space<vmem>>, vector<1x16xf32>,
        %parallel_loop3A_173 = vector.shape_cast %parallel_loop3A_172 : vector<1x16xf32> to vector<16xf32>
        %parallel_loop3A_174 = vector.shape_cast %parallel_loop3A_169 : vector<16xf32> to vector<1x16xf32>
        tpu.vector_store %arg8[%parallel_loop3A_170, %parallel_loop3A_171], %parallel_loop3A_174 {strides = array<i32>} : memref<200x128xf32, #tpu.memory_space<vmem>>, vector<1x16xf32>,
        %parallel_loop3A_175 = arith.index_cast %parallel_loop3A_90 : i32 to index
        %parallel_loop3A_176 = arith.constant 96 : index
        %parallel_loop3A_177 = tpu.vector_load %arg8[%parallel_loop3A_175, %parallel_loop3A_176] {strides = array<i32>} : memref<200x128xf32, #tpu.memory_space<vmem>>, vector<1x16xf32>,
        %parallel_loop3A_178 = vector.shape_cast %parallel_loop3A_177 : vector<1x16xf32> to vector<16xf32>
        %parallel_loop3A_179 = arith.index_cast %parallel_loop3A_90 : i32 to index
        %parallel_loop3A_180 = arith.constant 96 : index
        %parallel_loop3A_181 = tpu.vector_load %arg9[%parallel_loop3A_179, %parallel_loop3A_180] {strides = array<i32>} : memref<200x128xf32, #tpu.memory_space<vmem>>, vector<1x16xf32>,
        %parallel_loop3A_182 = vector.shape_cast %parallel_loop3A_181 : vector<1x16xf32> to vector<16xf32>
        %parallel_loop3A_183 = arith.addf %parallel_loop3A_178, %parallel_loop3A_182 : vector<16xf32>
        %parallel_loop3A_184 = arith.index_cast %parallel_loop3A_90 : i32 to index
        %parallel_loop3A_185 = arith.constant 96 : index
        %parallel_loop3A_186 = tpu.vector_load %arg8[%parallel_loop3A_184, %parallel_loop3A_185] {strides = array<i32>} : memref<200x128xf32, #tpu.memory_space<vmem>>, vector<1x16xf32>,
        %parallel_loop3A_187 = vector.shape_cast %parallel_loop3A_186 : vector<1x16xf32> to vector<16xf32>
        %parallel_loop3A_188 = vector.shape_cast %parallel_loop3A_183 : vector<16xf32> to vector<1x16xf32>
        tpu.vector_store %arg8[%parallel_loop3A_184, %parallel_loop3A_185], %parallel_loop3A_188 {strides = array<i32>} : memref<200x128xf32, #tpu.memory_space<vmem>>, vector<1x16xf32>,
        %parallel_loop3A_189 = arith.index_cast %parallel_loop3A_90 : i32 to index
        %parallel_loop3A_190 = arith.constant 112 : index
        %parallel_loop3A_191 = tpu.vector_load %arg8[%parallel_loop3A_189, %parallel_loop3A_190] {strides = array<i32>} : memref<200x128xf32, #tpu.memory_space<vmem>>, vector<1x16xf32>,
        %parallel_loop3A_192 = vector.shape_cast %parallel_loop3A_191 : vector<1x16xf32> to vector<16xf32>
        %parallel_loop3A_193 = arith.index_cast %parallel_loop3A_90 : i32 to index
        %parallel_loop3A_194 = arith.constant 112 : index
        %parallel_loop3A_195 = tpu.vector_load %arg9[%parallel_loop3A_193, %parallel_loop3A_194] {strides = array<i32>} : memref<200x128xf32, #tpu.memory_space<vmem>>, vector<1x16xf32>,
        %parallel_loop3A_196 = vector.shape_cast %parallel_loop3A_195 : vector<1x16xf32> to vector<16xf32>
        %parallel_loop3A_197 = arith.addf %parallel_loop3A_192, %parallel_loop3A_196 : vector<16xf32>
        %parallel_loop3A_198 = arith.index_cast %parallel_loop3A_90 : i32 to index
        %parallel_loop3A_199 = arith.constant 112 : index
        %parallel_loop3A_200 = tpu.vector_load %arg8[%parallel_loop3A_198, %parallel_loop3A_199] {strides = array<i32>} : memref<200x128xf32, #tpu.memory_space<vmem>>, vector<1x16xf32>,
        %parallel_loop3A_201 = vector.shape_cast %parallel_loop3A_200 : vector<1x16xf32> to vector<16xf32>
        %parallel_loop3A_202 = vector.shape_cast %parallel_loop3A_197 : vector<16xf32> to vector<1x16xf32>
        tpu.vector_store %arg8[%parallel_loop3A_198, %parallel_loop3A_199], %parallel_loop3A_202 {strides = array<i32>} : memref<200x128xf32, #tpu.memory_space<vmem>>, vector<1x16xf32>,
      } {sc.loop_unroll_factor = 4 : i64, sc.parallel_access}
      %dma_start3A_60 = arith.constant 0 : i32
      %dma_start3A_61 = tpu.memref_slice %arg5[%add3A_57, %dma_start3A_60] : memref<320000x128xf32, #tpu.memory_space<hbm>> -> memref<200x128xf32, #tpu.memory_space<hbm>>
      %dma_start3A_62 = arith.constant 0 : i32
      %dma_start3A_63 = tpu.memref_slice %arg5[%add3A_57, %dma_start3A_62] : memref<320000x128xf32, #tpu.memory_space<hbm>> -> memref<200x128xf32, #tpu.memory_space<hbm>>
      tpu.enqueue_dma source(%arg8 : memref<200x128xf32, #tpu.memory_space<vmem>>) target(%dma_start3A_63 : memref<200x128xf32, #tpu.memory_space<hbm>>) target_semaphore(%arg14 : memref<!tpu.dma_semaphore, #tpu.memory_space<semaphore_mem>>)
      %dma_wait3A_64 = arith.constant 200 : i32
      %dma_wait3A_65 = tpu.memref_slice %arg6[%dma_wait3A_64] : memref<400xi32, #tpu.memory_space<vmem>> -> memref<200xi32, #tpu.memory_space<vmem>>
      %dma_wait3A_66 = arith.constant 0 : i32
      %dma_wait3A_67 = arith.constant 0 : i32
      %dma_wait3A_68 = tpu.memref_slice %arg2[%dma_wait3A_66, %dma_wait3A_67] : memref<10000x128xf32, #tpu.memory_space<hbm>> -> memref<10000x128xf32, #tpu.memory_space<hbm>>
      tpu.wait_indirect_dma semaphore(%arg15 : memref<!tpu.dma_semaphore, #tpu.memory_space<semaphore_mem>>) src(%dma_wait3A_68 : memref<10000x128xf32, #tpu.memory_space<hbm>>) dst(%arg10 : memref<200x128xf32, #tpu.memory_space<vmem>>)
      %dma_wait3A_69 = arith.constant 200 : i32
      %dma_wait3A_70 = tpu.memref_slice %arg7[%dma_wait3A_69] : memref<400xi32, #tpu.memory_space<vmem>> -> memref<200xi32, #tpu.memory_space<vmem>>
      %dma_wait3A_71 = arith.constant 0 : i32
      %dma_wait3A_72 = arith.constant 0 : i32
      %dma_wait3A_73 = tpu.memref_slice %arg2[%dma_wait3A_71, %dma_wait3A_72] : memref<10000x128xf32, #tpu.memory_space<hbm>> -> memref<10000x128xf32, #tpu.memory_space<hbm>>
      tpu.wait_indirect_dma semaphore(%arg16 : memref<!tpu.dma_semaphore, #tpu.memory_space<semaphore_mem>>) src(%dma_wait3A_73 : memref<10000x128xf32, #tpu.memory_space<hbm>>) dst(%arg11 : memref<200x128xf32, #tpu.memory_space<vmem>>)
      %lt3A = arith.constant 24 : i32
      %lt3A_74 = arith.cmpi slt, %scan3A_30, %lt3A : i32
      %convert_element_type3A_75 = arith.extui %lt3A_74 : i1 to i32
      %cond3A_76 = arith.constant 0 : i32
      %cond3A_77 = arith.cmpi ne, %convert_element_type3A_75, %cond3A_76 : i32
      scf.if %cond3A_77 {
        %add3A_90 = arith.constant 1 : i32
        %add3A_91 = arith.addi %scan3A_30, %add3A_90 : i32
        %mul3A_92 = arith.constant 2 : i32
        %mul3A_93 = arith.muli %add3A_91, %mul3A_92 : i32
        %mul3A_94 = arith.constant 200 : i32
        %mul3A_95 = arith.muli %mul3A_93, %mul3A_94 : i32
        %add3A_96 = arith.addi %mul3A_2, %mul3A_95 : i32
        "tpu.region"() ({
          %run_scoped3A = tpu.sem_alloc : memref<!tpu.dma_semaphore, #tpu.memory_space<semaphore_mem>>
          %dma_start3A_114 = tpu.memref_slice %arg3[%add3A_96] : memref<320000xi32, #tpu.memory_space<hbm>> -> memref<400xi32, #tpu.memory_space<hbm>>
          %dma_start3A_115 = tpu.memref_slice %arg3[%add3A_96] : memref<320000xi32, #tpu.memory_space<hbm>> -> memref<400xi32, #tpu.memory_space<hbm>>
          tpu.enqueue_dma source(%dma_start3A_115 : memref<400xi32, #tpu.memory_space<hbm>>) target(%arg6 : memref<400xi32, #tpu.memory_space<vmem>>) target_semaphore(%run_scoped3A : memref<!tpu.dma_semaphore, #tpu.memory_space<semaphore_mem>>)
          %dma_wait3A_116 = tpu.memref_slice %arg3[%add3A_96] : memref<320000xi32, #tpu.memory_space<hbm>> -> memref<400xi32, #tpu.memory_space<hbm>>
          %dma_wait3A_117 = tpu.memref_slice %arg3[%add3A_96] : memref<320000xi32, #tpu.memory_space<hbm>> -> memref<400xi32, #tpu.memory_space<hbm>>
          tpu.wait_dma2 semaphore(%run_scoped3A : memref<!tpu.dma_semaphore, #tpu.memory_space<semaphore_mem>>) src(%dma_wait3A_117 : memref<400xi32, #tpu.memory_space<hbm>>) dst(%arg6 : memref<400xi32, #tpu.memory_space<vmem>>)
          tpu.yield
        }) : () -> ()
        "tpu.region"() ({
          %run_scoped3A = tpu.sem_alloc : memref<!tpu.dma_semaphore, #tpu.memory_space<semaphore_mem>>
          %dma_start3A_114 = tpu.memref_slice %arg4[%add3A_96] : memref<320000xi32, #tpu.memory_space<hbm>> -> memref<400xi32, #tpu.memory_space<hbm>>
          %dma_start3A_115 = tpu.memref_slice %arg4[%add3A_96] : memref<320000xi32, #tpu.memory_space<hbm>> -> memref<400xi32, #tpu.memory_space<hbm>>
          tpu.enqueue_dma source(%dma_start3A_115 : memref<400xi32, #tpu.memory_space<hbm>>) target(%arg7 : memref<400xi32, #tpu.memory_space<vmem>>) target_semaphore(%run_scoped3A : memref<!tpu.dma_semaphore, #tpu.memory_space<semaphore_mem>>)
          %dma_wait3A_116 = tpu.memref_slice %arg4[%add3A_96] : memref<320000xi32, #tpu.memory_space<hbm>> -> memref<400xi32, #tpu.memory_space<hbm>>
          %dma_wait3A_117 = tpu.memref_slice %arg4[%add3A_96] : memref<320000xi32, #tpu.memory_space<hbm>> -> memref<400xi32, #tpu.memory_space<hbm>>
          tpu.wait_dma2 semaphore(%run_scoped3A : memref<!tpu.dma_semaphore, #tpu.memory_space<semaphore_mem>>) src(%dma_wait3A_117 : memref<400xi32, #tpu.memory_space<hbm>>) dst(%arg7 : memref<400xi32, #tpu.memory_space<vmem>>)
          tpu.yield
        }) : () -> ()
        %mul3A_97 = arith.constant 200 : i32
        %mul3A_98 = arith.muli %mul3A_32, %mul3A_97 : i32
        %add3A_99 = arith.addi %mul3A_2, %mul3A_98 : i32
        %dma_wait3A_100 = arith.constant 0 : i32
        %dma_wait3A_101 = tpu.memref_slice %arg5[%add3A_99, %dma_wait3A_100] : memref<320000x128xf32, #tpu.memory_space<hbm>> -> memref<200x128xf32, #tpu.memory_space<hbm>>
        %dma_wait3A_102 = arith.constant 0 : i32
        %dma_wait3A_103 = tpu.memref_slice %arg5[%add3A_99, %dma_wait3A_102] : memref<320000x128xf32, #tpu.memory_space<hbm>> -> memref<200x128xf32, #tpu.memory_space<hbm>>
        tpu.wait_dma2 semaphore(%arg14 : memref<!tpu.dma_semaphore, #tpu.memory_space<semaphore_mem>>) src(%arg8 : memref<200x128xf32, #tpu.memory_space<vmem>>) dst(%dma_wait3A_103 : memref<200x128xf32, #tpu.memory_space<hbm>>)
        %dma_start3A_104 = arith.constant 0 : i32
        %dma_start3A_105 = tpu.memref_slice %arg6[%dma_start3A_104] : memref<400xi32, #tpu.memory_space<vmem>> -> memref<200xi32, #tpu.memory_space<vmem>>
        %dma_start3A_106 = arith.constant 0 : i32
        %dma_start3A_107 = arith.constant 0 : i32
        %dma_start3A_108 = tpu.memref_slice %arg2[%dma_start3A_106, %dma_start3A_107] : memref<10000x128xf32, #tpu.memory_space<hbm>> -> memref<10000x128xf32, #tpu.memory_space<hbm>>
        tpu.enqueue_indirect_dma source(%dma_start3A_108 : memref<10000x128xf32, #tpu.memory_space<hbm>>) target(%arg8 : memref<200x128xf32, #tpu.memory_space<vmem>>) offsets(%dma_start3A_105 : memref<200xi32, #tpu.memory_space<vmem>>) semaphore(%arg12 : memref<!tpu.dma_semaphore, #tpu.memory_space<semaphore_mem>>)
        %dma_start3A_109 = arith.constant 0 : i32
        %dma_start3A_110 = tpu.memref_slice %arg7[%dma_start3A_109] : memref<400xi32, #tpu.memory_space<vmem>> -> memref<200xi32, #tpu.memory_space<vmem>>
        %dma_start3A_111 = arith.constant 0 : i32
        %dma_start3A_112 = arith.constant 0 : i32
        %dma_start3A_113 = tpu.memref_slice %arg2[%dma_start3A_111, %dma_start3A_112] : memref<10000x128xf32, #tpu.memory_space<hbm>> -> memref<10000x128xf32, #tpu.memory_space<hbm>>
        tpu.enqueue_indirect_dma source(%dma_start3A_113 : memref<10000x128xf32, #tpu.memory_space<hbm>>) target(%arg9 : memref<200x128xf32, #tpu.memory_space<vmem>>) offsets(%dma_start3A_110 : memref<200xi32, #tpu.memory_space<vmem>>) semaphore(%arg13 : memref<!tpu.dma_semaphore, #tpu.memory_space<semaphore_mem>>)
      } else {
      }
      %add3A_78 = arith.constant 1 : i32
      %add3A_79 = arith.addi %mul3A_32, %add3A_78 : i32
      %mul3A_80 = arith.constant 200 : i32
      %mul3A_81 = arith.muli %add3A_79, %mul3A_80 : i32
      %add3A_82 = arith.addi %mul3A_2, %mul3A_81 : i32
      %parallel_loop3A_83 = arith.constant 0 : i32
      %parallel_loop3A_84 = arith.constant 200 : i32
      %parallel_loop3A_85 = arith.constant 1 : i32
      scf.for %parallel_loop3A_90 = %parallel_loop3A_83 to %parallel_loop3A_84 step %parallel_loop3A_85  : i32 {
        %parallel_loop3A_91 = arith.index_cast %parallel_loop3A_90 : i32 to index
        %parallel_loop3A_92 = arith.constant 0 : index
        %parallel_loop3A_93 = tpu.vector_load %arg10[%parallel_loop3A_91, %parallel_loop3A_92] {strides = array<i32>} : memref<200x128xf32, #tpu.memory_space<vmem>>, vector<1x16xf32>,
        %parallel_loop3A_94 = vector.shape_cast %parallel_loop3A_93 : vector<1x16xf32> to vector<16xf32>
        %parallel_loop3A_95 = arith.index_cast %parallel_loop3A_90 : i32 to index
        %parallel_loop3A_96 = arith.constant 0 : index
        %parallel_loop3A_97 = tpu.vector_load %arg11[%parallel_loop3A_95, %parallel_loop3A_96] {strides = array<i32>} : memref<200x128xf32, #tpu.memory_space<vmem>>, vector<1x16xf32>,
        %parallel_loop3A_98 = vector.shape_cast %parallel_loop3A_97 : vector<1x16xf32> to vector<16xf32>
        %parallel_loop3A_99 = arith.addf %parallel_loop3A_94, %parallel_loop3A_98 : vector<16xf32>
        %parallel_loop3A_100 = arith.index_cast %parallel_loop3A_90 : i32 to index
        %parallel_loop3A_101 = arith.constant 0 : index
        %parallel_loop3A_102 = tpu.vector_load %arg10[%parallel_loop3A_100, %parallel_loop3A_101] {strides = array<i32>} : memref<200x128xf32, #tpu.memory_space<vmem>>, vector<1x16xf32>,
        %parallel_loop3A_103 = vector.shape_cast %parallel_loop3A_102 : vector<1x16xf32> to vector<16xf32>
        %parallel_loop3A_104 = vector.shape_cast %parallel_loop3A_99 : vector<16xf32> to vector<1x16xf32>
        tpu.vector_store %arg10[%parallel_loop3A_100, %parallel_loop3A_101], %parallel_loop3A_104 {strides = array<i32>} : memref<200x128xf32, #tpu.memory_space<vmem>>, vector<1x16xf32>,
        %parallel_loop3A_105 = arith.index_cast %parallel_loop3A_90 : i32 to index
        %parallel_loop3A_106 = arith.constant 16 : index
        %parallel_loop3A_107 = tpu.vector_load %arg10[%parallel_loop3A_105, %parallel_loop3A_106] {strides = array<i32>} : memref<200x128xf32, #tpu.memory_space<vmem>>, vector<1x16xf32>,
        %parallel_loop3A_108 = vector.shape_cast %parallel_loop3A_107 : vector<1x16xf32> to vector<16xf32>
        %parallel_loop3A_109 = arith.index_cast %parallel_loop3A_90 : i32 to index
        %parallel_loop3A_110 = arith.constant 16 : index
        %parallel_loop3A_111 = tpu.vector_load %arg11[%parallel_loop3A_109, %parallel_loop3A_110] {strides = array<i32>} : memref<200x128xf32, #tpu.memory_space<vmem>>, vector<1x16xf32>,
        %parallel_loop3A_112 = vector.shape_cast %parallel_loop3A_111 : vector<1x16xf32> to vector<16xf32>
        %parallel_loop3A_113 = arith.addf %parallel_loop3A_108, %parallel_loop3A_112 : vector<16xf32>
        %parallel_loop3A_114 = arith.index_cast %parallel_loop3A_90 : i32 to index
        %parallel_loop3A_115 = arith.constant 16 : index
        %parallel_loop3A_116 = tpu.vector_load %arg10[%parallel_loop3A_114, %parallel_loop3A_115] {strides = array<i32>} : memref<200x128xf32, #tpu.memory_space<vmem>>, vector<1x16xf32>,
        %parallel_loop3A_117 = vector.shape_cast %parallel_loop3A_116 : vector<1x16xf32> to vector<16xf32>
        %parallel_loop3A_118 = vector.shape_cast %parallel_loop3A_113 : vector<16xf32> to vector<1x16xf32>
        tpu.vector_store %arg10[%parallel_loop3A_114, %parallel_loop3A_115], %parallel_loop3A_118 {strides = array<i32>} : memref<200x128xf32, #tpu.memory_space<vmem>>, vector<1x16xf32>,
        %parallel_loop3A_119 = arith.index_cast %parallel_loop3A_90 : i32 to index
        %parallel_loop3A_120 = arith.constant 32 : index
        %parallel_loop3A_121 = tpu.vector_load %arg10[%parallel_loop3A_119, %parallel_loop3A_120] {strides = array<i32>} : memref<200x128xf32, #tpu.memory_space<vmem>>, vector<1x16xf32>,
        %parallel_loop3A_122 = vector.shape_cast %parallel_loop3A_121 : vector<1x16xf32> to vector<16xf32>
        %parallel_loop3A_123 = arith.index_cast %parallel_loop3A_90 : i32 to index
        %parallel_loop3A_124 = arith.constant 32 : index
        %parallel_loop3A_125 = tpu.vector_load %arg11[%parallel_loop3A_123, %parallel_loop3A_124] {strides = array<i32>} : memref<200x128xf32, #tpu.memory_space<vmem>>, vector<1x16xf32>,
        %parallel_loop3A_126 = vector.shape_cast %parallel_loop3A_125 : vector<1x16xf32> to vector<16xf32>
        %parallel_loop3A_127 = arith.addf %parallel_loop3A_122, %parallel_loop3A_126 : vector<16xf32>
        %parallel_loop3A_128 = arith.index_cast %parallel_loop3A_90 : i32 to index
        %parallel_loop3A_129 = arith.constant 32 : index
        %parallel_loop3A_130 = tpu.vector_load %arg10[%parallel_loop3A_128, %parallel_loop3A_129] {strides = array<i32>} : memref<200x128xf32, #tpu.memory_space<vmem>>, vector<1x16xf32>,
        %parallel_loop3A_131 = vector.shape_cast %parallel_loop3A_130 : vector<1x16xf32> to vector<16xf32>
        %parallel_loop3A_132 = vector.shape_cast %parallel_loop3A_127 : vector<16xf32> to vector<1x16xf32>
        tpu.vector_store %arg10[%parallel_loop3A_128, %parallel_loop3A_129], %parallel_loop3A_132 {strides = array<i32>} : memref<200x128xf32, #tpu.memory_space<vmem>>, vector<1x16xf32>,
        %parallel_loop3A_133 = arith.index_cast %parallel_loop3A_90 : i32 to index
        %parallel_loop3A_134 = arith.constant 48 : index
        %parallel_loop3A_135 = tpu.vector_load %arg10[%parallel_loop3A_133, %parallel_loop3A_134] {strides = array<i32>} : memref<200x128xf32, #tpu.memory_space<vmem>>, vector<1x16xf32>,
        %parallel_loop3A_136 = vector.shape_cast %parallel_loop3A_135 : vector<1x16xf32> to vector<16xf32>
        %parallel_loop3A_137 = arith.index_cast %parallel_loop3A_90 : i32 to index
        %parallel_loop3A_138 = arith.constant 48 : index
        %parallel_loop3A_139 = tpu.vector_load %arg11[%parallel_loop3A_137, %parallel_loop3A_138] {strides = array<i32>} : memref<200x128xf32, #tpu.memory_space<vmem>>, vector<1x16xf32>,
        %parallel_loop3A_140 = vector.shape_cast %parallel_loop3A_139 : vector<1x16xf32> to vector<16xf32>
        %parallel_loop3A_141 = arith.addf %parallel_loop3A_136, %parallel_loop3A_140 : vector<16xf32>
        %parallel_loop3A_142 = arith.index_cast %parallel_loop3A_90 : i32 to index
        %parallel_loop3A_143 = arith.constant 48 : index
        %parallel_loop3A_144 = tpu.vector_load %arg10[%parallel_loop3A_142, %parallel_loop3A_143] {strides = array<i32>} : memref<200x128xf32, #tpu.memory_space<vmem>>, vector<1x16xf32>,
        %parallel_loop3A_145 = vector.shape_cast %parallel_loop3A_144 : vector<1x16xf32> to vector<16xf32>
        %parallel_loop3A_146 = vector.shape_cast %parallel_loop3A_141 : vector<16xf32> to vector<1x16xf32>
        tpu.vector_store %arg10[%parallel_loop3A_142, %parallel_loop3A_143], %parallel_loop3A_146 {strides = array<i32>} : memref<200x128xf32, #tpu.memory_space<vmem>>, vector<1x16xf32>,
        %parallel_loop3A_147 = arith.index_cast %parallel_loop3A_90 : i32 to index
        %parallel_loop3A_148 = arith.constant 64 : index
        %parallel_loop3A_149 = tpu.vector_load %arg10[%parallel_loop3A_147, %parallel_loop3A_148] {strides = array<i32>} : memref<200x128xf32, #tpu.memory_space<vmem>>, vector<1x16xf32>,
        %parallel_loop3A_150 = vector.shape_cast %parallel_loop3A_149 : vector<1x16xf32> to vector<16xf32>
        %parallel_loop3A_151 = arith.index_cast %parallel_loop3A_90 : i32 to index
        %parallel_loop3A_152 = arith.constant 64 : index
        %parallel_loop3A_153 = tpu.vector_load %arg11[%parallel_loop3A_151, %parallel_loop3A_152] {strides = array<i32>} : memref<200x128xf32, #tpu.memory_space<vmem>>, vector<1x16xf32>,
        %parallel_loop3A_154 = vector.shape_cast %parallel_loop3A_153 : vector<1x16xf32> to vector<16xf32>
        %parallel_loop3A_155 = arith.addf %parallel_loop3A_150, %parallel_loop3A_154 : vector<16xf32>
        %parallel_loop3A_156 = arith.index_cast %parallel_loop3A_90 : i32 to index
        %parallel_loop3A_157 = arith.constant 64 : index
        %parallel_loop3A_158 = tpu.vector_load %arg10[%parallel_loop3A_156, %parallel_loop3A_157] {strides = array<i32>} : memref<200x128xf32, #tpu.memory_space<vmem>>, vector<1x16xf32>,
        %parallel_loop3A_159 = vector.shape_cast %parallel_loop3A_158 : vector<1x16xf32> to vector<16xf32>
        %parallel_loop3A_160 = vector.shape_cast %parallel_loop3A_155 : vector<16xf32> to vector<1x16xf32>
        tpu.vector_store %arg10[%parallel_loop3A_156, %parallel_loop3A_157], %parallel_loop3A_160 {strides = array<i32>} : memref<200x128xf32, #tpu.memory_space<vmem>>, vector<1x16xf32>,
        %parallel_loop3A_161 = arith.index_cast %parallel_loop3A_90 : i32 to index
        %parallel_loop3A_162 = arith.constant 80 : index
        %parallel_loop3A_163 = tpu.vector_load %arg10[%parallel_loop3A_161, %parallel_loop3A_162] {strides = array<i32>} : memref<200x128xf32, #tpu.memory_space<vmem>>, vector<1x16xf32>,
        %parallel_loop3A_164 = vector.shape_cast %parallel_loop3A_163 : vector<1x16xf32> to vector<16xf32>
        %parallel_loop3A_165 = arith.index_cast %parallel_loop3A_90 : i32 to index
        %parallel_loop3A_166 = arith.constant 80 : index
        %parallel_loop3A_167 = tpu.vector_load %arg11[%parallel_loop3A_165, %parallel_loop3A_166] {strides = array<i32>} : memref<200x128xf32, #tpu.memory_space<vmem>>, vector<1x16xf32>,
        %parallel_loop3A_168 = vector.shape_cast %parallel_loop3A_167 : vector<1x16xf32> to vector<16xf32>
        %parallel_loop3A_169 = arith.addf %parallel_loop3A_164, %parallel_loop3A_168 : vector<16xf32>
        %parallel_loop3A_170 = arith.index_cast %parallel_loop3A_90 : i32 to index
        %parallel_loop3A_171 = arith.constant 80 : index
        %parallel_loop3A_172 = tpu.vector_load %arg10[%parallel_loop3A_170, %parallel_loop3A_171] {strides = array<i32>} : memref<200x128xf32, #tpu.memory_space<vmem>>, vector<1x16xf32>,
        %parallel_loop3A_173 = vector.shape_cast %parallel_loop3A_172 : vector<1x16xf32> to vector<16xf32>
        %parallel_loop3A_174 = vector.shape_cast %parallel_loop3A_169 : vector<16xf32> to vector<1x16xf32>
        tpu.vector_store %arg10[%parallel_loop3A_170, %parallel_loop3A_171], %parallel_loop3A_174 {strides = array<i32>} : memref<200x128xf32, #tpu.memory_space<vmem>>, vector<1x16xf32>,
        %parallel_loop3A_175 = arith.index_cast %parallel_loop3A_90 : i32 to index
        %parallel_loop3A_176 = arith.constant 96 : index
        %parallel_loop3A_177 = tpu.vector_load %arg10[%parallel_loop3A_175, %parallel_loop3A_176] {strides = array<i32>} : memref<200x128xf32, #tpu.memory_space<vmem>>, vector<1x16xf32>,
        %parallel_loop3A_178 = vector.shape_cast %parallel_loop3A_177 : vector<1x16xf32> to vector<16xf32>
        %parallel_loop3A_179 = arith.index_cast %parallel_loop3A_90 : i32 to index
        %parallel_loop3A_180 = arith.constant 96 : index
        %parallel_loop3A_181 = tpu.vector_load %arg11[%parallel_loop3A_179, %parallel_loop3A_180] {strides = array<i32>} : memref<200x128xf32, #tpu.memory_space<vmem>>, vector<1x16xf32>,
        %parallel_loop3A_182 = vector.shape_cast %parallel_loop3A_181 : vector<1x16xf32> to vector<16xf32>
        %parallel_loop3A_183 = arith.addf %parallel_loop3A_178, %parallel_loop3A_182 : vector<16xf32>
        %parallel_loop3A_184 = arith.index_cast %parallel_loop3A_90 : i32 to index
        %parallel_loop3A_185 = arith.constant 96 : index
        %parallel_loop3A_186 = tpu.vector_load %arg10[%parallel_loop3A_184, %parallel_loop3A_185] {strides = array<i32>} : memref<200x128xf32, #tpu.memory_space<vmem>>, vector<1x16xf32>,
        %parallel_loop3A_187 = vector.shape_cast %parallel_loop3A_186 : vector<1x16xf32> to vector<16xf32>
        %parallel_loop3A_188 = vector.shape_cast %parallel_loop3A_183 : vector<16xf32> to vector<1x16xf32>
        tpu.vector_store %arg10[%parallel_loop3A_184, %parallel_loop3A_185], %parallel_loop3A_188 {strides = array<i32>} : memref<200x128xf32, #tpu.memory_space<vmem>>, vector<1x16xf32>,
        %parallel_loop3A_189 = arith.index_cast %parallel_loop3A_90 : i32 to index
        %parallel_loop3A_190 = arith.constant 112 : index
        %parallel_loop3A_191 = tpu.vector_load %arg10[%parallel_loop3A_189, %parallel_loop3A_190] {strides = array<i32>} : memref<200x128xf32, #tpu.memory_space<vmem>>, vector<1x16xf32>,
        %parallel_loop3A_192 = vector.shape_cast %parallel_loop3A_191 : vector<1x16xf32> to vector<16xf32>
        %parallel_loop3A_193 = arith.index_cast %parallel_loop3A_90 : i32 to index
        %parallel_loop3A_194 = arith.constant 112 : index
        %parallel_loop3A_195 = tpu.vector_load %arg11[%parallel_loop3A_193, %parallel_loop3A_194] {strides = array<i32>} : memref<200x128xf32, #tpu.memory_space<vmem>>, vector<1x16xf32>,
        %parallel_loop3A_196 = vector.shape_cast %parallel_loop3A_195 : vector<1x16xf32> to vector<16xf32>
        %parallel_loop3A_197 = arith.addf %parallel_loop3A_192, %parallel_loop3A_196 : vector<16xf32>
        %parallel_loop3A_198 = arith.index_cast %parallel_loop3A_90 : i32 to index
        %parallel_loop3A_199 = arith.constant 112 : index
        %parallel_loop3A_200 = tpu.vector_load %arg10[%parallel_loop3A_198, %parallel_loop3A_199] {strides = array<i32>} : memref<200x128xf32, #tpu.memory_space<vmem>>, vector<1x16xf32>,
        %parallel_loop3A_201 = vector.shape_cast %parallel_loop3A_200 : vector<1x16xf32> to vector<16xf32>
        %parallel_loop3A_202 = vector.shape_cast %parallel_loop3A_197 : vector<16xf32> to vector<1x16xf32>
        tpu.vector_store %arg10[%parallel_loop3A_198, %parallel_loop3A_199], %parallel_loop3A_202 {strides = array<i32>} : memref<200x128xf32, #tpu.memory_space<vmem>>, vector<1x16xf32>,
      } {sc.loop_unroll_factor = 4 : i64, sc.parallel_access}
      %dma_start3A_86 = arith.constant 0 : i32
      %dma_start3A_87 = tpu.memref_slice %arg5[%add3A_82, %dma_start3A_86] : memref<320000x128xf32, #tpu.memory_space<hbm>> -> memref<200x128xf32, #tpu.memory_space<hbm>>
      %dma_start3A_88 = arith.constant 0 : i32
      %dma_start3A_89 = tpu.memref_slice %arg5[%add3A_82, %dma_start3A_88] : memref<320000x128xf32, #tpu.memory_space<hbm>> -> memref<200x128xf32, #tpu.memory_space<hbm>>
      tpu.enqueue_dma source(%arg10 : memref<200x128xf32, #tpu.memory_space<vmem>>) target(%dma_start3A_89 : memref<200x128xf32, #tpu.memory_space<hbm>>) target_semaphore(%arg17 : memref<!tpu.dma_semaphore, #tpu.memory_space<semaphore_mem>>)
    }
    %scan3A_18 = arith.constant 25 : i32
    %add3A_19 = arith.constant 9600 : i32
    %add3A_20 = arith.addi %mul3A_2, %add3A_19 : i32
    %dma_wait3A = arith.constant 0 : i32
    %dma_wait3A_21 = tpu.memref_slice %arg5[%add3A_20, %dma_wait3A] : memref<320000x128xf32, #tpu.memory_space<hbm>> -> memref<200x128xf32, #tpu.memory_space<hbm>>
    %dma_wait3A_22 = arith.constant 0 : i32
    %dma_wait3A_23 = tpu.memref_slice %arg5[%add3A_20, %dma_wait3A_22] : memref<320000x128xf32, #tpu.memory_space<hbm>> -> memref<200x128xf32, #tpu.memory_space<hbm>>
    tpu.wait_dma2 semaphore(%arg14 : memref<!tpu.dma_semaphore, #tpu.memory_space<semaphore_mem>>) src(%arg8 : memref<200x128xf32, #tpu.memory_space<vmem>>) dst(%dma_wait3A_23 : memref<200x128xf32, #tpu.memory_space<hbm>>)
    %add3A_24 = arith.constant 9800 : i32
    %add3A_25 = arith.addi %mul3A_2, %add3A_24 : i32
    %dma_wait3A_26 = arith.constant 0 : i32
    %dma_wait3A_27 = tpu.memref_slice %arg5[%add3A_25, %dma_wait3A_26] : memref<320000x128xf32, #tpu.memory_space<hbm>> -> memref<200x128xf32, #tpu.memory_space<hbm>>
    %dma_wait3A_28 = arith.constant 0 : i32
    %dma_wait3A_29 = tpu.memref_slice %arg5[%add3A_25, %dma_wait3A_28] : memref<320000x128xf32, #tpu.memory_space<hbm>> -> memref<200x128xf32, #tpu.memory_space<hbm>>
    tpu.wait_dma2 semaphore(%arg17 : memref<!tpu.dma_semaphore, #tpu.memory_space<semaphore_mem>>) src(%arg10 : memref<200x128xf32, #tpu.memory_space<vmem>>) dst(%dma_wait3A_29 : memref<200x128xf32, #tpu.memory_space<hbm>>)
    return
  }
}

#map = affine_map<(d0, d1) -> (0, 0)>
#map1 = affine_map<(d0, d1) -> (0)>
#map2 = affine_map<(d0, d1) -> (0, 0, 0)>
module attributes {stable_mosaic.version = 14 : i64} {
  func.func @_scatter_body(%arg0: i32, %arg1: i32, %arg2: memref<320000x16xf32, #tpu.memory_space<hbm>>, %arg3: memref<320000xi32, #tpu.memory_space<hbm>>, %arg4: memref<2x10000x16xf32, #tpu.memory_space<hbm>>, %arg5: memref<1000x16xf32, #tpu.memory_space<vmem>>, %arg6: memref<1000xi32, #tpu.memory_space<vmem>>, %arg7: memref<625x16xf32, #tpu.memory_space<vmem>>, %arg8: memref<10000x16xf32, #tpu.memory_space<vmem_shared>>, %arg9: memref<!tpu.dma_semaphore, #tpu.memory_space<semaphore_mem>>) attributes {dimension_semantics = [#tpu.dimension_semantics<core_parallel>, #tpu.dimension_semantics<subcore_parallel>], iteration_bounds = array<i64: 2, 16>, scalar_prefetch = 0 : i64, scratch_operands = 5 : i64, tpu.core_type = #tpu.core_type<sc_vector_subcore>, window_params = [{transform_indices = #map}, {transform_indices = #map1}, {transform_indices = #map2}]} {
    %mul3A = arith.constant 2 : i32
    %mul3A_0 = arith.muli %arg1, %mul3A : i32
    %add3A = arith.addi %mul3A_0, %arg0 : i32
    %scan3A = arith.constant 0 : i32
    %scan3A_1 = arith.constant 0 : i32
    %scan3A_2 = arith.constant 625 : i32
    %scan3A_3 = arith.addi %scan3A_1, %scan3A_2 : i32
    %scan3A_4 = arith.constant 1 : i32
    scf.for %scan3A_19 = %scan3A_1 to %scan3A_3 step %scan3A_4  : i32 {
      %broadcast_in_dim3A = arith.constant 0.000000e+00 : f32
      %broadcast_in_dim3A_20 = vector.broadcast %broadcast_in_dim3A : f32 to vector<16xf32>
      %swap3A = arith.index_cast %scan3A_19 : i32 to index
      %swap3A_21 = arith.constant 0 : index
      %swap3A_22 = tpu.vector_load %arg7[%swap3A, %swap3A_21] {strides = array<i32>} : memref<625x16xf32, #tpu.memory_space<vmem>>, vector<1x16xf32>,
      %swap3A_23 = vector.shape_cast %swap3A_22 : vector<1x16xf32> to vector<16xf32>
      %swap3A_24 = vector.shape_cast %broadcast_in_dim3A_20 : vector<16xf32> to vector<1x16xf32>
      tpu.vector_store %arg7[%swap3A, %swap3A_21], %swap3A_24 {strides = array<i32>} : memref<625x16xf32, #tpu.memory_space<vmem>>, vector<1x16xf32>,
    }
    %scan3A_5 = arith.constant 625 : i32
    %mul3A_6 = arith.constant 625 : i32
    %mul3A_7 = arith.muli %arg1, %mul3A_6 : i32
    "tpu.region"() ({
      %run_scoped3A = tpu.sem_alloc : memref<!tpu.dma_semaphore, #tpu.memory_space<semaphore_mem>>
      %dma_start3A = arith.constant 0 : i32
      %dma_start3A_19 = tpu.memref_slice %arg8[%mul3A_7, %dma_start3A] : memref<10000x16xf32, #tpu.memory_space<vmem_shared>> -> memref<625x16xf32, #tpu.memory_space<vmem_shared>>
      %dma_start3A_20 = arith.constant 0 : i32
      %dma_start3A_21 = tpu.memref_slice %arg8[%mul3A_7, %dma_start3A_20] : memref<10000x16xf32, #tpu.memory_space<vmem_shared>> -> memref<625x16xf32, #tpu.memory_space<vmem_shared>>
      tpu.enqueue_dma source(%arg7 : memref<625x16xf32, #tpu.memory_space<vmem>>) target(%dma_start3A_21 : memref<625x16xf32, #tpu.memory_space<vmem_shared>>) target_semaphore(%run_scoped3A : memref<!tpu.dma_semaphore, #tpu.memory_space<semaphore_mem>>)
      %dma_wait3A = arith.constant 0 : i32
      %dma_wait3A_22 = tpu.memref_slice %arg8[%mul3A_7, %dma_wait3A] : memref<10000x16xf32, #tpu.memory_space<vmem_shared>> -> memref<625x16xf32, #tpu.memory_space<vmem_shared>>
      %dma_wait3A_23 = arith.constant 0 : i32
      %dma_wait3A_24 = tpu.memref_slice %arg8[%mul3A_7, %dma_wait3A_23] : memref<10000x16xf32, #tpu.memory_space<vmem_shared>> -> memref<625x16xf32, #tpu.memory_space<vmem_shared>>
      tpu.wait_dma2 semaphore(%run_scoped3A : memref<!tpu.dma_semaphore, #tpu.memory_space<semaphore_mem>>) src(%arg7 : memref<625x16xf32, #tpu.memory_space<vmem>>) dst(%dma_wait3A_24 : memref<625x16xf32, #tpu.memory_space<vmem_shared>>)
      tpu.yield
    }) : () -> ()
    %barrier3A = arith.constant 0 : index
    tpu.barrier barrier_id(%barrier3A)
    %scan3A_8 = arith.constant 0 : i32
    %scan3A_9 = arith.constant 0 : i32
    %scan3A_10 = arith.constant 10 : i32
    %scan3A_11 = arith.addi %scan3A_9, %scan3A_10 : i32
    %scan3A_12 = arith.constant 1 : i32
    scf.for %scan3A_19 = %scan3A_9 to %scan3A_11 step %scan3A_12  : i32 {
      %mul3A_20 = arith.constant 10000 : i32
      %mul3A_21 = arith.muli %add3A, %mul3A_20 : i32
      %mul3A_22 = arith.constant 1000 : i32
      %mul3A_23 = arith.muli %scan3A_19, %mul3A_22 : i32
      %add3A_24 = arith.addi %mul3A_21, %mul3A_23 : i32
      "tpu.region"() ({
        %run_scoped3A = tpu.sem_alloc : memref<!tpu.dma_semaphore, #tpu.memory_space<semaphore_mem>>
        %dma_start3A = tpu.memref_slice %arg3[%add3A_24] : memref<320000xi32, #tpu.memory_space<hbm>> -> memref<1000xi32, #tpu.memory_space<hbm>>
        %dma_start3A_25 = tpu.memref_slice %arg3[%add3A_24] : memref<320000xi32, #tpu.memory_space<hbm>> -> memref<1000xi32, #tpu.memory_space<hbm>>
        tpu.enqueue_dma source(%dma_start3A_25 : memref<1000xi32, #tpu.memory_space<hbm>>) target(%arg6 : memref<1000xi32, #tpu.memory_space<vmem>>) target_semaphore(%run_scoped3A : memref<!tpu.dma_semaphore, #tpu.memory_space<semaphore_mem>>)
        %dma_wait3A = tpu.memref_slice %arg3[%add3A_24] : memref<320000xi32, #tpu.memory_space<hbm>> -> memref<1000xi32, #tpu.memory_space<hbm>>
        %dma_wait3A_26 = tpu.memref_slice %arg3[%add3A_24] : memref<320000xi32, #tpu.memory_space<hbm>> -> memref<1000xi32, #tpu.memory_space<hbm>>
        tpu.wait_dma2 semaphore(%run_scoped3A : memref<!tpu.dma_semaphore, #tpu.memory_space<semaphore_mem>>) src(%dma_wait3A_26 : memref<1000xi32, #tpu.memory_space<hbm>>) dst(%arg6 : memref<1000xi32, #tpu.memory_space<vmem>>)
        tpu.yield
      }) : () -> ()
      "tpu.region"() ({
        %run_scoped3A = tpu.sem_alloc : memref<!tpu.dma_semaphore, #tpu.memory_space<semaphore_mem>>
        %dma_start3A = arith.constant 0 : i32
        %dma_start3A_25 = tpu.memref_slice %arg2[%add3A_24, %dma_start3A] : memref<320000x16xf32, #tpu.memory_space<hbm>> -> memref<1000x16xf32, #tpu.memory_space<hbm>>
        %dma_start3A_26 = arith.constant 0 : i32
        %dma_start3A_27 = tpu.memref_slice %arg2[%add3A_24, %dma_start3A_26] : memref<320000x16xf32, #tpu.memory_space<hbm>> -> memref<1000x16xf32, #tpu.memory_space<hbm>>
        tpu.enqueue_dma source(%dma_start3A_27 : memref<1000x16xf32, #tpu.memory_space<hbm>>) target(%arg5 : memref<1000x16xf32, #tpu.memory_space<vmem>>) target_semaphore(%run_scoped3A : memref<!tpu.dma_semaphore, #tpu.memory_space<semaphore_mem>>)
        %dma_wait3A = arith.constant 0 : i32
        %dma_wait3A_28 = tpu.memref_slice %arg2[%add3A_24, %dma_wait3A] : memref<320000x16xf32, #tpu.memory_space<hbm>> -> memref<1000x16xf32, #tpu.memory_space<hbm>>
        %dma_wait3A_29 = arith.constant 0 : i32
        %dma_wait3A_30 = tpu.memref_slice %arg2[%add3A_24, %dma_wait3A_29] : memref<320000x16xf32, #tpu.memory_space<hbm>> -> memref<1000x16xf32, #tpu.memory_space<hbm>>
        tpu.wait_dma2 semaphore(%run_scoped3A : memref<!tpu.dma_semaphore, #tpu.memory_space<semaphore_mem>>) src(%dma_wait3A_30 : memref<1000x16xf32, #tpu.memory_space<hbm>>) dst(%arg5 : memref<1000x16xf32, #tpu.memory_space<vmem>>)
        tpu.yield
      }) : () -> ()
      "tpu.region"() ({
        %run_scoped3A = tpu.sem_alloc : memref<!tpu.dma_semaphore, #tpu.memory_space<semaphore_mem>>
        %dma_start3A = arith.constant 0 : i32
        %dma_start3A_25 = arith.constant 0 : i32
        %dma_start3A_26 = tpu.memref_slice %arg8[%dma_start3A, %dma_start3A_25] : memref<10000x16xf32, #tpu.memory_space<vmem_shared>> -> memref<10000x16xf32, #tpu.memory_space<vmem_shared>>
        tpu.enqueue_indirect_dma source(%arg5 : memref<1000x16xf32, #tpu.memory_space<vmem>>) target(%dma_start3A_26 : memref<10000x16xf32, #tpu.memory_space<vmem_shared>>) offsets(%arg6 : memref<1000xi32, #tpu.memory_space<vmem>>) semaphore(%run_scoped3A : memref<!tpu.dma_semaphore, #tpu.memory_space<semaphore_mem>>) {add = true}
        %dma_wait3A = arith.constant 0 : i32
        %dma_wait3A_27 = arith.constant 0 : i32
        %dma_wait3A_28 = tpu.memref_slice %arg8[%dma_wait3A, %dma_wait3A_27] : memref<10000x16xf32, #tpu.memory_space<vmem_shared>> -> memref<10000x16xf32, #tpu.memory_space<vmem_shared>>
        tpu.wait_indirect_dma semaphore(%run_scoped3A : memref<!tpu.dma_semaphore, #tpu.memory_space<semaphore_mem>>) src(%arg5 : memref<1000x16xf32, #tpu.memory_space<vmem>>) dst(%dma_wait3A_28 : memref<10000x16xf32, #tpu.memory_space<vmem_shared>>)
        tpu.yield
      }) : () -> ()
    }
    %scan3A_13 = arith.constant 10 : i32
    %barrier3A_14 = arith.constant 0 : index
    tpu.barrier barrier_id(%barrier3A_14)
    %mul3A_15 = arith.constant 625 : i32
    %mul3A_16 = arith.muli %arg1, %mul3A_15 : i32
    %mul3A_17 = arith.constant 625 : i32
    %mul3A_18 = arith.muli %arg1, %mul3A_17 : i32
    "tpu.region"() ({
      %run_scoped3A = tpu.sem_alloc : memref<!tpu.dma_semaphore, #tpu.memory_space<semaphore_mem>>
      %dma_start3A = arith.constant 0 : i32
      %dma_start3A_19 = tpu.memref_slice %arg4[%arg0, %mul3A_18, %dma_start3A] : memref<2x10000x16xf32, #tpu.memory_space<hbm>> -> memref<1x625x16xf32, #tpu.memory_space<hbm>>
      %dma_start3A_20 = tpu.memref_squeeze %dma_start3A_19 : memref<1x625x16xf32, #tpu.memory_space<hbm>> -> memref<625x16xf32, #tpu.memory_space<hbm>>
      %dma_start3A_21 = arith.constant 0 : i32
      %dma_start3A_22 = tpu.memref_slice %arg8[%mul3A_16, %dma_start3A_21] : memref<10000x16xf32, #tpu.memory_space<vmem_shared>> -> memref<625x16xf32, #tpu.memory_space<vmem_shared>>
      tpu.enqueue_dma source(%dma_start3A_22 : memref<625x16xf32, #tpu.memory_space<vmem_shared>>) target(%dma_start3A_20 : memref<625x16xf32, #tpu.memory_space<hbm>>) target_semaphore(%run_scoped3A : memref<!tpu.dma_semaphore, #tpu.memory_space<semaphore_mem>>)
      %dma_wait3A = arith.constant 0 : i32
      %dma_wait3A_23 = tpu.memref_slice %arg4[%arg0, %mul3A_18, %dma_wait3A] : memref<2x10000x16xf32, #tpu.memory_space<hbm>> -> memref<1x625x16xf32, #tpu.memory_space<hbm>>
      %dma_wait3A_24 = tpu.memref_squeeze %dma_wait3A_23 : memref<1x625x16xf32, #tpu.memory_space<hbm>> -> memref<625x16xf32, #tpu.memory_space<hbm>>
      %dma_wait3A_25 = arith.constant 0 : i32
      %dma_wait3A_26 = tpu.memref_slice %arg8[%mul3A_16, %dma_wait3A_25] : memref<10000x16xf32, #tpu.memory_space<vmem_shared>> -> memref<625x16xf32, #tpu.memory_space<vmem_shared>>
      tpu.wait_dma2 semaphore(%run_scoped3A : memref<!tpu.dma_semaphore, #tpu.memory_space<semaphore_mem>>) src(%dma_wait3A_26 : memref<625x16xf32, #tpu.memory_space<vmem_shared>>) dst(%dma_wait3A_24 : memref<625x16xf32, #tpu.memory_space<hbm>>)
      tpu.yield
    }) : () -> ()
    return
  }
}

module attributes {stable_mosaic.version = 14 : i64} {
  func.func @_node_pre_body(%arg0: i32, %arg1: memref<1000x128xf32, #tpu.memory_space<vmem>>, %arg2: memref<128x128xf32, #tpu.memory_space<vmem>>, %arg3: memref<128x640xf32, #tpu.memory_space<vmem>>, %arg4: memref<1x640xf32, #tpu.memory_space<vmem>>, %arg5: memref<640x16xf32, #tpu.memory_space<vmem>>, %arg6: memref<1x16xf32, #tpu.memory_space<vmem>>, %arg7: memref<128x8xf32, #tpu.memory_space<vmem>>, %arg8: memref<1x1xf32, #tpu.memory_space<vmem>>, %arg9: memref<1000x128xf32, #tpu.memory_space<vmem>>, %arg10: memref<1000x16xf32, #tpu.memory_space<vmem>>, %arg11: memref<1000x8xf32, #tpu.memory_space<vmem>>) attributes {dimension_semantics = [#tpu.dimension_semantics<arbitrary>], iteration_bounds = array<i64: 10>, scalar_prefetch = 0 : i64, scratch_operands = 0 : i64, tpu.core_type = #tpu.core_type<tc>, window_params = [{transform_indices = @transform_0, window_bounds = array<i64: 1000, 128>}, {pipeline_mode = #tpu.pipeline_mode<synchronous>, transform_indices = @transform_1, window_bounds = array<i64: 128, 128>}, {pipeline_mode = #tpu.pipeline_mode<synchronous>, transform_indices = @transform_2, window_bounds = array<i64: 128, 640>}, {pipeline_mode = #tpu.pipeline_mode<synchronous>, transform_indices = @transform_3, window_bounds = array<i64: 1, 640>}, {pipeline_mode = #tpu.pipeline_mode<synchronous>, transform_indices = @transform_4, window_bounds = array<i64: 640, 16>}, {pipeline_mode = #tpu.pipeline_mode<synchronous>, transform_indices = @transform_5, window_bounds = array<i64: 1, 16>}, {pipeline_mode = #tpu.pipeline_mode<synchronous>, transform_indices = @transform_6, window_bounds = array<i64: 128, 8>}, {pipeline_mode = #tpu.pipeline_mode<synchronous>, transform_indices = @transform_7, window_bounds = array<i64: 1, 1>}, {transform_indices = @transform_8, window_bounds = array<i64: 1000, 128>}, {transform_indices = @transform_9, window_bounds = array<i64: 1000, 16>}, {transform_indices = @transform_10, window_bounds = array<i64: 1000, 8>}]} {
    %get3A = arith.constant 0 : index
    %get3A_0 = arith.constant 0 : index
    %get3A_1 = vector.load %arg1[%get3A, %get3A_0] : memref<1000x128xf32, #tpu.memory_space<vmem>>, vector<1000x128xf32>
    %get3A_2 = arith.constant 0 : index
    %get3A_3 = arith.constant 0 : index
    %get3A_4 = vector.load %arg2[%get3A_2, %get3A_3] : memref<128x128xf32, #tpu.memory_space<vmem>>, vector<128x128xf32>
    %dot_general3A = arith.constant dense<0.000000e+00> : vector<1000x128xf32>
    %dot_general3A_5 = tpu.matmul %get3A_1, %get3A_4, %dot_general3A {dimension_numbers = #tpu.dot_dimension_numbers<[1], [0], [0], [1], [0, 0, 1, 1], [], []>, transpose_lhs_hint = false} : vector<1000x128xf32>, vector<128x128xf32>, vector<1000x128xf32> -> vector<1000x128xf32>
    %swap3A = arith.constant 0 : index
    %swap3A_6 = arith.constant 0 : index
    %swap3A_7 = vector.load %arg9[%swap3A, %swap3A_6] : memref<1000x128xf32, #tpu.memory_space<vmem>>, vector<1000x128xf32>
    tpu.vector_store %arg9[%swap3A, %swap3A_6], %dot_general3A_5 {strides = array<i32>} : memref<1000x128xf32, #tpu.memory_space<vmem>>, vector<1000x128xf32>,
    %get3A_8 = arith.constant 0 : index
    %get3A_9 = arith.constant 0 : index
    %get3A_10 = vector.load %arg3[%get3A_8, %get3A_9] : memref<128x640xf32, #tpu.memory_space<vmem>>, vector<128x640xf32>
    %dot_general3A_11 = arith.constant dense<0.000000e+00> : vector<1000x640xf32>
    %dot_general3A_12 = tpu.matmul %get3A_1, %get3A_10, %dot_general3A_11 {dimension_numbers = #tpu.dot_dimension_numbers<[1], [0], [0], [1], [0, 0, 1, 1], [], []>, transpose_lhs_hint = false} : vector<1000x128xf32>, vector<128x640xf32>, vector<1000x640xf32> -> vector<1000x640xf32>
    %get3A_13 = arith.constant 0 : index
    %get3A_14 = arith.constant 0 : index
    %get3A_15 = vector.load %arg4[%get3A_13, %get3A_14] : memref<1x640xf32, #tpu.memory_space<vmem>>, vector<1x640xf32>
    %add3A = vector.broadcast %get3A_15 : vector<1x640xf32> to vector<1000x640xf32>
    %add3A_16 = arith.addf %dot_general3A_12, %add3A : vector<1000x640xf32>
    %max3A = arith.constant 0.000000e+00 : f32
    %max3A_17 = vector.broadcast %max3A : f32 to vector<1000x640xf32>
    %max3A_18 = arith.maximumf %add3A_16, %max3A_17 : vector<1000x640xf32>
    %get3A_19 = arith.constant 0 : index
    %get3A_20 = arith.constant 0 : index
    %get3A_21 = vector.load %arg5[%get3A_19, %get3A_20] : memref<640x16xf32, #tpu.memory_space<vmem>>, vector<640x16xf32>
    %dot_general3A_22 = arith.constant dense<0.000000e+00> : vector<1000x16xf32>
    %dot_general3A_23 = tpu.matmul %max3A_18, %get3A_21, %dot_general3A_22 {dimension_numbers = #tpu.dot_dimension_numbers<[1], [0], [0], [1], [0, 0, 1, 1], [], []>, transpose_lhs_hint = false} : vector<1000x640xf32>, vector<640x16xf32>, vector<1000x16xf32> -> vector<1000x16xf32>
    %get3A_24 = arith.constant 0 : index
    %get3A_25 = arith.constant 0 : index
    %get3A_26 = vector.load %arg6[%get3A_24, %get3A_25] : memref<1x16xf32, #tpu.memory_space<vmem>>, vector<1x16xf32>
    %add3A_27 = vector.broadcast %get3A_26 : vector<1x16xf32> to vector<1000x16xf32>
    %add3A_28 = arith.addf %dot_general3A_23, %add3A_27 : vector<1000x16xf32>
    %swap3A_29 = arith.constant 0 : index
    %swap3A_30 = arith.constant 0 : index
    %swap3A_31 = vector.load %arg10[%swap3A_29, %swap3A_30] : memref<1000x16xf32, #tpu.memory_space<vmem>>, vector<1000x16xf32>
    tpu.vector_store %arg10[%swap3A_29, %swap3A_30], %add3A_28 {strides = array<i32>} : memref<1000x16xf32, #tpu.memory_space<vmem>>, vector<1000x16xf32>,
    %slice3A = vector.extract_strided_slice %max3A_18 {offsets = [0, 0], sizes = [1000, 128], strides = [1, 1]} : vector<1000x640xf32> to vector<1000x128xf32>
    %get3A_32 = arith.constant 0 : index
    %get3A_33 = arith.constant 0 : index
    %get3A_34 = vector.load %arg7[%get3A_32, %get3A_33] : memref<128x8xf32, #tpu.memory_space<vmem>>, vector<128x8xf32>
    %dot_general3A_35 = arith.constant dense<0.000000e+00> : vector<1000x8xf32>
    %dot_general3A_36 = tpu.matmul %slice3A, %get3A_34, %dot_general3A_35 {dimension_numbers = #tpu.dot_dimension_numbers<[1], [0], [0], [1], [0, 0, 1, 1], [], []>, transpose_lhs_hint = false} : vector<1000x128xf32>, vector<128x8xf32>, vector<1000x8xf32> -> vector<1000x8xf32>
    %get3A_37 = arith.constant 0 : index
    %get3A_38 = arith.constant 0 : index
    %get3A_39 = vector.load %arg8[%get3A_37, %get3A_38] : memref<1x1xf32, #tpu.memory_space<vmem>>, vector<1x1xf32>
    %add3A_40 = vector.broadcast %get3A_39 : vector<1x1xf32> to vector<1000x8xf32>
    %add3A_41 = arith.addf %dot_general3A_36, %add3A_40 : vector<1000x8xf32>
    %swap3A_42 = arith.constant 0 : index
    %swap3A_43 = arith.constant 0 : index
    %swap3A_44 = vector.load %arg11[%swap3A_42, %swap3A_43] : memref<1000x8xf32, #tpu.memory_space<vmem>>, vector<1000x8xf32>
    tpu.vector_store %arg11[%swap3A_42, %swap3A_43], %add3A_41 {strides = array<i32>} : memref<1000x8xf32, #tpu.memory_space<vmem>>, vector<1000x8xf32>,
    return
  }
  func.func @transform_0(%arg0: i32) -> (i32, i32) {
    %c0_i32 = arith.constant 0 : i32
    %c0_i32_0 = arith.constant 0 : i32
    return %arg0, %c0_i32 : i32, i32
  }
  func.func @transform_1(%arg0: i32) -> (i32, i32) {
    %c0_i32 = arith.constant 0 : i32
    %c0_i32_0 = arith.constant 0 : i32
    %c0_i32_1 = arith.constant 0 : i32
    return %c0_i32, %c0_i32_0 : i32, i32
  }
  func.func @transform_2(%arg0: i32) -> (i32, i32) {
    %c0_i32 = arith.constant 0 : i32
    %c0_i32_0 = arith.constant 0 : i32
    %c0_i32_1 = arith.constant 0 : i32
    return %c0_i32, %c0_i32_0 : i32, i32
  }
  func.func @transform_3(%arg0: i32) -> (i32, i32) {
    %c0_i32 = arith.constant 0 : i32
    %c0_i32_0 = arith.constant 0 : i32
    %c0_i32_1 = arith.constant 0 : i32
    return %c0_i32, %c0_i32_0 : i32, i32
  }
  func.func @transform_4(%arg0: i32) -> (i32, i32) {
    %c0_i32 = arith.constant 0 : i32
    %c0_i32_0 = arith.constant 0 : i32
    %c0_i32_1 = arith.constant 0 : i32
    return %c0_i32, %c0_i32_0 : i32, i32
  }
  func.func @transform_5(%arg0: i32) -> (i32, i32) {
    %c0_i32 = arith.constant 0 : i32
    %c0_i32_0 = arith.constant 0 : i32
    %c0_i32_1 = arith.constant 0 : i32
    return %c0_i32, %c0_i32_0 : i32, i32
  }
  func.func @transform_6(%arg0: i32) -> (i32, i32) {
    %c0_i32 = arith.constant 0 : i32
    %c0_i32_0 = arith.constant 0 : i32
    %c0_i32_1 = arith.constant 0 : i32
    return %c0_i32, %c0_i32_0 : i32, i32
  }
  func.func @transform_7(%arg0: i32) -> (i32, i32) {
    %c0_i32 = arith.constant 0 : i32
    %c0_i32_0 = arith.constant 0 : i32
    %c0_i32_1 = arith.constant 0 : i32
    return %c0_i32, %c0_i32_0 : i32, i32
  }
  func.func @transform_8(%arg0: i32) -> (i32, i32) {
    %c0_i32 = arith.constant 0 : i32
    %c0_i32_0 = arith.constant 0 : i32
    return %arg0, %c0_i32 : i32, i32
  }
  func.func @transform_9(%arg0: i32) -> (i32, i32) {
    %c0_i32 = arith.constant 0 : i32
    %c0_i32_0 = arith.constant 0 : i32
    return %arg0, %c0_i32 : i32, i32
  }
  func.func @transform_10(%arg0: i32) -> (i32, i32) {
    %c0_i32 = arith.constant 0 : i32
    %c0_i32_0 = arith.constant 0 : i32
    return %arg0, %c0_i32 : i32, i32
  }
}

module attributes {stable_mosaic.version = 14 : i64} {
  func.func @_edge_body(%arg0: i32, %arg1: memref<2000x46xf32, #tpu.memory_space<vmem>>, %arg2: memref<2000x128xf32, #tpu.memory_space<vmem>>, %arg3: memref<2000x8xf32, #tpu.memory_space<vmem>>, %arg4: memref<2000x8xf32, #tpu.memory_space<vmem>>, %arg5: memref<46x48xf32, #tpu.memory_space<vmem>>, %arg6: memref<46x48xf32, #tpu.memory_space<vmem>>, %arg7: memref<48x128xf32, #tpu.memory_space<vmem>>, %arg8: memref<48x128xf32, #tpu.memory_space<vmem>>, %arg9: memref<48x128xf32, #tpu.memory_space<vmem>>, %arg10: memref<46x128xf32, #tpu.memory_space<vmem>>, %arg11: memref<1x128xf32, #tpu.memory_space<vmem>>, %arg12: memref<1x128xf32, #tpu.memory_space<vmem>>, %arg13: memref<128x128xf32, #tpu.memory_space<vmem>>, %arg14: memref<1x128xf32, #tpu.memory_space<vmem>>, %arg15: memref<1x128xf32, #tpu.memory_space<vmem>>, %arg16: memref<1x128xf32, #tpu.memory_space<vmem>>, %arg17: memref<1x128xf32, #tpu.memory_space<vmem>>, %arg18: memref<128x128xf32, #tpu.memory_space<vmem>>, %arg19: memref<1x128xf32, #tpu.memory_space<vmem>>, %arg20: memref<1x128xf32, #tpu.memory_space<vmem>>, %arg21: memref<1x128xf32, #tpu.memory_space<vmem>>, %arg22: memref<128x128xf32, #tpu.memory_space<vmem>>, %arg23: memref<128x128xf32, #tpu.memory_space<vmem>>, %arg24: memref<1x128xf32, #tpu.memory_space<vmem>>, %arg25: memref<128x128xf32, #tpu.memory_space<vmem>>, %arg26: memref<1x128xf32, #tpu.memory_space<vmem>>, %arg27: memref<1x128xf32, #tpu.memory_space<vmem>>, %arg28: memref<1x128xf32, #tpu.memory_space<vmem>>, %arg29: memref<128x512xf32, #tpu.memory_space<vmem>>, %arg30: memref<1x512xf32, #tpu.memory_space<vmem>>, %arg31: memref<512x16xf32, #tpu.memory_space<vmem>>, %arg32: memref<1x16xf32, #tpu.memory_space<vmem>>, %arg33: memref<16x48xf32, #tpu.memory_space<vmem>>, %arg34: memref<46x48xf32, #tpu.memory_space<vmem>>, %arg35: memref<48x48xf32, #tpu.memory_space<vmem>>, %arg36: memref<16x48xf32, #tpu.memory_space<vmem>>, %arg37: memref<46x48xf32, #tpu.memory_space<vmem>>, %arg38: memref<46x48xf32, #tpu.memory_space<vmem>>, %arg39: memref<8x48xf32, #tpu.memory_space<vmem>>, %arg40: memref<48x16xf32, #tpu.memory_space<vmem>>, %arg41: memref<48x16xf32, #tpu.memory_space<vmem>>, %arg42: memref<1x16xf32, #tpu.memory_space<vmem>>, %arg43: memref<2000x128xf32, #tpu.memory_space<vmem>>, %arg44: memref<2000x16xf32, #tpu.memory_space<vmem>>) attributes {dimension_semantics = [#tpu.dimension_semantics<arbitrary>], iteration_bounds = array<i64: 160>, scalar_prefetch = 0 : i64, scratch_operands = 0 : i64, tpu.core_type = #tpu.core_type<tc>, window_params = [{transform_indices = @transform_0, window_bounds = array<i64: 2000, 46>}, {transform_indices = @transform_1, window_bounds = array<i64: 2000, 128>}, {transform_indices = @transform_2, window_bounds = array<i64: 2000, 8>}, {transform_indices = @transform_3, window_bounds = array<i64: 2000, 8>}, {pipeline_mode = #tpu.pipeline_mode<synchronous>, transform_indices = @transform_4, window_bounds = array<i64: 46, 48>}, {pipeline_mode = #tpu.pipeline_mode<synchronous>, transform_indices = @transform_5, window_bounds = array<i64: 46, 48>}, {pipeline_mode = #tpu.pipeline_mode<synchronous>, transform_indices = @transform_6, window_bounds = array<i64: 48, 128>}, {pipeline_mode = #tpu.pipeline_mode<synchronous>, transform_indices = @transform_7, window_bounds = array<i64: 48, 128>}, {pipeline_mode = #tpu.pipeline_mode<synchronous>, transform_indices = @transform_8, window_bounds = array<i64: 48, 128>}, {pipeline_mode = #tpu.pipeline_mode<synchronous>, transform_indices = @transform_9, window_bounds = array<i64: 46, 128>}, {pipeline_mode = #tpu.pipeline_mode<synchronous>, transform_indices = @transform_10, window_bounds = array<i64: 1, 128>}, {pipeline_mode = #tpu.pipeline_mode<synchronous>, transform_indices = @transform_11, window_bounds = array<i64: 1, 128>}, {pipeline_mode = #tpu.pipeline_mode<synchronous>, transform_indices = @transform_12, window_bounds = array<i64: 128, 128>}, {pipeline_mode = #tpu.pipeline_mode<synchronous>, transform_indices = @transform_13, window_bounds = array<i64: 1, 128>}, {pipeline_mode = #tpu.pipeline_mode<synchronous>, transform_indices = @transform_14, window_bounds = array<i64: 1, 128>}, {pipeline_mode = #tpu.pipeline_mode<synchronous>, transform_indices = @transform_15, window_bounds = array<i64: 1, 128>}, {pipeline_mode = #tpu.pipeline_mode<synchronous>, transform_indices = @transform_16, window_bounds = array<i64: 1, 128>}, {pipeline_mode = #tpu.pipeline_mode<synchronous>, transform_indices = @transform_17, window_bounds = array<i64: 128, 128>}, {pipeline_mode = #tpu.pipeline_mode<synchronous>, transform_indices = @transform_18, window_bounds = array<i64: 1, 128>}, {pipeline_mode = #tpu.pipeline_mode<synchronous>, transform_indices = @transform_19, window_bounds = array<i64: 1, 128>}, {pipeline_mode = #tpu.pipeline_mode<synchronous>, transform_indices = @transform_20, window_bounds = array<i64: 1, 128>}, {pipeline_mode = #tpu.pipeline_mode<synchronous>, transform_indices = @transform_21, window_bounds = array<i64: 128, 128>}, {pipeline_mode = #tpu.pipeline_mode<synchronous>, transform_indices = @transform_22, window_bounds = array<i64: 128, 128>}, {pipeline_mode = #tpu.pipeline_mode<synchronous>, transform_indices = @transform_23, window_bounds = array<i64: 1, 128>}, {pipeline_mode = #tpu.pipeline_mode<synchronous>, transform_indices = @transform_24, window_bounds = array<i64: 128, 128>}, {pipeline_mode = #tpu.pipeline_mode<synchronous>, transform_indices = @transform_25, window_bounds = array<i64: 1, 128>}, {pipeline_mode = #tpu.pipeline_mode<synchronous>, transform_indices = @transform_26, window_bounds = array<i64: 1, 128>}, {pipeline_mode = #tpu.pipeline_mode<synchronous>, transform_indices = @transform_27, window_bounds = array<i64: 1, 128>}, {pipeline_mode = #tpu.pipeline_mode<synchronous>, transform_indices = @transform_28, window_bounds = array<i64: 128, 512>}, {pipeline_mode = #tpu.pipeline_mode<synchronous>, transform_indices = @transform_29, window_bounds = array<i64: 1, 512>}, {pipeline_mode = #tpu.pipeline_mode<synchronous>, transform_indices = @transform_30, window_bounds = array<i64: 512, 16>}, {pipeline_mode = #tpu.pipeline_mode<synchronous>, transform_indices = @transform_31, window_bounds = array<i64: 1, 16>}, {pipeline_mode = #tpu.pipeline_mode<synchronous>, transform_indices = @transform_32, window_bounds = array<i64: 16, 48>}, {pipeline_mode = #tpu.pipeline_mode<synchronous>, transform_indices = @transform_33, window_bounds = array<i64: 46, 48>}, {pipeline_mode = #tpu.pipeline_mode<synchronous>, transform_indices = @transform_34, window_bounds = array<i64: 48, 48>}, {pipeline_mode = #tpu.pipeline_mode<synchronous>, transform_indices = @transform_35, window_bounds = array<i64: 16, 48>}, {pipeline_mode = #tpu.pipeline_mode<synchronous>, transform_indices = @transform_36, window_bounds = array<i64: 46, 48>}, {pipeline_mode = #tpu.pipeline_mode<synchronous>, transform_indices = @transform_37, window_bounds = array<i64: 46, 48>}, {pipeline_mode = #tpu.pipeline_mode<synchronous>, transform_indices = @transform_38, window_bounds = array<i64: 8, 48>}, {pipeline_mode = #tpu.pipeline_mode<synchronous>, transform_indices = @transform_39, window_bounds = array<i64: 48, 16>}, {pipeline_mode = #tpu.pipeline_mode<synchronous>, transform_indices = @transform_40, window_bounds = array<i64: 48, 16>}, {pipeline_mode = #tpu.pipeline_mode<synchronous>, transform_indices = @transform_41, window_bounds = array<i64: 1, 16>}, {transform_indices = @transform_42, window_bounds = array<i64: 2000, 128>}, {transform_indices = @transform_43, window_bounds = array<i64: 2000, 16>}]} {
    %get3A = arith.constant 0 : index
    %get3A_0 = arith.constant 0 : index
    %get3A_1 = vector.load %arg1[%get3A, %get3A_0] : memref<2000x46xf32, #tpu.memory_space<vmem>>, vector<2000x46xf32>
    %get3A_2 = arith.constant 0 : index
    %get3A_3 = arith.constant 0 : index
    %get3A_4 = vector.load %arg5[%get3A_2, %get3A_3] : memref<46x48xf32, #tpu.memory_space<vmem>>, vector<46x48xf32>
    %dot_general3A = arith.constant dense<0.000000e+00> : vector<2000x48xf32>
    %dot_general3A_5 = tpu.matmul %get3A_1, %get3A_4, %dot_general3A {dimension_numbers = #tpu.dot_dimension_numbers<[1], [0], [0], [1], [0, 0, 1, 1], [], []>, transpose_lhs_hint = false} : vector<2000x46xf32>, vector<46x48xf32>, vector<2000x48xf32> -> vector<2000x48xf32>
    %get3A_6 = arith.constant 0 : index
    %get3A_7 = arith.constant 0 : index
    %get3A_8 = vector.load %arg6[%get3A_6, %get3A_7] : memref<46x48xf32, #tpu.memory_space<vmem>>, vector<46x48xf32>
    %dot_general3A_9 = arith.constant dense<0.000000e+00> : vector<2000x48xf32>
    %dot_general3A_10 = tpu.matmul %get3A_1, %get3A_8, %dot_general3A_9 {dimension_numbers = #tpu.dot_dimension_numbers<[1], [0], [0], [1], [0, 0, 1, 1], [], []>, transpose_lhs_hint = false} : vector<2000x46xf32>, vector<46x48xf32>, vector<2000x48xf32> -> vector<2000x48xf32>
    %mul3A = arith.mulf %dot_general3A_5, %dot_general3A_10 : vector<2000x48xf32>
    %get3A_11 = arith.constant 0 : index
    %get3A_12 = arith.constant 0 : index
    %get3A_13 = vector.load %arg7[%get3A_11, %get3A_12] : memref<48x128xf32, #tpu.memory_space<vmem>>, vector<48x128xf32>
    %dot_general3A_14 = arith.constant dense<0.000000e+00> : vector<2000x128xf32>
    %dot_general3A_15 = tpu.matmul %mul3A, %get3A_13, %dot_general3A_14 {dimension_numbers = #tpu.dot_dimension_numbers<[1], [0], [0], [1], [0, 0, 1, 1], [], []>, transpose_lhs_hint = false} : vector<2000x48xf32>, vector<48x128xf32>, vector<2000x128xf32> -> vector<2000x128xf32>
    %get3A_16 = arith.constant 0 : index
    %get3A_17 = arith.constant 0 : index
    %get3A_18 = vector.load %arg12[%get3A_16, %get3A_17] : memref<1x128xf32, #tpu.memory_space<vmem>>, vector<1x128xf32>
    %add3A = vector.broadcast %get3A_18 : vector<1x128xf32> to vector<2000x128xf32>
    %add3A_19 = arith.addf %dot_general3A_15, %add3A : vector<2000x128xf32>
    %max3A = arith.constant 0.000000e+00 : f32
    %max3A_20 = vector.broadcast %max3A : f32 to vector<2000x128xf32>
    %max3A_21 = arith.maximumf %add3A_19, %max3A_20 : vector<2000x128xf32>
    %get3A_22 = arith.constant 0 : index
    %get3A_23 = arith.constant 0 : index
    %get3A_24 = vector.load %arg13[%get3A_22, %get3A_23] : memref<128x128xf32, #tpu.memory_space<vmem>>, vector<128x128xf32>
    %dot_general3A_25 = arith.constant dense<0.000000e+00> : vector<2000x128xf32>
    %dot_general3A_26 = tpu.matmul %max3A_21, %get3A_24, %dot_general3A_25 {dimension_numbers = #tpu.dot_dimension_numbers<[1], [0], [0], [1], [0, 0, 1, 1], [], []>, transpose_lhs_hint = false} : vector<2000x128xf32>, vector<128x128xf32>, vector<2000x128xf32> -> vector<2000x128xf32>
    %get3A_27 = arith.constant 0 : index
    %get3A_28 = arith.constant 0 : index
    %get3A_29 = vector.load %arg14[%get3A_27, %get3A_28] : memref<1x128xf32, #tpu.memory_space<vmem>>, vector<1x128xf32>
    %add3A_30 = vector.broadcast %get3A_29 : vector<1x128xf32> to vector<2000x128xf32>
    %add3A_31 = arith.addf %dot_general3A_26, %add3A_30 : vector<2000x128xf32>
    %get3A_32 = arith.constant 0 : index
    %get3A_33 = arith.constant 0 : index
    %get3A_34 = vector.load %arg15[%get3A_32, %get3A_33] : memref<1x128xf32, #tpu.memory_space<vmem>>, vector<1x128xf32>
    %get3A_35 = arith.constant 0 : index
    %get3A_36 = arith.constant 0 : index
    %get3A_37 = vector.load %arg16[%get3A_35, %get3A_36] : memref<1x128xf32, #tpu.memory_space<vmem>>, vector<1x128xf32>
    %reduce_sum3A = arith.constant dense<0.000000e+00> : vector<2000xf32>
    %reduce_sum3A_38 = vector.multi_reduction <add>, %add3A_31, %reduce_sum3A [1] : vector<2000x128xf32> to vector<2000xf32>
    %broadcast_in_dim3A = vector.shape_cast %reduce_sum3A_38 : vector<2000xf32> to vector<2000x1xf32>
    %div3A = arith.constant 1.280000e+02 : f32
    %div3A_39 = vector.broadcast %div3A : f32 to vector<2000x1xf32>
    %div3A_40 = arith.divf %broadcast_in_dim3A, %div3A_39 : vector<2000x1xf32>
    %sub3A = vector.broadcast %div3A_40 : vector<2000x1xf32> to vector<2000x128xf32>
    %sub3A_41 = arith.subf %add3A_31, %sub3A : vector<2000x128xf32>
    %mul3A_42 = arith.mulf %sub3A_41, %sub3A_41 : vector<2000x128xf32>
    %reduce_sum3A_43 = arith.constant dense<0.000000e+00> : vector<2000xf32>
    %reduce_sum3A_44 = vector.multi_reduction <add>, %mul3A_42, %reduce_sum3A_43 [1] : vector<2000x128xf32> to vector<2000xf32>
    %broadcast_in_dim3A_45 = vector.shape_cast %reduce_sum3A_44 : vector<2000xf32> to vector<2000x1xf32>
    %div3A_46 = arith.constant 1.280000e+02 : f32
    %div3A_47 = vector.broadcast %div3A_46 : f32 to vector<2000x1xf32>
    %div3A_48 = arith.divf %broadcast_in_dim3A_45, %div3A_47 : vector<2000x1xf32>
    %add3A_49 = arith.constant 9.99999974E-6 : f32
    %add3A_50 = vector.broadcast %add3A_49 : f32 to vector<2000x1xf32>
    %add3A_51 = arith.addf %div3A_48, %add3A_50 : vector<2000x1xf32>
    %rsqrt3A = math.rsqrt %add3A_51 : vector<2000x1xf32>
    %mul3A_52 = vector.broadcast %rsqrt3A : vector<2000x1xf32> to vector<2000x128xf32>
    %mul3A_53 = arith.mulf %sub3A_41, %mul3A_52 : vector<2000x128xf32>
    %mul3A_54 = vector.broadcast %get3A_34 : vector<1x128xf32> to vector<2000x128xf32>
    %mul3A_55 = arith.mulf %mul3A_53, %mul3A_54 : vector<2000x128xf32>
    %add3A_56 = vector.broadcast %get3A_37 : vector<1x128xf32> to vector<2000x128xf32>
    %add3A_57 = arith.addf %mul3A_55, %add3A_56 : vector<2000x128xf32>
    %get3A_58 = arith.constant 0 : index
    %get3A_59 = arith.constant 0 : index
    %get3A_60 = vector.load %arg8[%get3A_58, %get3A_59] : memref<48x128xf32, #tpu.memory_space<vmem>>, vector<48x128xf32>
    %dot_general3A_61 = arith.constant dense<0.000000e+00> : vector<2000x128xf32>
    %dot_general3A_62 = tpu.matmul %mul3A, %get3A_60, %dot_general3A_61 {dimension_numbers = #tpu.dot_dimension_numbers<[1], [0], [0], [1], [0, 0, 1, 1], [], []>, transpose_lhs_hint = false} : vector<2000x48xf32>, vector<48x128xf32>, vector<2000x128xf32> -> vector<2000x128xf32>
    %get3A_63 = arith.constant 0 : index
    %get3A_64 = arith.constant 0 : index
    %get3A_65 = vector.load %arg12[%get3A_63, %get3A_64] : memref<1x128xf32, #tpu.memory_space<vmem>>, vector<1x128xf32>
    %add3A_66 = vector.broadcast %get3A_65 : vector<1x128xf32> to vector<2000x128xf32>
    %add3A_67 = arith.addf %dot_general3A_62, %add3A_66 : vector<2000x128xf32>
    %max3A_68 = arith.constant 0.000000e+00 : f32
    %max3A_69 = vector.broadcast %max3A_68 : f32 to vector<2000x128xf32>
    %max3A_70 = arith.maximumf %add3A_67, %max3A_69 : vector<2000x128xf32>
    %get3A_71 = arith.constant 0 : index
    %get3A_72 = arith.constant 0 : index
    %get3A_73 = vector.load %arg13[%get3A_71, %get3A_72] : memref<128x128xf32, #tpu.memory_space<vmem>>, vector<128x128xf32>
    %dot_general3A_74 = arith.constant dense<0.000000e+00> : vector<2000x128xf32>
    %dot_general3A_75 = tpu.matmul %max3A_70, %get3A_73, %dot_general3A_74 {dimension_numbers = #tpu.dot_dimension_numbers<[1], [0], [0], [1], [0, 0, 1, 1], [], []>, transpose_lhs_hint = false} : vector<2000x128xf32>, vector<128x128xf32>, vector<2000x128xf32> -> vector<2000x128xf32>
    %get3A_76 = arith.constant 0 : index
    %get3A_77 = arith.constant 0 : index
    %get3A_78 = vector.load %arg14[%get3A_76, %get3A_77] : memref<1x128xf32, #tpu.memory_space<vmem>>, vector<1x128xf32>
    %add3A_79 = vector.broadcast %get3A_78 : vector<1x128xf32> to vector<2000x128xf32>
    %add3A_80 = arith.addf %dot_general3A_75, %add3A_79 : vector<2000x128xf32>
    %get3A_81 = arith.constant 0 : index
    %get3A_82 = arith.constant 0 : index
    %get3A_83 = vector.load %arg15[%get3A_81, %get3A_82] : memref<1x128xf32, #tpu.memory_space<vmem>>, vector<1x128xf32>
    %get3A_84 = arith.constant 0 : index
    %get3A_85 = arith.constant 0 : index
    %get3A_86 = vector.load %arg16[%get3A_84, %get3A_85] : memref<1x128xf32, #tpu.memory_space<vmem>>, vector<1x128xf32>
    %reduce_sum3A_87 = arith.constant dense<0.000000e+00> : vector<2000xf32>
    %reduce_sum3A_88 = vector.multi_reduction <add>, %add3A_80, %reduce_sum3A_87 [1] : vector<2000x128xf32> to vector<2000xf32>
    %broadcast_in_dim3A_89 = vector.shape_cast %reduce_sum3A_88 : vector<2000xf32> to vector<2000x1xf32>
    %div3A_90 = arith.constant 1.280000e+02 : f32
    %div3A_91 = vector.broadcast %div3A_90 : f32 to vector<2000x1xf32>
    %div3A_92 = arith.divf %broadcast_in_dim3A_89, %div3A_91 : vector<2000x1xf32>
    %sub3A_93 = vector.broadcast %div3A_92 : vector<2000x1xf32> to vector<2000x128xf32>
    %sub3A_94 = arith.subf %add3A_80, %sub3A_93 : vector<2000x128xf32>
    %mul3A_95 = arith.mulf %sub3A_94, %sub3A_94 : vector<2000x128xf32>
    %reduce_sum3A_96 = arith.constant dense<0.000000e+00> : vector<2000xf32>
    %reduce_sum3A_97 = vector.multi_reduction <add>, %mul3A_95, %reduce_sum3A_96 [1] : vector<2000x128xf32> to vector<2000xf32>
    %broadcast_in_dim3A_98 = vector.shape_cast %reduce_sum3A_97 : vector<2000xf32> to vector<2000x1xf32>
    %div3A_99 = arith.constant 1.280000e+02 : f32
    %div3A_100 = vector.broadcast %div3A_99 : f32 to vector<2000x1xf32>
    %div3A_101 = arith.divf %broadcast_in_dim3A_98, %div3A_100 : vector<2000x1xf32>
    %add3A_102 = arith.constant 9.99999974E-6 : f32
    %add3A_103 = vector.broadcast %add3A_102 : f32 to vector<2000x1xf32>
    %add3A_104 = arith.addf %div3A_101, %add3A_103 : vector<2000x1xf32>
    %rsqrt3A_105 = math.rsqrt %add3A_104 : vector<2000x1xf32>
    %mul3A_106 = vector.broadcast %rsqrt3A_105 : vector<2000x1xf32> to vector<2000x128xf32>
    %mul3A_107 = arith.mulf %sub3A_94, %mul3A_106 : vector<2000x128xf32>
    %mul3A_108 = vector.broadcast %get3A_83 : vector<1x128xf32> to vector<2000x128xf32>
    %mul3A_109 = arith.mulf %mul3A_107, %mul3A_108 : vector<2000x128xf32>
    %add3A_110 = vector.broadcast %get3A_86 : vector<1x128xf32> to vector<2000x128xf32>
    %add3A_111 = arith.addf %mul3A_109, %add3A_110 : vector<2000x128xf32>
    %get3A_112 = arith.constant 0 : index
    %get3A_113 = arith.constant 0 : index
    %get3A_114 = vector.load %arg9[%get3A_112, %get3A_113] : memref<48x128xf32, #tpu.memory_space<vmem>>, vector<48x128xf32>
    %dot_general3A_115 = arith.constant dense<0.000000e+00> : vector<2000x128xf32>
    %dot_general3A_116 = tpu.matmul %mul3A, %get3A_114, %dot_general3A_115 {dimension_numbers = #tpu.dot_dimension_numbers<[1], [0], [0], [1], [0, 0, 1, 1], [], []>, transpose_lhs_hint = false} : vector<2000x48xf32>, vector<48x128xf32>, vector<2000x128xf32> -> vector<2000x128xf32>
    %sqrt3A = math.sqrt %dot_general3A_116 : vector<2000x128xf32>
    %get3A_117 = arith.constant 0 : index
    %get3A_118 = arith.constant 0 : index
    %get3A_119 = vector.load %arg11[%get3A_117, %get3A_118] : memref<1x128xf32, #tpu.memory_space<vmem>>, vector<1x128xf32>
    %mul3A_120 = vector.broadcast %get3A_119 : vector<1x128xf32> to vector<2000x128xf32>
    %mul3A_121 = arith.mulf %sqrt3A, %mul3A_120 : vector<2000x128xf32>
    %get3A_122 = arith.constant 0 : index
    %get3A_123 = arith.constant 0 : index
    %get3A_124 = vector.load %arg10[%get3A_122, %get3A_123] : memref<46x128xf32, #tpu.memory_space<vmem>>, vector<46x128xf32>
    %dot_general3A_125 = arith.constant dense<0.000000e+00> : vector<2000x128xf32>
    %dot_general3A_126 = tpu.matmul %get3A_1, %get3A_124, %dot_general3A_125 {dimension_numbers = #tpu.dot_dimension_numbers<[1], [0], [0], [1], [0, 0, 1, 1], [], []>, transpose_lhs_hint = false} : vector<2000x46xf32>, vector<46x128xf32>, vector<2000x128xf32> -> vector<2000x128xf32>
    %add3A_127 = arith.addf %mul3A_121, %dot_general3A_126 : vector<2000x128xf32>
    %get3A_128 = arith.constant 0 : index
    %get3A_129 = arith.constant 0 : index
    %get3A_130 = vector.load %arg17[%get3A_128, %get3A_129] : memref<1x128xf32, #tpu.memory_space<vmem>>, vector<1x128xf32>
    %add3A_131 = vector.broadcast %get3A_130 : vector<1x128xf32> to vector<2000x128xf32>
    %add3A_132 = arith.addf %add3A_127, %add3A_131 : vector<2000x128xf32>
    %max3A_133 = arith.constant 0.000000e+00 : f32
    %max3A_134 = vector.broadcast %max3A_133 : f32 to vector<2000x128xf32>
    %max3A_135 = arith.maximumf %add3A_132, %max3A_134 : vector<2000x128xf32>
    %get3A_136 = arith.constant 0 : index
    %get3A_137 = arith.constant 0 : index
    %get3A_138 = vector.load %arg18[%get3A_136, %get3A_137] : memref<128x128xf32, #tpu.memory_space<vmem>>, vector<128x128xf32>
    %dot_general3A_139 = arith.constant dense<0.000000e+00> : vector<2000x128xf32>
    %dot_general3A_140 = tpu.matmul %max3A_135, %get3A_138, %dot_general3A_139 {dimension_numbers = #tpu.dot_dimension_numbers<[1], [0], [0], [1], [0, 0, 1, 1], [], []>, transpose_lhs_hint = false} : vector<2000x128xf32>, vector<128x128xf32>, vector<2000x128xf32> -> vector<2000x128xf32>
    %get3A_141 = arith.constant 0 : index
    %get3A_142 = arith.constant 0 : index
    %get3A_143 = vector.load %arg19[%get3A_141, %get3A_142] : memref<1x128xf32, #tpu.memory_space<vmem>>, vector<1x128xf32>
    %add3A_144 = vector.broadcast %get3A_143 : vector<1x128xf32> to vector<2000x128xf32>
    %add3A_145 = arith.addf %dot_general3A_140, %add3A_144 : vector<2000x128xf32>
    %get3A_146 = arith.constant 0 : index
    %get3A_147 = arith.constant 0 : index
    %get3A_148 = vector.load %arg20[%get3A_146, %get3A_147] : memref<1x128xf32, #tpu.memory_space<vmem>>, vector<1x128xf32>
    %get3A_149 = arith.constant 0 : index
    %get3A_150 = arith.constant 0 : index
    %get3A_151 = vector.load %arg21[%get3A_149, %get3A_150] : memref<1x128xf32, #tpu.memory_space<vmem>>, vector<1x128xf32>
    %reduce_sum3A_152 = arith.constant dense<0.000000e+00> : vector<2000xf32>
    %reduce_sum3A_153 = vector.multi_reduction <add>, %add3A_145, %reduce_sum3A_152 [1] : vector<2000x128xf32> to vector<2000xf32>
    %broadcast_in_dim3A_154 = vector.shape_cast %reduce_sum3A_153 : vector<2000xf32> to vector<2000x1xf32>
    %div3A_155 = arith.constant 1.280000e+02 : f32
    %div3A_156 = vector.broadcast %div3A_155 : f32 to vector<2000x1xf32>
    %div3A_157 = arith.divf %broadcast_in_dim3A_154, %div3A_156 : vector<2000x1xf32>
    %sub3A_158 = vector.broadcast %div3A_157 : vector<2000x1xf32> to vector<2000x128xf32>
    %sub3A_159 = arith.subf %add3A_145, %sub3A_158 : vector<2000x128xf32>
    %mul3A_160 = arith.mulf %sub3A_159, %sub3A_159 : vector<2000x128xf32>
    %reduce_sum3A_161 = arith.constant dense<0.000000e+00> : vector<2000xf32>
    %reduce_sum3A_162 = vector.multi_reduction <add>, %mul3A_160, %reduce_sum3A_161 [1] : vector<2000x128xf32> to vector<2000xf32>
    %broadcast_in_dim3A_163 = vector.shape_cast %reduce_sum3A_162 : vector<2000xf32> to vector<2000x1xf32>
    %div3A_164 = arith.constant 1.280000e+02 : f32
    %div3A_165 = vector.broadcast %div3A_164 : f32 to vector<2000x1xf32>
    %div3A_166 = arith.divf %broadcast_in_dim3A_163, %div3A_165 : vector<2000x1xf32>
    %add3A_167 = arith.constant 9.99999974E-6 : f32
    %add3A_168 = vector.broadcast %add3A_167 : f32 to vector<2000x1xf32>
    %add3A_169 = arith.addf %div3A_166, %add3A_168 : vector<2000x1xf32>
    %rsqrt3A_170 = math.rsqrt %add3A_169 : vector<2000x1xf32>
    %mul3A_171 = vector.broadcast %rsqrt3A_170 : vector<2000x1xf32> to vector<2000x128xf32>
    %mul3A_172 = arith.mulf %sub3A_159, %mul3A_171 : vector<2000x128xf32>
    %mul3A_173 = vector.broadcast %get3A_148 : vector<1x128xf32> to vector<2000x128xf32>
    %mul3A_174 = arith.mulf %mul3A_172, %mul3A_173 : vector<2000x128xf32>
    %add3A_175 = vector.broadcast %get3A_151 : vector<1x128xf32> to vector<2000x128xf32>
    %add3A_176 = arith.addf %mul3A_174, %add3A_175 : vector<2000x128xf32>
    %add3A_177 = arith.addf %add3A_57, %add3A_111 : vector<2000x128xf32>
    %get3A_178 = arith.constant 0 : index
    %get3A_179 = arith.constant 0 : index
    %get3A_180 = vector.load %arg22[%get3A_178, %get3A_179] : memref<128x128xf32, #tpu.memory_space<vmem>>, vector<128x128xf32>
    %dot_general3A_181 = arith.constant dense<0.000000e+00> : vector<2000x128xf32>
    %dot_general3A_182 = tpu.matmul %add3A_177, %get3A_180, %dot_general3A_181 {dimension_numbers = #tpu.dot_dimension_numbers<[1], [0], [0], [1], [0, 0, 1, 1], [], []>, transpose_lhs_hint = false} : vector<2000x128xf32>, vector<128x128xf32>, vector<2000x128xf32> -> vector<2000x128xf32>
    %get3A_183 = arith.constant 0 : index
    %get3A_184 = arith.constant 0 : index
    %get3A_185 = vector.load %arg2[%get3A_183, %get3A_184] : memref<2000x128xf32, #tpu.memory_space<vmem>>, vector<2000x128xf32>
    %add3A_186 = arith.addf %dot_general3A_182, %get3A_185 : vector<2000x128xf32>
    %get3A_187 = arith.constant 0 : index
    %get3A_188 = arith.constant 0 : index
    %get3A_189 = vector.load %arg23[%get3A_187, %get3A_188] : memref<128x128xf32, #tpu.memory_space<vmem>>, vector<128x128xf32>
    %dot_general3A_190 = arith.constant dense<0.000000e+00> : vector<2000x128xf32>
    %dot_general3A_191 = tpu.matmul %add3A_176, %get3A_189, %dot_general3A_190 {dimension_numbers = #tpu.dot_dimension_numbers<[1], [0], [0], [1], [0, 0, 1, 1], [], []>, transpose_lhs_hint = false} : vector<2000x128xf32>, vector<128x128xf32>, vector<2000x128xf32> -> vector<2000x128xf32>
    %add3A_192 = arith.addf %add3A_186, %dot_general3A_191 : vector<2000x128xf32>
    %get3A_193 = arith.constant 0 : index
    %get3A_194 = arith.constant 0 : index
    %get3A_195 = vector.load %arg24[%get3A_193, %get3A_194] : memref<1x128xf32, #tpu.memory_space<vmem>>, vector<1x128xf32>
    %add3A_196 = vector.broadcast %get3A_195 : vector<1x128xf32> to vector<2000x128xf32>
    %add3A_197 = arith.addf %add3A_192, %add3A_196 : vector<2000x128xf32>
    %max3A_198 = arith.constant 0.000000e+00 : f32
    %max3A_199 = vector.broadcast %max3A_198 : f32 to vector<2000x128xf32>
    %max3A_200 = arith.maximumf %add3A_197, %max3A_199 : vector<2000x128xf32>
    %get3A_201 = arith.constant 0 : index
    %get3A_202 = arith.constant 0 : index
    %get3A_203 = vector.load %arg25[%get3A_201, %get3A_202] : memref<128x128xf32, #tpu.memory_space<vmem>>, vector<128x128xf32>
    %dot_general3A_204 = arith.constant dense<0.000000e+00> : vector<2000x128xf32>
    %dot_general3A_205 = tpu.matmul %max3A_200, %get3A_203, %dot_general3A_204 {dimension_numbers = #tpu.dot_dimension_numbers<[1], [0], [0], [1], [0, 0, 1, 1], [], []>, transpose_lhs_hint = false} : vector<2000x128xf32>, vector<128x128xf32>, vector<2000x128xf32> -> vector<2000x128xf32>
    %get3A_206 = arith.constant 0 : index
    %get3A_207 = arith.constant 0 : index
    %get3A_208 = vector.load %arg26[%get3A_206, %get3A_207] : memref<1x128xf32, #tpu.memory_space<vmem>>, vector<1x128xf32>
    %add3A_209 = vector.broadcast %get3A_208 : vector<1x128xf32> to vector<2000x128xf32>
    %add3A_210 = arith.addf %dot_general3A_205, %add3A_209 : vector<2000x128xf32>
    %get3A_211 = arith.constant 0 : index
    %get3A_212 = arith.constant 0 : index
    %get3A_213 = vector.load %arg27[%get3A_211, %get3A_212] : memref<1x128xf32, #tpu.memory_space<vmem>>, vector<1x128xf32>
    %get3A_214 = arith.constant 0 : index
    %get3A_215 = arith.constant 0 : index
    %get3A_216 = vector.load %arg28[%get3A_214, %get3A_215] : memref<1x128xf32, #tpu.memory_space<vmem>>, vector<1x128xf32>
    %reduce_sum3A_217 = arith.constant dense<0.000000e+00> : vector<2000xf32>
    %reduce_sum3A_218 = vector.multi_reduction <add>, %add3A_210, %reduce_sum3A_217 [1] : vector<2000x128xf32> to vector<2000xf32>
    %broadcast_in_dim3A_219 = vector.shape_cast %reduce_sum3A_218 : vector<2000xf32> to vector<2000x1xf32>
    %div3A_220 = arith.constant 1.280000e+02 : f32
    %div3A_221 = vector.broadcast %div3A_220 : f32 to vector<2000x1xf32>
    %div3A_222 = arith.divf %broadcast_in_dim3A_219, %div3A_221 : vector<2000x1xf32>
    %sub3A_223 = vector.broadcast %div3A_222 : vector<2000x1xf32> to vector<2000x128xf32>
    %sub3A_224 = arith.subf %add3A_210, %sub3A_223 : vector<2000x128xf32>
    %mul3A_225 = arith.mulf %sub3A_224, %sub3A_224 : vector<2000x128xf32>
    %reduce_sum3A_226 = arith.constant dense<0.000000e+00> : vector<2000xf32>
    %reduce_sum3A_227 = vector.multi_reduction <add>, %mul3A_225, %reduce_sum3A_226 [1] : vector<2000x128xf32> to vector<2000xf32>
    %broadcast_in_dim3A_228 = vector.shape_cast %reduce_sum3A_227 : vector<2000xf32> to vector<2000x1xf32>
    %div3A_229 = arith.constant 1.280000e+02 : f32
    %div3A_230 = vector.broadcast %div3A_229 : f32 to vector<2000x1xf32>
    %div3A_231 = arith.divf %broadcast_in_dim3A_228, %div3A_230 : vector<2000x1xf32>
    %add3A_232 = arith.constant 9.99999974E-6 : f32
    %add3A_233 = vector.broadcast %add3A_232 : f32 to vector<2000x1xf32>
    %add3A_234 = arith.addf %div3A_231, %add3A_233 : vector<2000x1xf32>
    %rsqrt3A_235 = math.rsqrt %add3A_234 : vector<2000x1xf32>
    %mul3A_236 = vector.broadcast %rsqrt3A_235 : vector<2000x1xf32> to vector<2000x128xf32>
    %mul3A_237 = arith.mulf %sub3A_224, %mul3A_236 : vector<2000x128xf32>
    %mul3A_238 = vector.broadcast %get3A_213 : vector<1x128xf32> to vector<2000x128xf32>
    %mul3A_239 = arith.mulf %mul3A_237, %mul3A_238 : vector<2000x128xf32>
    %add3A_240 = vector.broadcast %get3A_216 : vector<1x128xf32> to vector<2000x128xf32>
    %add3A_241 = arith.addf %mul3A_239, %add3A_240 : vector<2000x128xf32>
    %swap3A = arith.constant 0 : index
    %swap3A_242 = arith.constant 0 : index
    %swap3A_243 = vector.load %arg43[%swap3A, %swap3A_242] : memref<2000x128xf32, #tpu.memory_space<vmem>>, vector<2000x128xf32>
    tpu.vector_store %arg43[%swap3A, %swap3A_242], %add3A_241 {strides = array<i32>} : memref<2000x128xf32, #tpu.memory_space<vmem>>, vector<2000x128xf32>,
    %get3A_244 = arith.constant 0 : index
    %get3A_245 = arith.constant 0 : index
    %get3A_246 = vector.load %arg29[%get3A_244, %get3A_245] : memref<128x512xf32, #tpu.memory_space<vmem>>, vector<128x512xf32>
    %dot_general3A_247 = arith.constant dense<0.000000e+00> : vector<2000x512xf32>
    %dot_general3A_248 = tpu.matmul %add3A_241, %get3A_246, %dot_general3A_247 {dimension_numbers = #tpu.dot_dimension_numbers<[1], [0], [0], [1], [0, 0, 1, 1], [], []>, transpose_lhs_hint = false} : vector<2000x128xf32>, vector<128x512xf32>, vector<2000x512xf32> -> vector<2000x512xf32>
    %get3A_249 = arith.constant 0 : index
    %get3A_250 = arith.constant 0 : index
    %get3A_251 = vector.load %arg30[%get3A_249, %get3A_250] : memref<1x512xf32, #tpu.memory_space<vmem>>, vector<1x512xf32>
    %add3A_252 = vector.broadcast %get3A_251 : vector<1x512xf32> to vector<2000x512xf32>
    %add3A_253 = arith.addf %dot_general3A_248, %add3A_252 : vector<2000x512xf32>
    %max3A_254 = arith.constant 0.000000e+00 : f32
    %max3A_255 = vector.broadcast %max3A_254 : f32 to vector<2000x512xf32>
    %max3A_256 = arith.maximumf %add3A_253, %max3A_255 : vector<2000x512xf32>
    %get3A_257 = arith.constant 0 : index
    %get3A_258 = arith.constant 0 : index
    %get3A_259 = vector.load %arg31[%get3A_257, %get3A_258] : memref<512x16xf32, #tpu.memory_space<vmem>>, vector<512x16xf32>
    %dot_general3A_260 = arith.constant dense<0.000000e+00> : vector<2000x16xf32>
    %dot_general3A_261 = tpu.matmul %max3A_256, %get3A_259, %dot_general3A_260 {dimension_numbers = #tpu.dot_dimension_numbers<[1], [0], [0], [1], [0, 0, 1, 1], [], []>, transpose_lhs_hint = false} : vector<2000x512xf32>, vector<512x16xf32>, vector<2000x16xf32> -> vector<2000x16xf32>
    %get3A_262 = arith.constant 0 : index
    %get3A_263 = arith.constant 0 : index
    %get3A_264 = vector.load %arg32[%get3A_262, %get3A_263] : memref<1x16xf32, #tpu.memory_space<vmem>>, vector<1x16xf32>
    %add3A_265 = vector.broadcast %get3A_264 : vector<1x16xf32> to vector<2000x16xf32>
    %add3A_266 = arith.addf %dot_general3A_261, %add3A_265 : vector<2000x16xf32>
    %get3A_267 = arith.constant 0 : index
    %get3A_268 = arith.constant 0 : index
    %get3A_269 = vector.load %arg33[%get3A_267, %get3A_268] : memref<16x48xf32, #tpu.memory_space<vmem>>, vector<16x48xf32>
    %dot_general3A_270 = arith.constant dense<0.000000e+00> : vector<2000x48xf32>
    %dot_general3A_271 = tpu.matmul %add3A_266, %get3A_269, %dot_general3A_270 {dimension_numbers = #tpu.dot_dimension_numbers<[1], [0], [0], [1], [0, 0, 1, 1], [], []>, transpose_lhs_hint = false} : vector<2000x16xf32>, vector<16x48xf32>, vector<2000x48xf32> -> vector<2000x48xf32>
    %get3A_272 = arith.constant 0 : index
    %get3A_273 = arith.constant 0 : index
    %get3A_274 = vector.load %arg34[%get3A_272, %get3A_273] : memref<46x48xf32, #tpu.memory_space<vmem>>, vector<46x48xf32>
    %dot_general3A_275 = arith.constant dense<0.000000e+00> : vector<2000x48xf32>
    %dot_general3A_276 = tpu.matmul %get3A_1, %get3A_274, %dot_general3A_275 {dimension_numbers = #tpu.dot_dimension_numbers<[1], [0], [0], [1], [0, 0, 1, 1], [], []>, transpose_lhs_hint = false} : vector<2000x46xf32>, vector<46x48xf32>, vector<2000x48xf32> -> vector<2000x48xf32>
    %mul3A_277 = arith.mulf %dot_general3A_271, %dot_general3A_276 : vector<2000x48xf32>
    %get3A_278 = arith.constant 0 : index
    %get3A_279 = arith.constant 0 : index
    %get3A_280 = vector.load %arg37[%get3A_278, %get3A_279] : memref<46x48xf32, #tpu.memory_space<vmem>>, vector<46x48xf32>
    %dot_general3A_281 = arith.constant dense<0.000000e+00> : vector<2000x48xf32>
    %dot_general3A_282 = tpu.matmul %get3A_1, %get3A_280, %dot_general3A_281 {dimension_numbers = #tpu.dot_dimension_numbers<[1], [0], [0], [1], [0, 0, 1, 1], [], []>, transpose_lhs_hint = false} : vector<2000x46xf32>, vector<46x48xf32>, vector<2000x48xf32> -> vector<2000x48xf32>
    %get3A_283 = arith.constant 0 : index
    %get3A_284 = arith.constant 0 : index
    %get3A_285 = vector.load %arg38[%get3A_283, %get3A_284] : memref<46x48xf32, #tpu.memory_space<vmem>>, vector<46x48xf32>
    %dot_general3A_286 = arith.constant dense<0.000000e+00> : vector<2000x48xf32>
    %dot_general3A_287 = tpu.matmul %get3A_1, %get3A_285, %dot_general3A_286 {dimension_numbers = #tpu.dot_dimension_numbers<[1], [0], [0], [1], [0, 0, 1, 1], [], []>, transpose_lhs_hint = false} : vector<2000x46xf32>, vector<46x48xf32>, vector<2000x48xf32> -> vector<2000x48xf32>
    %get3A_288 = arith.constant 0 : index
    %get3A_289 = arith.constant 0 : index
    %get3A_290 = vector.load %arg3[%get3A_288, %get3A_289] : memref<2000x8xf32, #tpu.memory_space<vmem>>, vector<2000x8xf32>
    %get3A_291 = arith.constant 0 : index
    %get3A_292 = arith.constant 0 : index
    %get3A_293 = vector.load %arg39[%get3A_291, %get3A_292] : memref<8x48xf32, #tpu.memory_space<vmem>>, vector<8x48xf32>
    %dot_general3A_294 = arith.constant dense<0.000000e+00> : vector<2000x48xf32>
    %dot_general3A_295 = tpu.matmul %get3A_290, %get3A_293, %dot_general3A_294 {dimension_numbers = #tpu.dot_dimension_numbers<[1], [0], [0], [1], [0, 0, 1, 1], [], []>, transpose_lhs_hint = false} : vector<2000x8xf32>, vector<8x48xf32>, vector<2000x48xf32> -> vector<2000x48xf32>
    %get3A_296 = arith.constant 0 : index
    %get3A_297 = arith.constant 0 : index
    %get3A_298 = vector.load %arg4[%get3A_296, %get3A_297] : memref<2000x8xf32, #tpu.memory_space<vmem>>, vector<2000x8xf32>
    %get3A_299 = arith.constant 0 : index
    %get3A_300 = arith.constant 0 : index
    %get3A_301 = vector.load %arg39[%get3A_299, %get3A_300] : memref<8x48xf32, #tpu.memory_space<vmem>>, vector<8x48xf32>
    %dot_general3A_302 = arith.constant dense<0.000000e+00> : vector<2000x48xf32>
    %dot_general3A_303 = tpu.matmul %get3A_298, %get3A_301, %dot_general3A_302 {dimension_numbers = #tpu.dot_dimension_numbers<[1], [0], [0], [1], [0, 0, 1, 1], [], []>, transpose_lhs_hint = false} : vector<2000x8xf32>, vector<8x48xf32>, vector<2000x48xf32> -> vector<2000x48xf32>
    %mul3A_304 = arith.mulf %dot_general3A_295, %dot_general3A_282 : vector<2000x48xf32>
    %mul3A_305 = arith.mulf %dot_general3A_303, %dot_general3A_287 : vector<2000x48xf32>
    %add3A_306 = arith.addf %mul3A_304, %mul3A_305 : vector<2000x48xf32>
    %add3A_307 = arith.addf %dot_general3A_295, %dot_general3A_303 : vector<2000x48xf32>
    %div3A_308 = arith.divf %add3A_306, %add3A_307 : vector<2000x48xf32>
    %sub3A_309 = arith.subf %dot_general3A_287, %div3A_308 : vector<2000x48xf32>
    %get3A_310 = arith.constant 0 : index
    %get3A_311 = arith.constant 0 : index
    %get3A_312 = vector.load %arg35[%get3A_310, %get3A_311] : memref<48x48xf32, #tpu.memory_space<vmem>>, vector<48x48xf32>
    %dot_general3A_313 = arith.constant dense<0.000000e+00> : vector<2000x48xf32>
    %dot_general3A_314 = tpu.matmul %mul3A_277, %get3A_312, %dot_general3A_313 {dimension_numbers = #tpu.dot_dimension_numbers<[1], [0], [0], [1], [0, 0, 1, 1], [], []>, transpose_lhs_hint = false} : vector<2000x48xf32>, vector<48x48xf32>, vector<2000x48xf32> -> vector<2000x48xf32>
    %get3A_315 = arith.constant 0 : index
    %get3A_316 = arith.constant 0 : index
    %get3A_317 = vector.load %arg36[%get3A_315, %get3A_316] : memref<16x48xf32, #tpu.memory_space<vmem>>, vector<16x48xf32>
    %dot_general3A_318 = arith.constant dense<0.000000e+00> : vector<2000x48xf32>
    %dot_general3A_319 = tpu.matmul %add3A_266, %get3A_317, %dot_general3A_318 {dimension_numbers = #tpu.dot_dimension_numbers<[1], [0], [0], [1], [0, 0, 1, 1], [], []>, transpose_lhs_hint = false} : vector<2000x16xf32>, vector<16x48xf32>, vector<2000x48xf32> -> vector<2000x48xf32>
    %mul3A_320 = arith.mulf %dot_general3A_314, %dot_general3A_319 : vector<2000x48xf32>
    %mul3A_321 = arith.mulf %sub3A_309, %mul3A_320 : vector<2000x48xf32>
    %get3A_322 = arith.constant 0 : index
    %get3A_323 = arith.constant 0 : index
    %get3A_324 = vector.load %arg40[%get3A_322, %get3A_323] : memref<48x16xf32, #tpu.memory_space<vmem>>, vector<48x16xf32>
    %dot_general3A_325 = arith.constant dense<0.000000e+00> : vector<2000x16xf32>
    %dot_general3A_326 = tpu.matmul %mul3A_277, %get3A_324, %dot_general3A_325 {dimension_numbers = #tpu.dot_dimension_numbers<[1], [0], [0], [1], [0, 0, 1, 1], [], []>, transpose_lhs_hint = false} : vector<2000x48xf32>, vector<48x16xf32>, vector<2000x16xf32> -> vector<2000x16xf32>
    %get3A_327 = arith.constant 0 : index
    %get3A_328 = arith.constant 0 : index
    %get3A_329 = vector.load %arg41[%get3A_327, %get3A_328] : memref<48x16xf32, #tpu.memory_space<vmem>>, vector<48x16xf32>
    %dot_general3A_330 = arith.constant dense<0.000000e+00> : vector<2000x16xf32>
    %dot_general3A_331 = tpu.matmul %mul3A_321, %get3A_329, %dot_general3A_330 {dimension_numbers = #tpu.dot_dimension_numbers<[1], [0], [0], [1], [0, 0, 1, 1], [], []>, transpose_lhs_hint = false} : vector<2000x48xf32>, vector<48x16xf32>, vector<2000x16xf32> -> vector<2000x16xf32>
    %add3A_332 = arith.addf %dot_general3A_326, %dot_general3A_331 : vector<2000x16xf32>
    %get3A_333 = arith.constant 0 : index
    %get3A_334 = arith.constant 0 : index
    %get3A_335 = vector.load %arg42[%get3A_333, %get3A_334] : memref<1x16xf32, #tpu.memory_space<vmem>>, vector<1x16xf32>
    %add3A_336 = vector.broadcast %get3A_335 : vector<1x16xf32> to vector<2000x16xf32>
    %add3A_337 = arith.addf %add3A_332, %add3A_336 : vector<2000x16xf32>
    %swap3A_338 = arith.constant 0 : index
    %swap3A_339 = arith.constant 0 : index
    %swap3A_340 = vector.load %arg44[%swap3A_338, %swap3A_339] : memref<2000x16xf32, #tpu.memory_space<vmem>>, vector<2000x16xf32>
    tpu.vector_store %arg44[%swap3A_338, %swap3A_339], %add3A_337 {strides = array<i32>} : memref<2000x16xf32, #tpu.memory_space<vmem>>, vector<2000x16xf32>,
    return
  }
  func.func @transform_0(%arg0: i32) -> (i32, i32) {
    %c0_i32 = arith.constant 0 : i32
    %c0_i32_0 = arith.constant 0 : i32
    return %arg0, %c0_i32 : i32, i32
  }
  func.func @transform_1(%arg0: i32) -> (i32, i32) {
    %c0_i32 = arith.constant 0 : i32
    %c0_i32_0 = arith.constant 0 : i32
    return %arg0, %c0_i32 : i32, i32
  }
  func.func @transform_2(%arg0: i32) -> (i32, i32) {
    %c0_i32 = arith.constant 0 : i32
    %c0_i32_0 = arith.constant 0 : i32
    return %arg0, %c0_i32 : i32, i32
  }
  func.func @transform_3(%arg0: i32) -> (i32, i32) {
    %c0_i32 = arith.constant 0 : i32
    %c0_i32_0 = arith.constant 0 : i32
    return %arg0, %c0_i32 : i32, i32
  }
  func.func @transform_4(%arg0: i32) -> (i32, i32) {
    %c0_i32 = arith.constant 0 : i32
    %c0_i32_0 = arith.constant 0 : i32
    %c0_i32_1 = arith.constant 0 : i32
    return %c0_i32, %c0_i32_0 : i32, i32
  }
  func.func @transform_5(%arg0: i32) -> (i32, i32) {
    %c0_i32 = arith.constant 0 : i32
    %c0_i32_0 = arith.constant 0 : i32
    %c0_i32_1 = arith.constant 0 : i32
    return %c0_i32, %c0_i32_0 : i32, i32
  }
  func.func @transform_6(%arg0: i32) -> (i32, i32) {
    %c0_i32 = arith.constant 0 : i32
    %c0_i32_0 = arith.constant 0 : i32
    %c0_i32_1 = arith.constant 0 : i32
    return %c0_i32, %c0_i32_0 : i32, i32
  }
  func.func @transform_7(%arg0: i32) -> (i32, i32) {
    %c0_i32 = arith.constant 0 : i32
    %c0_i32_0 = arith.constant 0 : i32
    %c0_i32_1 = arith.constant 0 : i32
    return %c0_i32, %c0_i32_0 : i32, i32
  }
  func.func @transform_8(%arg0: i32) -> (i32, i32) {
    %c0_i32 = arith.constant 0 : i32
    %c0_i32_0 = arith.constant 0 : i32
    %c0_i32_1 = arith.constant 0 : i32
    return %c0_i32, %c0_i32_0 : i32, i32
  }
  func.func @transform_9(%arg0: i32) -> (i32, i32) {
    %c0_i32 = arith.constant 0 : i32
    %c0_i32_0 = arith.constant 0 : i32
    %c0_i32_1 = arith.constant 0 : i32
    return %c0_i32, %c0_i32_0 : i32, i32
  }
  func.func @transform_10(%arg0: i32) -> (i32, i32) {
    %c0_i32 = arith.constant 0 : i32
    %c0_i32_0 = arith.constant 0 : i32
    %c0_i32_1 = arith.constant 0 : i32
    return %c0_i32, %c0_i32_0 : i32, i32
  }
  func.func @transform_11(%arg0: i32) -> (i32, i32) {
    %c0_i32 = arith.constant 0 : i32
    %c0_i32_0 = arith.constant 0 : i32
    %c0_i32_1 = arith.constant 0 : i32
    return %c0_i32, %c0_i32_0 : i32, i32
  }
  func.func @transform_12(%arg0: i32) -> (i32, i32) {
    %c0_i32 = arith.constant 0 : i32
    %c0_i32_0 = arith.constant 0 : i32
    %c0_i32_1 = arith.constant 0 : i32
    return %c0_i32, %c0_i32_0 : i32, i32
  }
  func.func @transform_13(%arg0: i32) -> (i32, i32) {
    %c0_i32 = arith.constant 0 : i32
    %c0_i32_0 = arith.constant 0 : i32
    %c0_i32_1 = arith.constant 0 : i32
    return %c0_i32, %c0_i32_0 : i32, i32
  }
  func.func @transform_14(%arg0: i32) -> (i32, i32) {
    %c0_i32 = arith.constant 0 : i32
    %c0_i32_0 = arith.constant 0 : i32
    %c0_i32_1 = arith.constant 0 : i32
    return %c0_i32, %c0_i32_0 : i32, i32
  }
  func.func @transform_15(%arg0: i32) -> (i32, i32) {
    %c0_i32 = arith.constant 0 : i32
    %c0_i32_0 = arith.constant 0 : i32
    %c0_i32_1 = arith.constant 0 : i32
    return %c0_i32, %c0_i32_0 : i32, i32
  }
  func.func @transform_16(%arg0: i32) -> (i32, i32) {
    %c0_i32 = arith.constant 0 : i32
    %c0_i32_0 = arith.constant 0 : i32
    %c0_i32_1 = arith.constant 0 : i32
    return %c0_i32, %c0_i32_0 : i32, i32
  }
  func.func @transform_17(%arg0: i32) -> (i32, i32) {
    %c0_i32 = arith.constant 0 : i32
    %c0_i32_0 = arith.constant 0 : i32
    %c0_i32_1 = arith.constant 0 : i32
    return %c0_i32, %c0_i32_0 : i32, i32
  }
  func.func @transform_18(%arg0: i32) -> (i32, i32) {
    %c0_i32 = arith.constant 0 : i32
    %c0_i32_0 = arith.constant 0 : i32
    %c0_i32_1 = arith.constant 0 : i32
    return %c0_i32, %c0_i32_0 : i32, i32
  }
  func.func @transform_19(%arg0: i32) -> (i32, i32) {
    %c0_i32 = arith.constant 0 : i32
    %c0_i32_0 = arith.constant 0 : i32
    %c0_i32_1 = arith.constant 0 : i32
    return %c0_i32, %c0_i32_0 : i32, i32
  }
  func.func @transform_20(%arg0: i32) -> (i32, i32) {
    %c0_i32 = arith.constant 0 : i32
    %c0_i32_0 = arith.constant 0 : i32
    %c0_i32_1 = arith.constant 0 : i32
    return %c0_i32, %c0_i32_0 : i32, i32
  }
  func.func @transform_21(%arg0: i32) -> (i32, i32) {
    %c0_i32 = arith.constant 0 : i32
    %c0_i32_0 = arith.constant 0 : i32
    %c0_i32_1 = arith.constant 0 : i32
    return %c0_i32, %c0_i32_0 : i32, i32
  }
  func.func @transform_22(%arg0: i32) -> (i32, i32) {
    %c0_i32 = arith.constant 0 : i32
    %c0_i32_0 = arith.constant 0 : i32
    %c0_i32_1 = arith.constant 0 : i32
    return %c0_i32, %c0_i32_0 : i32, i32
  }
  func.func @transform_23(%arg0: i32) -> (i32, i32) {
    %c0_i32 = arith.constant 0 : i32
    %c0_i32_0 = arith.constant 0 : i32
    %c0_i32_1 = arith.constant 0 : i32
    return %c0_i32, %c0_i32_0 : i32, i32
  }
  func.func @transform_24(%arg0: i32) -> (i32, i32) {
    %c0_i32 = arith.constant 0 : i32
    %c0_i32_0 = arith.constant 0 : i32
    %c0_i32_1 = arith.constant 0 : i32
    return %c0_i32, %c0_i32_0 : i32, i32
  }
  func.func @transform_25(%arg0: i32) -> (i32, i32) {
    %c0_i32 = arith.constant 0 : i32
    %c0_i32_0 = arith.constant 0 : i32
    %c0_i32_1 = arith.constant 0 : i32
    return %c0_i32, %c0_i32_0 : i32, i32
  }
  func.func @transform_26(%arg0: i32) -> (i32, i32) {
    %c0_i32 = arith.constant 0 : i32
    %c0_i32_0 = arith.constant 0 : i32
    %c0_i32_1 = arith.constant 0 : i32
    return %c0_i32, %c0_i32_0 : i32, i32
  }
  func.func @transform_27(%arg0: i32) -> (i32, i32) {
    %c0_i32 = arith.constant 0 : i32
    %c0_i32_0 = arith.constant 0 : i32
    %c0_i32_1 = arith.constant 0 : i32
    return %c0_i32, %c0_i32_0 : i32, i32
  }
  func.func @transform_28(%arg0: i32) -> (i32, i32) {
    %c0_i32 = arith.constant 0 : i32
    %c0_i32_0 = arith.constant 0 : i32
    %c0_i32_1 = arith.constant 0 : i32
    return %c0_i32, %c0_i32_0 : i32, i32
  }
  func.func @transform_29(%arg0: i32) -> (i32, i32) {
    %c0_i32 = arith.constant 0 : i32
    %c0_i32_0 = arith.constant 0 : i32
    %c0_i32_1 = arith.constant 0 : i32
    return %c0_i32, %c0_i32_0 : i32, i32
  }
  func.func @transform_30(%arg0: i32) -> (i32, i32) {
    %c0_i32 = arith.constant 0 : i32
    %c0_i32_0 = arith.constant 0 : i32
    %c0_i32_1 = arith.constant 0 : i32
    return %c0_i32, %c0_i32_0 : i32, i32
  }
  func.func @transform_31(%arg0: i32) -> (i32, i32) {
    %c0_i32 = arith.constant 0 : i32
    %c0_i32_0 = arith.constant 0 : i32
    %c0_i32_1 = arith.constant 0 : i32
    return %c0_i32, %c0_i32_0 : i32, i32
  }
  func.func @transform_32(%arg0: i32) -> (i32, i32) {
    %c0_i32 = arith.constant 0 : i32
    %c0_i32_0 = arith.constant 0 : i32
    %c0_i32_1 = arith.constant 0 : i32
    return %c0_i32, %c0_i32_0 : i32, i32
  }
  func.func @transform_33(%arg0: i32) -> (i32, i32) {
    %c0_i32 = arith.constant 0 : i32
    %c0_i32_0 = arith.constant 0 : i32
    %c0_i32_1 = arith.constant 0 : i32
    return %c0_i32, %c0_i32_0 : i32, i32
  }
  func.func @transform_34(%arg0: i32) -> (i32, i32) {
    %c0_i32 = arith.constant 0 : i32
    %c0_i32_0 = arith.constant 0 : i32
    %c0_i32_1 = arith.constant 0 : i32
    return %c0_i32, %c0_i32_0 : i32, i32
  }
  func.func @transform_35(%arg0: i32) -> (i32, i32) {
    %c0_i32 = arith.constant 0 : i32
    %c0_i32_0 = arith.constant 0 : i32
    %c0_i32_1 = arith.constant 0 : i32
    return %c0_i32, %c0_i32_0 : i32, i32
  }
  func.func @transform_36(%arg0: i32) -> (i32, i32) {
    %c0_i32 = arith.constant 0 : i32
    %c0_i32_0 = arith.constant 0 : i32
    %c0_i32_1 = arith.constant 0 : i32
    return %c0_i32, %c0_i32_0 : i32, i32
  }
  func.func @transform_37(%arg0: i32) -> (i32, i32) {
    %c0_i32 = arith.constant 0 : i32
    %c0_i32_0 = arith.constant 0 : i32
    %c0_i32_1 = arith.constant 0 : i32
    return %c0_i32, %c0_i32_0 : i32, i32
  }
  func.func @transform_38(%arg0: i32) -> (i32, i32) {
    %c0_i32 = arith.constant 0 : i32
    %c0_i32_0 = arith.constant 0 : i32
    %c0_i32_1 = arith.constant 0 : i32
    return %c0_i32, %c0_i32_0 : i32, i32
  }
  func.func @transform_39(%arg0: i32) -> (i32, i32) {
    %c0_i32 = arith.constant 0 : i32
    %c0_i32_0 = arith.constant 0 : i32
    %c0_i32_1 = arith.constant 0 : i32
    return %c0_i32, %c0_i32_0 : i32, i32
  }
  func.func @transform_40(%arg0: i32) -> (i32, i32) {
    %c0_i32 = arith.constant 0 : i32
    %c0_i32_0 = arith.constant 0 : i32
    %c0_i32_1 = arith.constant 0 : i32
    return %c0_i32, %c0_i32_0 : i32, i32
  }
  func.func @transform_41(%arg0: i32) -> (i32, i32) {
    %c0_i32 = arith.constant 0 : i32
    %c0_i32_0 = arith.constant 0 : i32
    %c0_i32_1 = arith.constant 0 : i32
    return %c0_i32, %c0_i32_0 : i32, i32
  }
  func.func @transform_42(%arg0: i32) -> (i32, i32) {
    %c0_i32 = arith.constant 0 : i32
    %c0_i32_0 = arith.constant 0 : i32
    return %arg0, %c0_i32 : i32, i32
  }
  func.func @transform_43(%arg0: i32) -> (i32, i32) {
    %c0_i32 = arith.constant 0 : i32
    %c0_i32_0 = arith.constant 0 : i32
    return %arg0, %c0_i32 : i32, i32
  }
}

module attributes {stable_mosaic.version = 14 : i64} {
  func.func @_combine_body(%arg0: i32, %arg1: memref<2x1000x16xf32, #tpu.memory_space<vmem>>, %arg2: memref<1000x16xf32, #tpu.memory_space<vmem>>, %arg3: memref<1000x3xf32, #tpu.memory_space<vmem>>, %arg4: memref<1000x3xf32, #tpu.memory_space<vmem>>, %arg5: memref<1000x3xf32, #tpu.memory_space<vmem>>, %arg6: memref<1000x3xf32, #tpu.memory_space<vmem>>) attributes {dimension_semantics = [#tpu.dimension_semantics<arbitrary>], iteration_bounds = array<i64: 10>, scalar_prefetch = 0 : i64, scratch_operands = 0 : i64, tpu.core_type = #tpu.core_type<tc>, window_params = [{transform_indices = @transform_0, window_bounds = array<i64: 2, 1000, 16>}, {transform_indices = @transform_1, window_bounds = array<i64: 1000, 16>}, {transform_indices = @transform_2, window_bounds = array<i64: 1000, 3>}, {transform_indices = @transform_3, window_bounds = array<i64: 1000, 3>}, {transform_indices = @transform_4, window_bounds = array<i64: 1000, 3>}, {transform_indices = @transform_5, window_bounds = array<i64: 1000, 3>}]} {
    %get3A = arith.constant 0 : index
    %get3A_0 = arith.constant 0 : index
    %get3A_1 = arith.constant 0 : index
    %get3A_2 = vector.load %arg1[%get3A, %get3A_0, %get3A_1] : memref<2x1000x16xf32, #tpu.memory_space<vmem>>, vector<1x1000x16xf32>
    %get3A_3 = vector.shape_cast %get3A_2 : vector<1x1000x16xf32> to vector<1000x16xf32>
    %get3A_4 = arith.constant 1 : index
    %get3A_5 = arith.constant 0 : index
    %get3A_6 = arith.constant 0 : index
    %get3A_7 = vector.load %arg1[%get3A_4, %get3A_5, %get3A_6] : memref<2x1000x16xf32, #tpu.memory_space<vmem>>, vector<1x1000x16xf32>
    %get3A_8 = vector.shape_cast %get3A_7 : vector<1x1000x16xf32> to vector<1000x16xf32>
    %add3A = arith.addf %get3A_3, %get3A_8 : vector<1000x16xf32>
    %slice3A = vector.extract_strided_slice %add3A {offsets = [0, 0], sizes = [1000, 3], strides = [1, 1]} : vector<1000x16xf32> to vector<1000x3xf32>
    %slice3A_9 = vector.extract_strided_slice %add3A {offsets = [0, 3], sizes = [1000, 3], strides = [1, 1]} : vector<1000x16xf32> to vector<1000x3xf32>
    %slice3A_10 = vector.extract_strided_slice %add3A {offsets = [0, 6], sizes = [1000, 3], strides = [1, 1]} : vector<1000x16xf32> to vector<1000x3xf32>
    %slice3A_11 = vector.extract_strided_slice %add3A {offsets = [0, 9], sizes = [1000, 1], strides = [1, 1]} : vector<1000x16xf32> to vector<1000x1xf32>
    %get3A_12 = arith.constant 0 : index
    %get3A_13 = arith.constant 0 : index
    %get3A_14 = vector.load %arg2[%get3A_12, %get3A_13] : memref<1000x16xf32, #tpu.memory_space<vmem>>, vector<1000x16xf32>
    %slice3A_15 = vector.extract_strided_slice %get3A_14 {offsets = [0, 1], sizes = [1000, 1], strides = [1, 1]} : vector<1000x16xf32> to vector<1000x1xf32>
    %mul3A = vector.broadcast %slice3A_15 : vector<1000x1xf32> to vector<1000x3xf32>
    %mul3A_16 = arith.mulf %mul3A, %slice3A : vector<1000x3xf32>
    %swap3A = arith.constant 0 : index
    %swap3A_17 = arith.constant 0 : index
    %swap3A_18 = vector.load %arg4[%swap3A, %swap3A_17] : memref<1000x3xf32, #tpu.memory_space<vmem>>, vector<1000x3xf32>
    tpu.vector_store %arg4[%swap3A, %swap3A_17], %mul3A_16 {strides = array<i32>} : memref<1000x3xf32, #tpu.memory_space<vmem>>, vector<1000x3xf32>,
    %slice3A_19 = vector.extract_strided_slice %get3A_14 {offsets = [0, 2], sizes = [1000, 1], strides = [1, 1]} : vector<1000x16xf32> to vector<1000x1xf32>
    %mul3A_20 = vector.broadcast %slice3A_19 : vector<1000x1xf32> to vector<1000x3xf32>
    %mul3A_21 = arith.mulf %mul3A_20, %slice3A_9 : vector<1000x3xf32>
    %swap3A_22 = arith.constant 0 : index
    %swap3A_23 = arith.constant 0 : index
    %swap3A_24 = vector.load %arg5[%swap3A_22, %swap3A_23] : memref<1000x3xf32, #tpu.memory_space<vmem>>, vector<1000x3xf32>
    tpu.vector_store %arg5[%swap3A_22, %swap3A_23], %mul3A_21 {strides = array<i32>} : memref<1000x3xf32, #tpu.memory_space<vmem>>, vector<1000x3xf32>,
    %get3A_25 = arith.constant 0 : index
    %get3A_26 = arith.constant 0 : index
    %get3A_27 = vector.load %arg3[%get3A_25, %get3A_26] : memref<1000x3xf32, #tpu.memory_space<vmem>>, vector<1000x3xf32>
    %slice3A_28 = vector.extract_strided_slice %get3A_14 {offsets = [0, 3], sizes = [1000, 3], strides = [1, 1]} : vector<1000x16xf32> to vector<1000x3xf32>
    %add3A_29 = arith.addf %get3A_27, %slice3A_28 : vector<1000x3xf32>
    %slice3A_30 = vector.extract_strided_slice %get3A_14 {offsets = [0, 6], sizes = [1000, 1], strides = [1, 1]} : vector<1000x16xf32> to vector<1000x1xf32>
    %mul3A_31 = vector.broadcast %slice3A_30 : vector<1000x1xf32> to vector<1000x3xf32>
    %mul3A_32 = arith.mulf %add3A_29, %mul3A_31 : vector<1000x3xf32>
    %max3A = arith.constant 1.000000e+00 : f32
    %max3A_33 = vector.broadcast %max3A : f32 to vector<1000x1xf32>
    %max3A_34 = arith.maximumf %slice3A_11, %max3A_33 : vector<1000x1xf32>
    %div3A = vector.broadcast %max3A_34 : vector<1000x1xf32> to vector<1000x3xf32>
    %div3A_35 = arith.divf %slice3A_10, %div3A : vector<1000x3xf32>
    %add3A_36 = arith.addf %mul3A_32, %div3A_35 : vector<1000x3xf32>
    %swap3A_37 = arith.constant 0 : index
    %swap3A_38 = arith.constant 0 : index
    %swap3A_39 = vector.load %arg6[%swap3A_37, %swap3A_38] : memref<1000x3xf32, #tpu.memory_space<vmem>>, vector<1000x3xf32>
    tpu.vector_store %arg6[%swap3A_37, %swap3A_38], %add3A_36 {strides = array<i32>} : memref<1000x3xf32, #tpu.memory_space<vmem>>, vector<1000x3xf32>,
    return
  }
  func.func @transform_0(%arg0: i32) -> (i32, i32, i32) {
    %c0_i32 = arith.constant 0 : i32
    %c0_i32_0 = arith.constant 0 : i32
    %c0_i32_1 = arith.constant 0 : i32
    return %c0_i32, %arg0, %c0_i32_0 : i32, i32, i32
  }
  func.func @transform_1(%arg0: i32) -> (i32, i32) {
    %c0_i32 = arith.constant 0 : i32
    %c0_i32_0 = arith.constant 0 : i32
    return %arg0, %c0_i32 : i32, i32
  }
  func.func @transform_2(%arg0: i32) -> (i32, i32) {
    %c0_i32 = arith.constant 0 : i32
    %c0_i32_0 = arith.constant 0 : i32
    return %arg0, %c0_i32 : i32, i32
  }
  func.func @transform_3(%arg0: i32) -> (i32, i32) {
    %c0_i32 = arith.constant 0 : i32
    %c0_i32_0 = arith.constant 0 : i32
    return %arg0, %c0_i32 : i32, i32
  }
  func.func @transform_4(%arg0: i32) -> (i32, i32) {
    %c0_i32 = arith.constant 0 : i32
    %c0_i32_0 = arith.constant 0 : i32
    return %arg0, %c0_i32 : i32, i32
  }
  func.func @transform_5(%arg0: i32) -> (i32, i32) {
    %c0_i32 = arith.constant 0 : i32
    %c0_i32_0 = arith.constant 0 : i32
    return %arg0, %c0_i32 : i32, i32
  }
}

</mosaic_0001>

<sc_bundles>
// kernel: kernel.11.cloned.1.call-start
scs
__scs_entry_jumppad:
0x0: {  	(pc) =	sbr.rel $0x88, $3  }
0x1: {  	(tag) =	ssettag $0x0;
	lr =	simm.s32 $0x1  }
0x2: {  	[smem:$0x3F5D] =	sst lr;
	_ =	strace $0xD0000000  }
0x3: {  	_ = 	snop  }
0x4: {  	_ = 	snop  }
0x5: {  	_ = 	snop  }
0x6: {  	_ = 	snop  }
0x7: {  	_ = 	snop  }
__scs_overlays_trampoline_lowered:
0x8: {  	[smem:$0x3F6C] =	sst s0  }
0x9: {  	[smem:$0x3F6D] =	sst s1  }
0xa: {  	[smem:$0x3F6E] =	sst s2  }
0xb: {  	[smem:$0x3F6F] =	sst s3  }
0xc: {  	[smem:$0x3F70] =	sst s4  }
0xd: {  	[smem:$0x3F71] =	sst s5  }
0xe: {  	[smem:$0x3F72] =	sst s6  }
0xf: {  	[smem:$0x3F73] =	sst s7  }
0x10: {  	[smem:$0x3F74] =	sst s8  }
0x11: {  	[smem:$0x3F75] =	sst s9;
	s0 =	simm.s32 @!p0 $0x0  }
0x12: {  	s1 =	sld [smem:$0x3F5B];
	s0 =	simm.s32 @p0 $0x1  }
0x13: {  	[smem:$0x3F76] =	sst s0;
	s0 =	simm.s32 @!p1 $0x0  }
0x14: {  	s2 =	sld [smem:$0x3F5A];
	s0 =	simm.s32 @p1 $0x1  }
0x15: {  	[smem:$0x3F77] =	sst s0;
	s0 =	simm.s32 @!p2 $0x0  }
0x16: {  	s3 =	sld [smem:$0x3FDB];
	s0 =	simm.s32 @p2 $0x1  }
0x17: {  	s4 =	simm.s32 $0x1BF5;
	[smem:$0x3F79] =	sst s0  }
0x18: {  	s0 =	sld [smem:$0x3F5C];
	_ =	swait.ge [sflag:s4], $0x0  }
0x19: {  	s7 =	sld [smem:$0x3F5D]  }
0x1a: {  	s8 =	sadd.s32 $0xFFFFE003, lr  }
0x1b: {  	s9 =	sadd.s32 $0xFFFFFEF7, lr;
	s5 =	simm.s32 $0xFFFFFFFF;
	p2 =	slt.u32 s8, $0xFFFFF086  }
0x1c: {  	p1 =	slt.u32 s9, $0xF7A;
	s5 =	simm.s32 @!p2 $0x0  }
0x1d: {  	s5 =	simm.s32 @p1 $0x1;
	p0 =	seq.s32 s7, s2  }
0x1e: {  	s7 =	smul.u32 @!p0 $0xF7A, s2;
	p2 =	seq.s32 @!p0 s5, $0x0  }
0x1f: {  	s9 =	smul.u32 $0xF7A, s1;
	s8 =	simm.s32 @!p0 $0x1BF5;
	p2 =	por !p2, p0  }
0x20: {  	[sflag:s8] =	ssyncset.s32 @!p0 $0xFFFFF086;
	s6 =	sadd.s32 @!p0 s3, s7;
	s7 =	simm.s32 @!p0 $0x108  }
0x21: {  	s3 =	sadd.s32 s3, s9;
	s6 =	sadd.s32 @!p0 $0x88, s6;
	s7 =	simm.s32 @p2 $0x1082  }
0x22: {  	[simem:s7], [sflag:s8] =	dma.local @!p0 [hbm:s6], $0xF7A  }
0x23: {  	s9 =	sor.u32 $0xD0000000, s2;
	s6 =	simm.s32 $0x108;
	_ =	swait.ge @!p0 [sflag:s8], $0x0  }
0x24: {  	s3 =	sadd.s32 $0x88, s3;
	s6 =	simm.s32 @!p1 $0x1082;
	[sflag:s4] =	ssyncset.s32 $0xFFFFF086  }
0x25: {  	[simem:s6], [sflag:s4] =	dma.local [hbm:s3], $0xF7A  }
0x26: {  	[smem:$0x3F5D] =	sst s1;
	(tag) =	ssettag s2;
	_ =	strace s9  }
0x27: {  	s1 =	sld [smem:$0x3F6D]  }
0x28: {  	s2 =	sld [smem:$0x3F6E]  }
0x29: {  	s4 =	sld [smem:$0x3F70]  }
0x2a: {  	p0 =	seq.s32 s5, $0x0;
	s5 =	sld [smem:$0x3F71]  }
0x2b: {  	s6 =	sld [smem:$0x3F72]  }
0x2c: {  	s7 =	sld [smem:$0x3F73]  }
0x2d: {  	s3 =	simm.s32 $0x108;
	s8 =	sld [smem:$0x3F74]  }
0x2e: {  	s3 =	simm.s32 @!p0 $0x1082;
	s9 =	sld [smem:$0x3F75]  }
0x2f: {  	lr =	sadd.s32 s0, s3;
	s0 =	sld [smem:$0x3F6C]  }
0x30: {  	s3 =	sld [smem:$0x3F6F]  }
0x31: {  	[smem:$0x3F78] =	sst s10  }
0x32: {  	s10 =	sld [smem:$0x3F76];
	_ =	sdelay $0x3  }
0x33: {  	p0 =	seq.s32 s10, $0x1;
	s10 =	sld [smem:$0x3F78];
	_ =	sdelay $0x3  }
0x34: {  	[smem:$0x3F78] =	sst s10  }
0x35: {  	s10 =	sld [smem:$0x3F77];
	_ =	sdelay $0x3  }
0x36: {  	p1 =	seq.s32 s10, $0x1;
	s10 =	sld [smem:$0x3F78];
	_ =	sdelay $0x3  }
0x37: {  	[smem:$0x3F78] =	sst s10  }
0x38: {  	s10 =	sld [smem:$0x3F79]  }
0x39: {  	_ = 	snop;
	(pc) =	sbr.ind lr, $3  }
0x3a: {  	_ = 	snop  }
0x3b: {  	_ = 	snop  }
0x3c: {  	p2 =	seq.s32 s10, $0x1;
	s10 =	sld [smem:$0x3F78]  }
0x3d: {  	_ =	shalt  }
0x3e: {  	_ =	shalt  }
0x3f: {  	_ =	shalt  }
0x40: {  	_ =	shalt  }
0x41: {  	_ =	shalt  }
0x42: {  	_ =	shalt  }
0x43: {  	_ =	shalt  }
0x44: {  	_ =	shalt  }
0x45: {  	_ =	shalt  }
0x46: {  	_ =	shalt  }
0x47: {  	_ =	shalt  }
0x48: {  	_ =	shalt  }
0x49: {  	_ =	shalt  }
0x4a: {  	_ =	shalt  }
0x4b: {  	_ =	shalt  }
0x4c: {  	_ =	shalt  }
0x4d: {  	_ =	shalt  }
0x4e: {  	_ =	shalt  }
0x4f: {  	_ =	shalt  }
0x50: {  	_ =	shalt  }
0x51: {  	_ =	shalt  }
0x52: {  	_ =	shalt  }
0x53: {  	_ =	shalt  }
0x54: {  	_ =	shalt  }
0x55: {  	_ =	shalt  }
0x56: {  	_ =	shalt  }
0x57: {  	_ =	shalt  }
0x58: {  	_ =	shalt  }
0x59: {  	_ =	shalt  }
0x5a: {  	_ =	shalt  }
0x5b: {  	_ =	shalt  }
0x5c: {  	_ =	shalt  }
0x5d: {  	_ =	shalt  }
0x5e: {  	_ =	shalt  }
0x5f: {  	_ =	shalt  }
0x60: {  	_ =	shalt  }
0x61: {  	_ =	shalt  }
0x62: {  	_ =	shalt  }
0x63: {  	_ =	shalt  }
0x64: {  	_ =	shalt  }
0x65: {  	_ =	shalt  }
0x66: {  	_ =	shalt  }
0x67: {  	_ =	shalt  }
0x68: {  	_ =	shalt  }
0x69: {  	_ =	shalt  }
0x6a: {  	_ =	shalt  }
0x6b: {  	_ =	shalt  }
0x6c: {  	_ =	shalt  }
0x6d: {  	_ =	shalt  }
0x6e: {  	_ =	shalt  }
0x6f: {  	_ =	shalt  }
0x70: {  	_ =	shalt  }
0x71: {  	_ =	shalt  }
0x72: {  	_ =	shalt  }
0x73: {  	_ =	shalt  }
0x74: {  	_ =	shalt  }
0x75: {  	_ =	shalt  }
0x76: {  	_ =	shalt  }
0x77: {  	_ =	shalt  }
0x78: {  	_ =	shalt  }
0x79: {  	_ =	shalt  }
0x7a: {  	_ =	shalt  }
0x7b: {  	_ =	shalt  }
0x7c: {  	_ =	shalt  }
0x7d: {  	_ =	shalt  }
0x7e: {  	_ =	shalt  }
0x7f: {  	_ =	shalt  }
0x80: {  	_ =	shalt  }
0x81: {  	_ =	shalt  }
0x82: {  	_ =	shalt  }
0x83: {  	_ =	shalt  }
0x84: {  	_ =	shalt  }
0x85: {  	_ =	shalt  }
0x86: {  	_ =	shalt  }
0x87: {  	_ =	shalt  }
.Lfunc_end0:
.L_simem_size_0:
called_computation.1_lowered:
.L_overlay_start_0:
0x88: {  	s2 =	sld [smem:$0x3FD9]  }
0x89: {  	s3 =	sld [smem:$0x3FFE];
	_ =	sdelay $0x1  }
0x8a: {  	s1 =	srdreg.scid  }
0x8b: {  	s0 =	sand.u32 $0x1, s1  }
0x8c: {  	s16 =	sshll.u32 s0, $0xA;
	s2 =	sadd.s32 s3, s2  }
0x8d: {  	s2 =	sadd.s32 s2, s16  }
0x8e: {  	[smem:$0x3F84] =	sst s2  }
0x8f: {  	_ = 	snop  }
0x90: {  	(tm) =	ssettm $0x1  }
0x91: {  	s17 =	sld [smem:$0x3FFB];
	_ =	sdelay $0x3  }
0x92: {  	_ =	strace s17  }
0x93: {  	s2 =	sld [smem:$0x3FFC];
	_ =	sdelay $0x3  }
0x94: {  	_ =	strace s2  }
0x95: {  	s2 =	sld [smem:$0x3FFD];
	_ =	sdelay $0x3  }
0x96: {  	_ =	strace s2  }
0x97: {  	_ =	strace $0x8FFFFFFF  }
0x98: {  	s18 =	sld [smem:$0x3FDB];
	_ =	sdelay $0x1  }
0x99: {  	s19 =	simm.s32 $_scs_section_size  }
0x9a: {  	s4 =	simm.s32 $_size__tile_overlayer_lowered;
	s5 =	simm.s32 $_tile_overlayer_lowered  }
0x9b: {  	s22 =	simm.s32 $0x1BFF;
	s21 =	sshll.u32 s5, $0x1;
	s2 =	sadd.s32 s19, s18  }
0x9c: {  	s6 =	simm.s32 $0x0;
	s20 =	sshll.u32 s4, $0x1;
	s4 =	sadd.s32 s21, s2  }
0x9d: {  	[timem:s6], [sflag:s22] =	dma.local [hbm:s4], s20  }
0x9e: {  	_ =	swait.ge [sflag:s22], s20  }
0x9f: {  	s3 =	ssub.s32 $0x0, s20;
	[sflag:s22] =	ssyncset.done $0x0  }
0xa0: {  	[sflag:s22] =	ssyncadd.s32 s3;
	_ =	sdelay $0x1  }
0xa1: {  	s23 =	simm.s32 $0x1B8B  }
0xa2: {  	_ =	swait.ge [sflag:s23], $0x1  }
0xa3: {  	[sflag:s23] =	ssyncset.done $0x0  }
0xa4: {  	s25 =	simm.s32 $0x1B8E;
	s24 =	sld [smem:$0x3FFE];
	[sflag:s23] =	ssyncadd.s32 $0xFFFFFFFF  }
0xa5: {  	s26 =	simm.s32 $execute0_lowered;
	[smem:$0x3FD2] =	sst s25  }
0xa6: {  	s4 =	sshll.u32 s26, $0x1;
	_ =	strace $0x80000046;
	[dreg:$0x1] =	wrdreg $0xFFFFFFFF  }
0xa7: {  	s28 =	simm.s32 $_size_execute0_lowered;
	s2 =	sadd.s32 s2, s4;
	[dreg:$0x0] =	wrdreg $0x0  }
0xa8: {  	s4 =	sshll.u32 s28, $0x1;
	[dreg:$0x2] =	wrdreg s2  }
0xa9: {  	[dreg:$0x3] =	wrdreg s4  }
0xaa: {  	[dreg:$0x4] =	wrdreg $0xC0  }
0xab: {  	_ =	task [dreg:s6], $0x5FFFF  }
0xac: {  	[dreg:$0x1] =	wrdreg $0xFFFFFFFF  }
0xad: {  	[dreg:$0x0] =	wrdreg $0x60  }
0xae: {  	[dreg:$0x2] =	wrdreg s24  }
0xaf: {  	[dreg:$0x3] =	wrdreg $0xA  }
0xb0: {  	_ =	task.clear_ibuf [dreg:s6], $0x4FFFF;
	_ =	strace $0x90000046  }
0xb1: {  	s29 =	simm.s32 $0xA;
	_ =	strace $0x80000048  }
0xb2: {  	_ =	swait.ge [sflag:s29], $0x1  }
0xb3: {  	[sflag:s29] =	ssyncadd.s32 $0xFFFFFFFF  }
0xb4: {  	_ =	strace $0x90000048  }
0xb5: {  	_ =	sfence  }
0xb6: {  	s30 =	sld [smem:$0x0];
	_ =	sdelay $0x2  }
0xb7: {  	s31 =	sshll.u32 s1, $0xD;
	s1 =	sshrl.u32 s1, $0x2  }
0xb8: {  	s3 =	sand.u32 $0x4000, s31;
	s1 =	sadd.s32 s1, s30  }
0xb9: {  	s0 =	sor.u32 s3, s0;
	s1 =	sshll.u32 s1, $0x11  }
0xba: {  	s0 =	sor.u32 s1, s0  }
0xbb: {  	s0 =	sadd.s32 $0x8F2B, s0  }
0xbc: {  	[sflag:s0] =	ssyncadd.remote.s32 $0x1  }
0xbd: {  	_ =	sfence.sel $0xFFFF  }
0xbe: {  	[dreg:$0x0] =	wrdreg $0xFFFFFFFF;
	(pc) =	sbr.abs _section_cstart, $3  }
0xbf: {  	[dreg:$0x1] =	wrdreg $0xFFFFFFFF  }
0xc0: {  	_ =	task.clear_ibuf [dreg:s6], $0x2FFFF;
	_ =	strace $0x9FFFFFFF  }
0xc1: {  	(tm) =	ssettm $0x7FFFFFFF  }
tec
execute0_lowered:
.L_overlay_start_1:
0x0: {  	(tag) =	ssettag $0x1  }
0x1: {  	s1 =	srdreg.scid  }
0x2: {  	s0 =	stileid.u32;
	s4 =	rddreg [dreg:$0x0]  }
0x3: {  	s2 =	simm.s32 $0x0;
	s10 =	simm.s32 $0x7D0;
	s11 =	simm.s32 $0xFA0  }
0x4: {  	s12 =	simm.s32 $0x4E20;
	s3 =	sand.u32 $0x1, s1;
	s5 =	smul.u32 $0x4E20, s0  }
0x5: {  	s13 =	simm.s32 $0x1;
	s1 =	rddreg [dreg:$0x1];
	s6 =	smul.u32 $0x2710, s3  }
0x6: {  	s14 =	simm.s32 $0x2;
	s15 =	simm.s32 $0x0;
	[smem:$0x7FF] =	sst s2  }
0x7: {  	_ =	strace $0x80000047;
	s29 =	ssub.s32 $0x2, s3;
	s5 =	sadd.s32 s6, s5  }
0x8: {  	s3 =	sadd.s32 $0x57000, s4;
	s8 =	sshrl.u32 s29, $0x1;
	s7 =	sshrl.u32 s5, $0x3  }
0x9: {  	s31 =	ssub.s32 s29, s8;
	s30 =	sadd.s32 s5, s4;
	s9 =	sadd.s32 s7, s4  }
0xa: {  	s4 =	smax.u32 s31, $0x1;
	s5 =	sadd.s32 $0x6D400, s30;
	s6 =	sadd.s32 $0xBB600, s30  }
0xb: {  	s7 =	sadd.s32 $0x63600, s9;
	s8 =	sadd.s32 $0x59800, s9;
	s9 =	simm.s32 $0x3  }
.LBB2_1:
0xc: {  	s16 =	sadd.s32 $0x0, s8  }
0xd: {  	[tilespmem:s2], [sflag:$0x3] =	stream.linear.gather [hbm4b:s16+s2], $0x7D0, $0x38;
	[tilespmem:$0x8CA0] =	vst v63  }
0xe: {  	_ =	swait.ge [sflag:s9], $0x7D0  }
0xf: {  	[sflag:s9] =	ssyncset.done $0x0  }
0x10: {  	s31 =	sadd.s32 $0x0, s7;
	[sflag:s9] =	ssyncadd.s32 $0xFFFFF830  }
0x11: {  	[tilespmem:s10], [sflag:$0x3] =	stream.linear.gather [hbm4b:s31+s2], $0x7D0, $0x38;
	[tilespmem:$0x8CA0] =	vst v63  }
0x12: {  	_ =	swait.ge [sflag:s9], $0x7D0  }
0x13: {  	[sflag:s9] =	ssyncset.done $0x0  }
0x14: {  	[sflag:s9] =	ssyncadd.s32 $0xFFFFF830  }
0x15: {  	[tilespmem:s11], [sflag:$0x1] =	stream.indirect.gather [hbm4b:s3+s10], $0x8, s2, s10, $0xb8;
	[tilespmem:$0x8CA0] =	vst v63  }
0x16: {  	_ = 	snop  }
0x17: {  	[tilespmem:s12], [sflag:$0x2] =	stream.indirect.gather [hbm4b:s3+s10], $0x8, s10, s10, $0xb8;
	[tilespmem:$0x8CA0] =	vst v63  }
0x18: {  	_ =	swait.ge [sflag:s13], $0x3E80  }
0x19: {  	[sflag:s13] =	ssyncset.done $0x0  }
0x1a: {  	[sflag:s13] =	ssyncadd.s32 $0xFFFFC180  }
0x1b: {  	_ =	swait.ge [sflag:s14], $0x3E80  }
0x1c: {  	[sflag:s14] =	ssyncset.done $0x0  }
0x1d: {  	[sflag:s14] =	ssyncadd.s32 $0xFFFFC180  }
0x1e: {  	[hbm4b:s6+s2] =	stream.linear.scatter [tilespmem:s11], [sflag:$0x3], $0x3E80, $0x38;
	[tilespmem:$0x8CA0] =	vst v63  }
0x1f: {  	_ =	swait.ge [sflag:s9], $0x3E80  }
0x20: {  	[sflag:s9] =	ssyncset.done $0x0  }
0x21: {  	[sflag:s9] =	ssyncadd.s32 $0xFFFFC180  }
0x22: {  	[hbm4b:s5+s2] =	stream.linear.scatter [tilespmem:s12], [sflag:$0x3], $0x3E80, $0x38;
	[tilespmem:$0x8CA0] =	vst v63  }
0x23: {  	s18 =	simm.s32 $0xFA;
	s19 =	simm.s32 $0x1F4;
	_ =	swait.ge [sflag:s9], $0x3E80  }
0x24: {  	s17 =	sadd.s32 $0x7D0, s6;
	s16 =	sadd.s32 $0x7D0, s5;
	[sflag:s9] =	ssyncset.done $0x0  }
.LBB2_2:
0x25: {  	s20 =	sadd.s32 s18, s8  }
0x26: {  	[sflag:s9] =	ssyncadd.s32 $0xFFFFC180;
	s21 =	smov.u32 s19;
	s22 =	sadd.s32 $0xFA, s19  }
0x27: {  	[tilespmem:s2], [sflag:$0x3] =	stream.linear.gather [hbm4b:s20+s2], $0x7D0, $0x38;
	[tilespmem:$0x8CA0] =	vst v63  }
0x28: {  	p0 =	sne.s32 s19, $0x3E8;
	_ =	swait.ge [sflag:s9], $0x7D0  }
0x29: {  	[sflag:s9] =	ssyncset.done $0x0  }
0x2a: {  	s19 =	sadd.s32 s18, s7;
	s18 =	smov.u32 s21;
	[sflag:s9] =	ssyncadd.s32 $0xFFFFF830  }
0x2b: {  	[tilespmem:s10], [sflag:$0x3] =	stream.linear.gather [hbm4b:s19+s2], $0x7D0, $0x38;
	[tilespmem:$0x8CA0] =	vst v63  }
0x2c: {  	_ =	swait.ge [sflag:s9], $0x7D0  }
0x2d: {  	[sflag:s9] =	ssyncset.done $0x0  }
0x2e: {  	[sflag:s9] =	ssyncadd.s32 $0xFFFFF830  }
0x2f: {  	[tilespmem:s11], [sflag:$0x1] =	stream.indirect.gather [hbm4b:s3+s10], $0x8, s2, s10, $0xb8;
	[tilespmem:$0x8CA0] =	vst v63  }
0x30: {  	_ = 	snop  }
0x31: {  	[tilespmem:s12], [sflag:$0x2] =	stream.indirect.gather [hbm4b:s3+s10], $0x8, s10, s10, $0xb8;
	[tilespmem:$0x8CA0] =	vst v63  }
0x32: {  	_ =	swait.ge [sflag:s13], $0x3E80  }
0x33: {  	[sflag:s13] =	ssyncset.done $0x0  }
0x34: {  	[sflag:s13] =	ssyncadd.s32 $0xFFFFC180  }
0x35: {  	_ =	swait.ge [sflag:s14], $0x3E80  }
0x36: {  	[sflag:s14] =	ssyncset.done $0x0  }
0x37: {  	[sflag:s14] =	ssyncadd.s32 $0xFFFFC180  }
0x38: {  	[hbm4b:s17+s2] =	stream.linear.scatter [tilespmem:s11], [sflag:$0x3], $0x3E80, $0x38;
	[tilespmem:$0x8CA0] =	vst v63  }
0x39: {  	_ =	swait.ge [sflag:s9], $0x3E80  }
.Ltmp0:
0x3a: {  	[sflag:s9] =	ssyncset.done $0x0;
	(pc) =	sbr.rel @p0 .LBB2_2-.Ltmp0, $4  }
0x3b: {  	[sflag:s9] =	ssyncadd.s32 $0xFFFFC180  }
0x3c: {  	[hbm4b:s16+s2] =	stream.linear.scatter [tilespmem:s12], [sflag:$0x3], $0x3E80, $0x38;
	[tilespmem:$0x8CA0] =	vst v63  }
0x3d: {  	s19 =	smov.u32 s22;
	_ =	swait.ge [sflag:s9], $0x3E80  }
0x3e: {  	s17 =	sadd.s32 $0x7D0, s17;
	s16 =	sadd.s32 $0x7D0, s16;
	[sflag:s9] =	ssyncset.done $0x0  }
0x3f: {  	s19 =	sadd.s32 s18, s8;
	[sflag:s9] =	ssyncadd.s32 $0xFFFFC180  }
0x40: {  	[tilespmem:s2], [sflag:$0x3] =	stream.linear.gather [hbm4b:s19+s2], $0x7D0, $0x38;
	[tilespmem:$0x8CA0] =	vst v63  }
0x41: {  	_ =	swait.ge [sflag:s9], $0x7D0  }
0x42: {  	[sflag:s9] =	ssyncset.done $0x0  }
0x43: {  	s31 =	sadd.s32 s18, s7;
	[sflag:s9] =	ssyncadd.s32 $0xFFFFF830  }
0x44: {  	[tilespmem:s10], [sflag:$0x3] =	stream.linear.gather [hbm4b:s31+s2], $0x7D0, $0x38;
	[tilespmem:$0x8CA0] =	vst v63  }
0x45: {  	_ =	swait.ge [sflag:s9], $0x7D0  }
0x46: {  	[sflag:s9] =	ssyncset.done $0x0  }
0x47: {  	[sflag:s9] =	ssyncadd.s32 $0xFFFFF830  }
0x48: {  	[tilespmem:s11], [sflag:$0x1] =	stream.indirect.gather [hbm4b:s3+s10], $0x8, s2, s10, $0xb8;
	[tilespmem:$0x8CA0] =	vst v63  }
0x49: {  	_ = 	snop  }
0x4a: {  	[tilespmem:s12], [sflag:$0x2] =	stream.indirect.gather [hbm4b:s3+s10], $0x8, s10, s10, $0xb8;
	[tilespmem:$0x8CA0] =	vst v63  }
0x4b: {  	_ =	swait.ge [sflag:s13], $0x3E80  }
0x4c: {  	[sflag:s13] =	ssyncset.done $0x0  }
0x4d: {  	[sflag:s13] =	ssyncadd.s32 $0xFFFFC180  }
0x4e: {  	_ =	swait.ge [sflag:s14], $0x3E80  }
0x4f: {  	[sflag:s14] =	ssyncset.done $0x0  }
0x50: {  	[sflag:s14] =	ssyncadd.s32 $0xFFFFC180  }
0x51: {  	[hbm4b:s17+s2] =	stream.linear.scatter [tilespmem:s11], [sflag:$0x3], $0x3E80, $0x38;
	[tilespmem:$0x8CA0] =	vst v63  }
0x52: {  	s15 =	sadd.s32 $0x1, s15;
	_ =	swait.ge [sflag:s9], $0x3E80  }
0x53: {  	p0 =	sne.s32 s15, s4;
	[sflag:s9] =	ssyncset.done $0x0  }
.Ltmp1:
0x54: {  	[sflag:s9] =	ssyncadd.s32 $0xFFFFC180;
	(pc) =	sbr.rel @p0 .LBB2_1-.Ltmp1, $4  }
0x55: {  	[hbm4b:s16+s2] =	stream.linear.scatter [tilespmem:s12], [sflag:$0x3], $0x3E80, $0x38;
	[tilespmem:$0x8CA0] =	vst v63  }
0x56: {  	_ =	swait.ge [sflag:s9], $0x3E80  }
0x57: {  	[sflag:s9] =	ssyncset.done $0x0  }
0x58: {  	[sflag:s9] =	ssyncadd.s32 $0xFFFFC180  }
0x59: {  	_ =	sfence.sel $0x180000  }
0x5a: {  	[bflag:$0x0] =	sbarrier.arrive $0xFFFF  }
0x5b: {  	p0 =	sne.s32 s0, $0x0;
	_ =	strace $0x90000047  }
0x5c: {  	s0 =	sadd.s32 @!p0 $0x100000, s1;
	[bflag:$0x2] =	sbarrier.arrive $0xFFFF  }
0x5d: {  	[sflag:s0] =	ssyncadd.tile.s32 @!p0 $0x1;
	_ =	shalt  }
.Lfunc_end2:
_tile_overlayer_lowered:
.L_overlay_start_2:
0x5e: {  	(tag) =	ssettag $0x2  }
0x5f: {  	s0 =	rddreg [dreg:$0x0];
	s2 =	stileid.u32  }
0x60: {  	s1 =	rddreg [dreg:$0x1];
	p0 =	sne.s32 s2, $0x0  }
0x61: {  	s3 =	rddreg [dreg:$0x2];
	[bflag:$0x3] =	sbarrier.arrive $0xFFFF;
	s2 =	simm.s32 @!p0 $0x1C03  }
0x62: {  	[timem:s3], [sflag:s2] =	dma.local @!p0 [hbm:s0], s1  }
0x63: {  	s0 =	simm.s32 @!p0 $0x3  }
0x64: {  	_ =	swait.ge @!p0 [sflag:s0], s1  }
0x65: {  	s1 =	ssub.s32 @!p0 $0x0, s1;
	[sflag:s0] =	ssyncset.done @!p0 $0x0  }
0x66: {  	[sflag:s0] =	ssyncadd.s32 @!p0 s1  }
0x67: {  	[bflag:$0x3] =	sbarrier.arrive $0xFFFF  }
0x68: {  	_ =	shalt  }

// kernel: kernel.14.cloned.1.call-start
scs
__scs_entry_jumppad:
0x0: {  	(pc) =	sbr.rel $0x88, $3  }
0x1: {  	(tag) =	ssettag $0x0;
	lr =	simm.s32 $0x1  }
0x2: {  	[smem:$0x3F5D] =	sst lr;
	_ =	strace $0xD0000000  }
0x3: {  	_ = 	snop  }
0x4: {  	_ = 	snop  }
0x5: {  	_ = 	snop  }
0x6: {  	_ = 	snop  }
0x7: {  	_ = 	snop  }
__scs_overlays_trampoline_lowered:
0x8: {  	[smem:$0x3F6C] =	sst s0  }
0x9: {  	[smem:$0x3F6D] =	sst s1  }
0xa: {  	[smem:$0x3F6E] =	sst s2  }
0xb: {  	[smem:$0x3F6F] =	sst s3  }
0xc: {  	[smem:$0x3F70] =	sst s4  }
0xd: {  	[smem:$0x3F71] =	sst s5  }
0xe: {  	[smem:$0x3F72] =	sst s6  }
0xf: {  	[smem:$0x3F73] =	sst s7  }
0x10: {  	[smem:$0x3F74] =	sst s8  }
0x11: {  	[smem:$0x3F75] =	sst s9;
	s0 =	simm.s32 @!p0 $0x0  }
0x12: {  	s1 =	sld [smem:$0x3F5B];
	s0 =	simm.s32 @p0 $0x1  }
0x13: {  	[smem:$0x3F76] =	sst s0;
	s0 =	simm.s32 @!p1 $0x0  }
0x14: {  	s2 =	sld [smem:$0x3F5A];
	s0 =	simm.s32 @p1 $0x1  }
0x15: {  	[smem:$0x3F77] =	sst s0;
	s0 =	simm.s32 @!p2 $0x0  }
0x16: {  	s3 =	sld [smem:$0x3FDB];
	s0 =	simm.s32 @p2 $0x1  }
0x17: {  	s4 =	simm.s32 $0x1BF5;
	[smem:$0x3F79] =	sst s0  }
0x18: {  	s0 =	sld [smem:$0x3F5C];
	_ =	swait.ge [sflag:s4], $0x0  }
0x19: {  	s7 =	sld [smem:$0x3F5D]  }
0x1a: {  	s8 =	sadd.s32 $0xFFFFE003, lr  }
0x1b: {  	s9 =	sadd.s32 $0xFFFFFEF7, lr;
	s5 =	simm.s32 $0xFFFFFFFF;
	p2 =	slt.u32 s8, $0xFFFFF086  }
0x1c: {  	p1 =	slt.u32 s9, $0xF7A;
	s5 =	simm.s32 @!p2 $0x0  }
0x1d: {  	s5 =	simm.s32 @p1 $0x1;
	p0 =	seq.s32 s7, s2  }
0x1e: {  	s7 =	smul.u32 @!p0 $0xF7A, s2;
	p2 =	seq.s32 @!p0 s5, $0x0  }
0x1f: {  	s9 =	smul.u32 $0xF7A, s1;
	s8 =	simm.s32 @!p0 $0x1BF5;
	p2 =	por !p2, p0  }
0x20: {  	[sflag:s8] =	ssyncset.s32 @!p0 $0xFFFFF086;
	s6 =	sadd.s32 @!p0 s3, s7;
	s7 =	simm.s32 @!p0 $0x108  }
0x21: {  	s3 =	sadd.s32 s3, s9;
	s6 =	sadd.s32 @!p0 $0x88, s6;
	s7 =	simm.s32 @p2 $0x1082  }
0x22: {  	[simem:s7], [sflag:s8] =	dma.local @!p0 [hbm:s6], $0xF7A  }
0x23: {  	s9 =	sor.u32 $0xD0000000, s2;
	s6 =	simm.s32 $0x108;
	_ =	swait.ge @!p0 [sflag:s8], $0x0  }
0x24: {  	s3 =	sadd.s32 $0x88, s3;
	s6 =	simm.s32 @!p1 $0x1082;
	[sflag:s4] =	ssyncset.s32 $0xFFFFF086  }
0x25: {  	[simem:s6], [sflag:s4] =	dma.local [hbm:s3], $0xF7A  }
0x26: {  	[smem:$0x3F5D] =	sst s1;
	(tag) =	ssettag s2;
	_ =	strace s9  }
0x27: {  	s1 =	sld [smem:$0x3F6D]  }
0x28: {  	s2 =	sld [smem:$0x3F6E]  }
0x29: {  	s4 =	sld [smem:$0x3F70]  }
0x2a: {  	p0 =	seq.s32 s5, $0x0;
	s5 =	sld [smem:$0x3F71]  }
0x2b: {  	s6 =	sld [smem:$0x3F72]  }
0x2c: {  	s7 =	sld [smem:$0x3F73]  }
0x2d: {  	s3 =	simm.s32 $0x108;
	s8 =	sld [smem:$0x3F74]  }
0x2e: {  	s3 =	simm.s32 @!p0 $0x1082;
	s9 =	sld [smem:$0x3F75]  }
0x2f: {  	lr =	sadd.s32 s0, s3;
	s0 =	sld [smem:$0x3F6C]  }
0x30: {  	s3 =	sld [smem:$0x3F6F]  }
0x31: {  	[smem:$0x3F78] =	sst s10  }
0x32: {  	s10 =	sld [smem:$0x3F76];
	_ =	sdelay $0x3  }
0x33: {  	p0 =	seq.s32 s10, $0x1;
	s10 =	sld [smem:$0x3F78];
	_ =	sdelay $0x3  }
0x34: {  	[smem:$0x3F78] =	sst s10  }
0x35: {  	s10 =	sld [smem:$0x3F77];
	_ =	sdelay $0x3  }
0x36: {  	p1 =	seq.s32 s10, $0x1;
	s10 =	sld [smem:$0x3F78];
	_ =	sdelay $0x3  }
0x37: {  	[smem:$0x3F78] =	sst s10  }
0x38: {  	s10 =	sld [smem:$0x3F79]  }
0x39: {  	_ = 	snop;
	(pc) =	sbr.ind lr, $3  }
0x3a: {  	_ = 	snop  }
0x3b: {  	_ = 	snop  }
0x3c: {  	p2 =	seq.s32 s10, $0x1;
	s10 =	sld [smem:$0x3F78]  }
0x3d: {  	_ =	shalt  }
0x3e: {  	_ =	shalt  }
0x3f: {  	_ =	shalt  }
0x40: {  	_ =	shalt  }
0x41: {  	_ =	shalt  }
0x42: {  	_ =	shalt  }
0x43: {  	_ =	shalt  }
0x44: {  	_ =	shalt  }
0x45: {  	_ =	shalt  }
0x46: {  	_ =	shalt  }
0x47: {  	_ =	shalt  }
0x48: {  	_ =	shalt  }
0x49: {  	_ =	shalt  }
0x4a: {  	_ =	shalt  }
0x4b: {  	_ =	shalt  }
0x4c: {  	_ =	shalt  }
0x4d: {  	_ =	shalt  }
0x4e: {  	_ =	shalt  }
0x4f: {  	_ =	shalt  }
0x50: {  	_ =	shalt  }
0x51: {  	_ =	shalt  }
0x52: {  	_ =	shalt  }
0x53: {  	_ =	shalt  }
0x54: {  	_ =	shalt  }
0x55: {  	_ =	shalt  }
0x56: {  	_ =	shalt  }
0x57: {  	_ =	shalt  }
0x58: {  	_ =	shalt  }
0x59: {  	_ =	shalt  }
0x5a: {  	_ =	shalt  }
0x5b: {  	_ =	shalt  }
0x5c: {  	_ =	shalt  }
0x5d: {  	_ =	shalt  }
0x5e: {  	_ =	shalt  }
0x5f: {  	_ =	shalt  }
0x60: {  	_ =	shalt  }
0x61: {  	_ =	shalt  }
0x62: {  	_ =	shalt  }
0x63: {  	_ =	shalt  }
0x64: {  	_ =	shalt  }
0x65: {  	_ =	shalt  }
0x66: {  	_ =	shalt  }
0x67: {  	_ =	shalt  }
0x68: {  	_ =	shalt  }
0x69: {  	_ =	shalt  }
0x6a: {  	_ =	shalt  }
0x6b: {  	_ =	shalt  }
0x6c: {  	_ =	shalt  }
0x6d: {  	_ =	shalt  }
0x6e: {  	_ =	shalt  }
0x6f: {  	_ =	shalt  }
0x70: {  	_ =	shalt  }
0x71: {  	_ =	shalt  }
0x72: {  	_ =	shalt  }
0x73: {  	_ =	shalt  }
0x74: {  	_ =	shalt  }
0x75: {  	_ =	shalt  }
0x76: {  	_ =	shalt  }
0x77: {  	_ =	shalt  }
0x78: {  	_ =	shalt  }
0x79: {  	_ =	shalt  }
0x7a: {  	_ =	shalt  }
0x7b: {  	_ =	shalt  }
0x7c: {  	_ =	shalt  }
0x7d: {  	_ =	shalt  }
0x7e: {  	_ =	shalt  }
0x7f: {  	_ =	shalt  }
0x80: {  	_ =	shalt  }
0x81: {  	_ =	shalt  }
0x82: {  	_ =	shalt  }
0x83: {  	_ =	shalt  }
0x84: {  	_ =	shalt  }
0x85: {  	_ =	shalt  }
0x86: {  	_ =	shalt  }
0x87: {  	_ =	shalt  }
.Lfunc_end0:
.L_simem_size_0:
called_computation.2_lowered:
.L_overlay_start_0:
0x88: {  	s2 =	sld [smem:$0x3FD9]  }
0x89: {  	s3 =	sld [smem:$0x3FFE];
	_ =	sdelay $0x1  }
0x8a: {  	s1 =	srdreg.scid  }
0x8b: {  	s0 =	sand.u32 $0x1, s1  }
0x8c: {  	s16 =	sshll.u32 s0, $0xA;
	s2 =	sadd.s32 s3, s2  }
0x8d: {  	s2 =	sadd.s32 s2, s16  }
0x8e: {  	[smem:$0x3F84] =	sst s2  }
0x8f: {  	_ = 	snop  }
0x90: {  	(tm) =	ssettm $0x1  }
0x91: {  	s17 =	sld [smem:$0x3FFB];
	_ =	sdelay $0x3  }
0x92: {  	_ =	strace s17  }
0x93: {  	s2 =	sld [smem:$0x3FFC];
	_ =	sdelay $0x3  }
0x94: {  	_ =	strace s2  }
0x95: {  	s2 =	sld [smem:$0x3FFD];
	_ =	sdelay $0x3  }
0x96: {  	_ =	strace s2  }
0x97: {  	_ =	strace $0x8FFFFFFF  }
0x98: {  	s18 =	sld [smem:$0x3FDB];
	_ =	sdelay $0x1  }
0x99: {  	s19 =	simm.s32 $_scs_section_size  }
0x9a: {  	s4 =	simm.s32 $_size__tile_overlayer_lowered;
	s5 =	simm.s32 $_tile_overlayer_lowered  }
0x9b: {  	s22 =	simm.s32 $0x1BFF;
	s21 =	sshll.u32 s5, $0x1;
	s2 =	sadd.s32 s19, s18  }
0x9c: {  	s6 =	simm.s32 $0x0;
	s20 =	sshll.u32 s4, $0x1;
	s4 =	sadd.s32 s21, s2  }
0x9d: {  	[timem:s6], [sflag:s22] =	dma.local [hbm:s4], s20  }
0x9e: {  	_ =	swait.ge [sflag:s22], s20  }
0x9f: {  	s3 =	ssub.s32 $0x0, s20;
	[sflag:s22] =	ssyncset.done $0x0  }
0xa0: {  	[sflag:s22] =	ssyncadd.s32 s3;
	_ =	sdelay $0x1  }
0xa1: {  	s23 =	simm.s32 $0x1B8B  }
0xa2: {  	_ =	swait.ge [sflag:s23], $0x1  }
0xa3: {  	[sflag:s23] =	ssyncset.done $0x0  }
0xa4: {  	s25 =	simm.s32 $0x1B8E;
	s24 =	sld [smem:$0x3FFE];
	[sflag:s23] =	ssyncadd.s32 $0xFFFFFFFF  }
0xa5: {  	s26 =	simm.s32 $execute0_lowered;
	[smem:$0x3FD2] =	sst s25  }
0xa6: {  	s4 =	sshll.u32 s26, $0x1;
	_ =	strace $0x8000004C;
	[dreg:$0x1] =	wrdreg $0xFFFFFFFF  }
0xa7: {  	s28 =	simm.s32 $_size_execute0_lowered;
	s2 =	sadd.s32 s2, s4;
	[dreg:$0x0] =	wrdreg $0x0  }
0xa8: {  	s4 =	sshll.u32 s28, $0x1;
	[dreg:$0x2] =	wrdreg s2  }
0xa9: {  	[dreg:$0x3] =	wrdreg s4  }
0xaa: {  	[dreg:$0x4] =	wrdreg $0xC0  }
0xab: {  	_ =	task [dreg:s6], $0x5FFFF  }
0xac: {  	[dreg:$0x1] =	wrdreg $0xFFFFFFFF  }
0xad: {  	[dreg:$0x0] =	wrdreg $0x60  }
0xae: {  	[dreg:$0x2] =	wrdreg s24  }
0xaf: {  	[dreg:$0x3] =	wrdreg $0x69780  }
0xb0: {  	[dreg:$0x4] =	wrdreg $0x9  }
0xb1: {  	_ =	task.clear_ibuf [dreg:s6], $0x5FFFF;
	_ =	strace $0x9000004C  }
0xb2: {  	s29 =	simm.s32 $0x9;
	_ =	strace $0x8000004E  }
0xb3: {  	_ =	swait.ge [sflag:s29], $0x1  }
0xb4: {  	[sflag:s29] =	ssyncadd.s32 $0xFFFFFFFF  }
0xb5: {  	_ =	strace $0x9000004E  }
0xb6: {  	_ =	sfence  }
0xb7: {  	s30 =	sld [smem:$0x0];
	_ =	sdelay $0x2  }
0xb8: {  	s31 =	sshll.u32 s1, $0xD;
	s1 =	sshrl.u32 s1, $0x2  }
0xb9: {  	s3 =	sand.u32 $0x4000, s31;
	s1 =	sadd.s32 s1, s30  }
0xba: {  	s0 =	sor.u32 s3, s0;
	s1 =	sshll.u32 s1, $0x11  }
0xbb: {  	s0 =	sor.u32 s1, s0  }
0xbc: {  	s0 =	sadd.s32 $0x8F2B, s0  }
0xbd: {  	[sflag:s0] =	ssyncadd.remote.s32 $0x1  }
0xbe: {  	_ =	sfence.sel $0xFFFF  }
0xbf: {  	[dreg:$0x0] =	wrdreg $0xFFFFFFFF;
	(pc) =	sbr.abs _section_cstart, $3  }
0xc0: {  	[dreg:$0x1] =	wrdreg $0xFFFFFFFF  }
0xc1: {  	_ =	task.clear_ibuf [dreg:s6], $0x2FFFF;
	_ =	strace $0x9FFFFFFF  }
0xc2: {  	(tm) =	ssettm $0x7FFFFFFF  }
0xc3: {  	_ =	shalt  }
tec
execute0_lowered:
.L_overlay_start_1:
0x0: {  	(tag) =	ssettag $0x1  }
0x1: {  	s0 =	stileid.u32  }
0x2: {  	s1 =	srdreg.scid;
	s5 =	rddreg [dreg:$0x0]  }
0x3: {  	s2 =	rddreg [dreg:$0x1];
	s3 =	simm.s32 $0x0;
	s4 =	smul.u32 $0x9C40, s0  }
0x4: {  	s12 =	simm.s32 $0x3E8;
	s15 =	simm.s32 $0x0;
	s7 =	smul.u32 $0x4E20, s0  }
0x5: {  	s6 =	sand.u32 $0x1, s1;
	s1 =	rddreg [dreg:$0x2];
	s9 =	smul.u32 $0x2710, s0  }
0x6: {  	[smem:$0x7FF] =	sst s3;
	s13 =	sshll.u32 s0, $0x6;
	s8 =	smul.u32 $0x2710, s6  }
0x7: {  	s10 =	smul.u32 $0x27100, s6;
	_ =	strace $0x8000004D;
	s29 =	ssub.s32 $0x2, s6  }
0x8: {  	s6 =	smul.u32 $0x4E20, s6;
	s13 =	sor.u32 $0x1C01, s13;
	s25 =	sadd.s32 s4, s5  }
0x9: {  	s30 =	sshrl.u32 s29, $0x1;
	s4 =	sadd.s32 s9, s2;
	s7 =	sadd.s32 s8, s7  }
0xa: {  	s28 =	sadd.s32 s9, s10;
	s31 =	ssub.s32 s29, s30;
	s8 =	sadd.s32 s6, s25  }
0xb: {  	s9 =	simm.s32 $0x4268;
	s10 =	simm.s32 $0x1;
	s14 =	sshrl.u32 s4, $0x3  }
0xc: {  	s26 =	sshrl.u32 s7, $0x3;
	s7 =	sshrl.u32 s28, $0x3;
	s6 =	smax.u32 s31, $0x1  }
0xd: {  	s11 =	sadd.s32 s26, s5;
	s5 =	sadd.s32 s7, s5;
	s7 =	sadd.s32 $0x6D400, s8  }
0xe: {  	v0 =	vimm.f32 $0.0e+00;
	s5 =	sadd.s32 $0x57000, s5;
	s8 =	sadd.s32 $0x63600, s11;
	s11 =	simm.s32 $0x3E80  }
.LBB2_1:
0xf: {  	s16 =	simm.s32 $0x40;
	s17 =	simm.s32 $0x0  }
.LBB2_2:
0x10: {  	p0 =	sne.s32 s16, $0x9C00;
	[tilespmem:s17+$0x4268] =	vst v0;
	s17 =	smov.u32 s16;
	s16 =	sadd.s32 $0x40, s16  }
.Ltmp0:
0x11: {  	(pc) =	sbr.rel @p0 .LBB2_2-.Ltmp0, $2  }
0x12: {  	_ =	sdelay $0x2  }
0x13: {  	s17 =	sshra.s32 s17, $0x2  }
0x14: {  	[tilespmem:s17+$0x4268] =	vst v0  }
0x15: {  	[spmem:s4] =	stream.linear.scatter [tilespmem:s9], [sflag:$0x1], $0x2710, $0x38;
	[tilespmem:$0x9088] =	vst v63  }
0x16: {  	_ =	swait.ge [sflag:s10], $0x2710  }
0x17: {  	[sflag:s10] =	ssyncset.done $0x0  }
0x18: {  	[sflag:s10] =	ssyncadd.s32 $0xFFFFD8F0  }
0x19: {  	s16 =	sadd.s32 $0x0, s8;
	[bflag:$0x0] =	sbarrier.arrive $0xFFFF  }
0x1a: {  	[tilespmem:s11], [sflag:$0x1] =	stream.linear.gather [hbm4b:s16+s3], $0x3E8, $0x38;
	[tilespmem:$0x9088] =	vst v63  }
0x1b: {  	_ =	swait.ge [sflag:s10], $0x3E8  }
0x1c: {  	[sflag:s10] =	ssyncset.done $0x0  }
0x1d: {  	[sflag:s10] =	ssyncadd.s32 $0xFFFFFC18  }
0x1e: {  	[tilespmem:s3], [sflag:$0x1] =	stream.linear.gather [hbm4b:s7+s3], $0x3E80, $0x38;
	[tilespmem:$0x9088] =	vst v63  }
0x1f: {  	_ =	swait.ge [sflag:s10], $0x3E80  }
0x20: {  	[sflag:s10] =	ssyncset.done $0x0  }
0x21: {  	[sflag:s10] =	ssyncadd.s32 $0xFFFFC180  }
0x22: {  	[spmem:s2] =	stream.indirect.scatter.add.f32 [tilespmem:s3], [sflag:$0x1], $0x10, s11, s12, $0xb8;
	[tilespmem:$0x9088] =	vst v63  }
0x23: {  	s17 =	simm.s32 $0x7D;
	_ =	swait.ge [sflag:s10], $0x3E80  }
0x24: {  	s18 =	simm.s32 $0xFA;
	s16 =	sadd.s32 $0x7D0, s7;
	[sflag:s10] =	ssyncset.done $0x0  }
.LBB2_4:
0x25: {  	s19 =	sadd.s32 s17, s8  }
0x26: {  	[sflag:s10] =	ssyncadd.s32 $0xFFFFC180;
	s17 =	smov.u32 s18;
	s20 =	sadd.s32 $0x7D, s18  }
0x27: {  	[tilespmem:s11], [sflag:$0x1] =	stream.linear.gather [hbm4b:s19+s3], $0x3E8, $0x38;
	[tilespmem:$0x9088] =	vst v63  }
0x28: {  	p0 =	sne.s32 s18, $0x465;
	_ =	swait.ge [sflag:s10], $0x3E8  }
0x29: {  	[sflag:s10] =	ssyncset.done $0x0  }
0x2a: {  	[sflag:s10] =	ssyncadd.s32 $0xFFFFFC18  }
0x2b: {  	[tilespmem:s3], [sflag:$0x1] =	stream.linear.gather [hbm4b:s16+s3], $0x3E80, $0x38;
	[tilespmem:$0x9088] =	vst v63  }
0x2c: {  	_ =	swait.ge [sflag:s10], $0x3E80  }
.Ltmp1:
0x2d: {  	[sflag:s10] =	ssyncset.done $0x0;
	(pc) =	sbr.rel @p0 .LBB2_4-.Ltmp1, $4  }
0x2e: {  	[sflag:s10] =	ssyncadd.s32 $0xFFFFC180  }
0x2f: {  	[spmem:s2] =	stream.indirect.scatter.add.f32 [tilespmem:s3], [sflag:$0x1], $0x10, s11, s12, $0xb8;
	[tilespmem:$0x9088] =	vst v63  }
0x30: {  	_ =	swait.ge [sflag:s10], $0x3E80  }
0x31: {  	s18 =	smov.u32 s20;
	s16 =	sadd.s32 $0x7D0, s16;
	[sflag:s10] =	ssyncset.done $0x0  }
0x32: {  	s17 =	sadd.s32 s17, s8;
	[sflag:s10] =	ssyncadd.s32 $0xFFFFC180  }
0x33: {  	[tilespmem:s11], [sflag:$0x1] =	stream.linear.gather [hbm4b:s17+s3], $0x3E8, $0x38;
	[tilespmem:$0x9088] =	vst v63  }
0x34: {  	_ =	swait.ge [sflag:s10], $0x3E8  }
0x35: {  	[sflag:s10] =	ssyncset.done $0x0  }
0x36: {  	[sflag:s10] =	ssyncadd.s32 $0xFFFFFC18  }
0x37: {  	[tilespmem:s3], [sflag:$0x1] =	stream.linear.gather [hbm4b:s16+s3], $0x3E80, $0x38;
	[tilespmem:$0x9088] =	vst v63  }
0x38: {  	_ =	swait.ge [sflag:s10], $0x3E80  }
0x39: {  	[sflag:s10] =	ssyncset.done $0x0  }
0x3a: {  	[sflag:s10] =	ssyncadd.s32 $0xFFFFC180  }
0x3b: {  	[spmem:s2] =	stream.indirect.scatter.add.f32 [tilespmem:s3], [sflag:$0x1], $0x10, s11, s12, $0xb8;
	[tilespmem:$0x9088] =	vst v63  }
0x3c: {  	_ =	swait.ge [sflag:s10], $0x3E80  }
0x3d: {  	s15 =	sadd.s32 $0x1, s15;
	[sflag:s10] =	ssyncset.done $0x0  }
0x3e: {  	p0 =	sne.s32 s15, s6;
	[sflag:s10] =	ssyncadd.s32 $0xFFFFC180  }
.Ltmp2:
0x3f: {  	[bflag:$0x0] =	sbarrier.arrive $0xFFFF;
	(pc) =	sbr.rel @p0 .LBB2_1-.Ltmp2, $4  }
0x40: {  	[hbm:s5], [sflag:s13] =	dma.local [spmem:s14], $0x4E2  }
0x41: {  	_ =	swait.ge [sflag:s10], $0x4E2  }
0x42: {  	[sflag:s10] =	ssyncset.done $0x0  }
0x43: {  	[sflag:s10] =	ssyncadd.s32 $0xFFFFFB1E  }
0x44: {  	_ =	sfence.sel $0x180000  }
0x45: {  	[bflag:$0x0] =	sbarrier.arrive $0xFFFF  }
0x46: {  	p0 =	sne.s32 s0, $0x0;
	_ =	strace $0x9000004D  }
0x47: {  	s0 =	sadd.s32 @!p0 $0x100000, s1;
	[bflag:$0x2] =	sbarrier.arrive $0xFFFF  }
0x48: {  	[sflag:s0] =	ssyncadd.tile.s32 @!p0 $0x1;
	_ =	shalt  }
.Lfunc_end2:
_tile_overlayer_lowered:
.L_overlay_start_2:
0x49: {  	(tag) =	ssettag $0x2  }
0x4a: {  	s0 =	rddreg [dreg:$0x0];
	s2 =	stileid.u32  }
0x4b: {  	s1 =	rddreg [dreg:$0x1];
	p0 =	sne.s32 s2, $0x0  }
0x4c: {  	s3 =	rddreg [dreg:$0x2];
	[bflag:$0x3] =	sbarrier.arrive $0xFFFF;
	s2 =	simm.s32 @!p0 $0x1C01  }
0x4d: {  	[timem:s3], [sflag:s2] =	dma.local @!p0 [hbm:s0], s1  }
0x4e: {  	s0 =	simm.s32 @!p0 $0x1  }
0x4f: {  	_ =	swait.ge @!p0 [sflag:s0], s1  }
0x50: {  	s1 =	ssub.s32 @!p0 $0x0, s1;
	[sflag:s0] =	ssyncset.done @!p0 $0x0  }
0x51: {  	[sflag:s0] =	ssyncadd.s32 @!p0 s1  }
0x52: {  	[bflag:$0x3] =	sbarrier.arrive $0xFFFF  }
0x53: {  	_ =	shalt  }

// kernel: kernel.8.cloned.1.call-start
scs
__scs_entry_jumppad:
0x0: {  	(pc) =	sbr.rel $0x88, $3  }
0x1: {  	(tag) =	ssettag $0x0;
	lr =	simm.s32 $0x1  }
0x2: {  	[smem:$0x3F5D] =	sst lr;
	_ =	strace $0xD0000000  }
0x3: {  	_ = 	snop  }
0x4: {  	_ = 	snop  }
0x5: {  	_ = 	snop  }
0x6: {  	_ = 	snop  }
0x7: {  	_ = 	snop  }
__scs_overlays_trampoline_lowered:
0x8: {  	[smem:$0x3F6C] =	sst s0  }
0x9: {  	[smem:$0x3F6D] =	sst s1  }
0xa: {  	[smem:$0x3F6E] =	sst s2  }
0xb: {  	[smem:$0x3F6F] =	sst s3  }
0xc: {  	[smem:$0x3F70] =	sst s4  }
0xd: {  	[smem:$0x3F71] =	sst s5  }
0xe: {  	[smem:$0x3F72] =	sst s6  }
0xf: {  	[smem:$0x3F73] =	sst s7  }
0x10: {  	[smem:$0x3F74] =	sst s8  }
0x11: {  	[smem:$0x3F75] =	sst s9;
	s0 =	simm.s32 @!p0 $0x0  }
0x12: {  	s1 =	sld [smem:$0x3F5B];
	s0 =	simm.s32 @p0 $0x1  }
0x13: {  	[smem:$0x3F76] =	sst s0;
	s0 =	simm.s32 @!p1 $0x0  }
0x14: {  	s2 =	sld [smem:$0x3F5A];
	s0 =	simm.s32 @p1 $0x1  }
0x15: {  	[smem:$0x3F77] =	sst s0;
	s0 =	simm.s32 @!p2 $0x0  }
0x16: {  	s3 =	sld [smem:$0x3FDB];
	s0 =	simm.s32 @p2 $0x1  }
0x17: {  	s4 =	simm.s32 $0x1BF5;
	[smem:$0x3F79] =	sst s0  }
0x18: {  	s0 =	sld [smem:$0x3F5C];
	_ =	swait.ge [sflag:s4], $0x0  }
0x19: {  	s7 =	sld [smem:$0x3F5D]  }
0x1a: {  	s8 =	sadd.s32 $0xFFFFE003, lr  }
0x1b: {  	s9 =	sadd.s32 $0xFFFFFEF7, lr;
	s5 =	simm.s32 $0xFFFFFFFF;
	p2 =	slt.u32 s8, $0xFFFFF086  }
0x1c: {  	p1 =	slt.u32 s9, $0xF7A;
	s5 =	simm.s32 @!p2 $0x0  }
0x1d: {  	s5 =	simm.s32 @p1 $0x1;
	p0 =	seq.s32 s7, s2  }
0x1e: {  	s7 =	smul.u32 @!p0 $0xF7A, s2;
	p2 =	seq.s32 @!p0 s5, $0x0  }
0x1f: {  	s9 =	smul.u32 $0xF7A, s1;
	s8 =	simm.s32 @!p0 $0x1BF5;
	p2 =	por !p2, p0  }
0x20: {  	[sflag:s8] =	ssyncset.s32 @!p0 $0xFFFFF086;
	s6 =	sadd.s32 @!p0 s3, s7;
	s7 =	simm.s32 @!p0 $0x108  }
0x21: {  	s3 =	sadd.s32 s3, s9;
	s6 =	sadd.s32 @!p0 $0x88, s6;
	s7 =	simm.s32 @p2 $0x1082  }
0x22: {  	[simem:s7], [sflag:s8] =	dma.local @!p0 [hbm:s6], $0xF7A  }
0x23: {  	s9 =	sor.u32 $0xD0000000, s2;
	s6 =	simm.s32 $0x108;
	_ =	swait.ge @!p0 [sflag:s8], $0x0  }
0x24: {  	s3 =	sadd.s32 $0x88, s3;
	s6 =	simm.s32 @!p1 $0x1082;
	[sflag:s4] =	ssyncset.s32 $0xFFFFF086  }
0x25: {  	[simem:s6], [sflag:s4] =	dma.local [hbm:s3], $0xF7A  }
0x26: {  	[smem:$0x3F5D] =	sst s1;
	(tag) =	ssettag s2;
	_ =	strace s9  }
0x27: {  	s1 =	sld [smem:$0x3F6D]  }
0x28: {  	s2 =	sld [smem:$0x3F6E]  }
0x29: {  	s4 =	sld [smem:$0x3F70]  }
0x2a: {  	p0 =	seq.s32 s5, $0x0;
	s5 =	sld [smem:$0x3F71]  }
0x2b: {  	s6 =	sld [smem:$0x3F72]  }
0x2c: {  	s7 =	sld [smem:$0x3F73]  }
0x2d: {  	s3 =	simm.s32 $0x108;
	s8 =	sld [smem:$0x3F74]  }
0x2e: {  	s3 =	simm.s32 @!p0 $0x1082;
	s9 =	sld [smem:$0x3F75]  }
0x2f: {  	lr =	sadd.s32 s0, s3;
	s0 =	sld [smem:$0x3F6C]  }
0x30: {  	s3 =	sld [smem:$0x3F6F]  }
0x31: {  	[smem:$0x3F78] =	sst s10  }
0x32: {  	s10 =	sld [smem:$0x3F76];
	_ =	sdelay $0x3  }
0x33: {  	p0 =	seq.s32 s10, $0x1;
	s10 =	sld [smem:$0x3F78];
	_ =	sdelay $0x3  }
0x34: {  	[smem:$0x3F78] =	sst s10  }
0x35: {  	s10 =	sld [smem:$0x3F77];
	_ =	sdelay $0x3  }
0x36: {  	p1 =	seq.s32 s10, $0x1;
	s10 =	sld [smem:$0x3F78];
	_ =	sdelay $0x3  }
0x37: {  	[smem:$0x3F78] =	sst s10  }
0x38: {  	s10 =	sld [smem:$0x3F79]  }
0x39: {  	_ = 	snop;
	(pc) =	sbr.ind lr, $3  }
0x3a: {  	_ = 	snop  }
0x3b: {  	_ = 	snop  }
0x3c: {  	p2 =	seq.s32 s10, $0x1;
	s10 =	sld [smem:$0x3F78]  }
0x3d: {  	_ =	shalt  }
0x3e: {  	_ =	shalt  }
0x3f: {  	_ =	shalt  }
0x40: {  	_ =	shalt  }
0x41: {  	_ =	shalt  }
0x42: {  	_ =	shalt  }
0x43: {  	_ =	shalt  }
0x44: {  	_ =	shalt  }
0x45: {  	_ =	shalt  }
0x46: {  	_ =	shalt  }
0x47: {  	_ =	shalt  }
0x48: {  	_ =	shalt  }
0x49: {  	_ =	shalt  }
0x4a: {  	_ =	shalt  }
0x4b: {  	_ =	shalt  }
0x4c: {  	_ =	shalt  }
0x4d: {  	_ =	shalt  }
0x4e: {  	_ =	shalt  }
0x4f: {  	_ =	shalt  }
0x50: {  	_ =	shalt  }
0x51: {  	_ =	shalt  }
0x52: {  	_ =	shalt  }
0x53: {  	_ =	shalt  }
0x54: {  	_ =	shalt  }
0x55: {  	_ =	shalt  }
0x56: {  	_ =	shalt  }
0x57: {  	_ =	shalt  }
0x58: {  	_ =	shalt  }
0x59: {  	_ =	shalt  }
0x5a: {  	_ =	shalt  }
0x5b: {  	_ =	shalt  }
0x5c: {  	_ =	shalt  }
0x5d: {  	_ =	shalt  }
0x5e: {  	_ =	shalt  }
0x5f: {  	_ =	shalt  }
0x60: {  	_ =	shalt  }
0x61: {  	_ =	shalt  }
0x62: {  	_ =	shalt  }
0x63: {  	_ =	shalt  }
0x64: {  	_ =	shalt  }
0x65: {  	_ =	shalt  }
0x66: {  	_ =	shalt  }
0x67: {  	_ =	shalt  }
0x68: {  	_ =	shalt  }
0x69: {  	_ =	shalt  }
0x6a: {  	_ =	shalt  }
0x6b: {  	_ =	shalt  }
0x6c: {  	_ =	shalt  }
0x6d: {  	_ =	shalt  }
0x6e: {  	_ =	shalt  }
0x6f: {  	_ =	shalt  }
0x70: {  	_ =	shalt  }
0x71: {  	_ =	shalt  }
0x72: {  	_ =	shalt  }
0x73: {  	_ =	shalt  }
0x74: {  	_ =	shalt  }
0x75: {  	_ =	shalt  }
0x76: {  	_ =	shalt  }
0x77: {  	_ =	shalt  }
0x78: {  	_ =	shalt  }
0x79: {  	_ =	shalt  }
0x7a: {  	_ =	shalt  }
0x7b: {  	_ =	shalt  }
0x7c: {  	_ =	shalt  }
0x7d: {  	_ =	shalt  }
0x7e: {  	_ =	shalt  }
0x7f: {  	_ =	shalt  }
0x80: {  	_ =	shalt  }
0x81: {  	_ =	shalt  }
0x82: {  	_ =	shalt  }
0x83: {  	_ =	shalt  }
0x84: {  	_ =	shalt  }
0x85: {  	_ =	shalt  }
0x86: {  	_ =	shalt  }
0x87: {  	_ =	shalt  }
.Lfunc_end0:
.L_simem_size_0:
called_computation_lowered:
.L_overlay_start_0:
0x88: {  	s2 =	sld [smem:$0x3FD9]  }
0x89: {  	s3 =	sld [smem:$0x3FFE];
	_ =	sdelay $0x1  }
0x8a: {  	s1 =	srdreg.scid  }
0x8b: {  	s0 =	sand.u32 $0x1, s1  }
0x8c: {  	s17 =	sshll.u32 s0, $0xA;
	s2 =	sadd.s32 s3, s2  }
0x8d: {  	s2 =	sadd.s32 s2, s17  }
0x8e: {  	[smem:$0x3F84] =	sst s2  }
0x8f: {  	_ = 	snop  }
0x90: {  	(tm) =	ssettm $0x1  }
0x91: {  	s18 =	sld [smem:$0x3FFB];
	_ =	sdelay $0x3  }
0x92: {  	_ =	strace s18  }
0x93: {  	s2 =	sld [smem:$0x3FFC];
	_ =	sdelay $0x3  }
0x94: {  	_ =	strace s2  }
0x95: {  	s2 =	sld [smem:$0x3FFD];
	_ =	sdelay $0x3  }
0x96: {  	_ =	strace s2  }
0x97: {  	_ =	strace $0x8FFFFFFF  }
0x98: {  	s19 =	sld [smem:$0x3FDB];
	_ =	sdelay $0x1  }
0x99: {  	s20 =	simm.s32 $_scs_section_size  }
0x9a: {  	s4 =	simm.s32 $_size__tile_overlayer_lowered;
	s5 =	simm.s32 $_tile_overlayer_lowered  }
0x9b: {  	s6 =	simm.s32 $0x1BFF;
	s21 =	sshll.u32 s5, $0x1;
	s3 =	sadd.s32 s20, s19  }
0x9c: {  	s22 =	simm.s32 $0x0;
	s4 =	sshll.u32 s4, $0x1;
	s5 =	sadd.s32 s21, s3  }
0x9d: {  	[timem:s22], [sflag:s6] =	dma.local [hbm:s5], s4  }
0x9e: {  	_ =	swait.ge [sflag:s6], s4  }
0x9f: {  	s4 =	ssub.s32 $0x0, s4;
	[sflag:s6] =	ssyncset.done $0x0  }
0xa0: {  	[sflag:s6] =	ssyncadd.s32 s4;
	_ =	sdelay $0x1  }
0xa1: {  	s23 =	simm.s32 $0x1B8B  }
0xa2: {  	_ =	swait.ge [sflag:s23], $0x1  }
0xa3: {  	[sflag:s23] =	ssyncset.done $0x0  }
0xa4: {  	[sflag:s23] =	ssyncadd.s32 $0xFFFFFFFF  }
0xa5: {  	s4 =	sld [smem:$0x0]  }
0xa6: {  	s5 =	sand.u32 $0xFFFFFFFE, s1  }
0xa7: {  	p0 =	sne.s32 s1, s5  }
0xa8: {  	s5 =	sshll.u32 @p0 s5, $0xE  }
0xa9: {  	s5 =	sadd.s32 @p0 $0x11B8D, s5;
	s6 =	sshll.u32 @p0 s4, $0x11  }
0xaa: {  	s5 =	sor.u32 @p0 s6, s5  }
0xab: {  	[sflag:s5] =	ssyncadd.remote.s32 @p0 $0x1;
	_ =	sdelay $0x1  }
0xac: {  	s5 =	simm.s32 @p0 $0x1B8D  }
0xad: {  	_ =	swait.eq @p0 [sflag:s5], $0x1  }
0xae: {  	[sflag:s5] =	ssyncadd.s32 @p0 $0xFFFFFFFF  }
0xaf: {  	s6 =	sshll.u32 @!p0 s1, $0xE  }
0xb0: {  	s6 =	sor.u32 @!p0 $0x4000, s6;
	s5 =	simm.s32 @!p0 $0x1B8D  }
0xb1: {  	s4 =	sshll.u32 @!p0 s4, $0x11;
	s6 =	sadd.s32 @!p0 $0x11B8D, s6;
	_ =	swait.eq @!p0 [sflag:s5], $0x1  }
0xb2: {  	s4 =	sor.u32 @!p0 s4, s6;
	[sflag:s5] =	ssyncadd.s32 @!p0 $0xFFFFFFFF  }
0xb3: {  	s25 =	simm.s32 $0x1B8E;
	s24 =	sld [smem:$0x3FFE];
	[sflag:s4] =	ssyncadd.remote.s32 @!p0 $0x1  }
0xb4: {  	s26 =	simm.s32 $execute0_lowered;
	[smem:$0x3FD2] =	sst s25  }
0xb5: {  	s5 =	sshll.u32 s26, $0x1;
	_ =	strace $0x80000049;
	[dreg:$0x1] =	wrdreg $0xFFFFFFFF  }
0xb6: {  	s28 =	simm.s32 $_size_execute0_lowered;
	s3 =	sadd.s32 s3, s5;
	[dreg:$0x0] =	wrdreg $0x0  }
0xb7: {  	s5 =	sshll.u32 s28, $0x1;
	[dreg:$0x2] =	wrdreg s3  }
0xb8: {  	[dreg:$0x3] =	wrdreg s5  }
0xb9: {  	[dreg:$0x4] =	wrdreg $0xC0  }
0xba: {  	_ =	task [dreg:s22], $0x5FFFF  }
0xbb: {  	[dreg:$0x1] =	wrdreg $0xFFFFFFFF  }
0xbc: {  	[dreg:$0x0] =	wrdreg $0x60  }
0xbd: {  	[dreg:$0x2] =	wrdreg s24  }
0xbe: {  	[dreg:$0x3] =	wrdreg $0x9  }
0xbf: {  	_ =	task.clear_ibuf [dreg:s22], $0x4FFFF;
	_ =	strace $0x90000049  }
0xc0: {  	s29 =	simm.s32 $0x9;
	_ =	strace $0x8000004B  }
0xc1: {  	_ =	swait.ge [sflag:s29], $0x1  }
0xc2: {  	[sflag:s29] =	ssyncadd.s32 $0xFFFFFFFF  }
0xc3: {  	_ =	strace $0x9000004B  }
0xc4: {  	_ =	sfence  }
0xc5: {  	s30 =	sld [smem:$0x0];
	_ =	sdelay $0x2  }
0xc6: {  	s31 =	sshll.u32 s1, $0xD;
	s1 =	sshrl.u32 s1, $0x2  }
0xc7: {  	s4 =	sand.u32 $0x4000, s31;
	s1 =	sadd.s32 s1, s30  }
0xc8: {  	s0 =	sor.u32 s4, s0;
	s1 =	sshll.u32 s1, $0x11  }
0xc9: {  	s0 =	sor.u32 s1, s0  }
0xca: {  	s0 =	sadd.s32 $0x8F2B, s0  }
0xcb: {  	[sflag:s0] =	ssyncadd.remote.s32 $0x1  }
0xcc: {  	_ =	sfence.sel $0xFFFF  }
0xcd: {  	[dreg:$0x0] =	wrdreg $0xFFFFFFFF;
	(pc) =	sbr.abs _section_cstart, $3  }
0xce: {  	[dreg:$0x1] =	wrdreg $0xFFFFFFFF  }
0xcf: {  	_ =	task.clear_ibuf [dreg:s22], $0x2FFFF;
	_ =	strace $0x9FFFFFFF  }
0xd0: {  	(tm) =	ssettm $0x7FFFFFFF  }
0xd1: {  	_ =	shalt  }
tec
execute0_lowered:
.L_overlay_start_1:
0x0: {  	(tag) =	ssettag $0x1  }
0x1: {  	s0 =	rddreg [dreg:$0x0]  }
0x2: {  	s1 =	srdreg.scid;
	s3 =	stileid.u32;
	s2 =	simm.s32 $0x0  }
0x3: {  	s13 =	simm.s32 $0x7;
	s14 =	simm.s32 $0x200;
	s15 =	simm.s32 $0xC8  }
0x4: {  	s16 =	simm.s32 $0x400;
	s18 =	simm.s32 $0x1;
	s19 =	simm.s32 $0x2  }
0x5: {  	s20 =	simm.s32 $0xCC00;
	s21 =	simm.s32 $0x2C8;
	s22 =	simm.s32 $0x13000  }
0x6: {  	s23 =	simm.s32 $0x4;
	s24 =	simm.s32 $0x5;
	s25 =	simm.s32 $0x3  }
0x7: {  	s26 =	simm.s32 $0x6;
	s28 =	simm.s32 $0x0;
	s1 =	sand.u32 $0x1, s1  }
0x8: {  	s3 =	sshll.u32 s3, $0x1;
	[smem:$0x7FF] =	sst s2;
	s5 =	sadd.s32 $0x59800, s0  }
0x9: {  	s6 =	sadd.s32 $0x63600, s0;
	s4 =	sor.u32 s1, s3;
	s1 =	ssub.s32 $0x2, s1  }
0xa: {  	s7 =	sadd.s32 $0x109800, s0;
	s4 =	smul.u32 $0x2710, s4;
	s31 =	sshrl.u32 s1, $0x1  }
0xb: {  	_ =	strace $0x8000004A;
	s3 =	sadd.s32 $0x8C00, s0;
	s0 =	ssub.s32 s1, s31  }
0xc: {  	s9 =	sshrl.u32 s4, $0x3;
	s10 =	sadd.s32 $0x190, s4;
	s11 =	sadd.s32 $0xC8, s4  }
0xd: {  	s12 =	smax.u32 s0, $0x1;
	s8 =	sadd.s32 s5, s9;
	s9 =	sadd.s32 s6, s9  }
.LBB2_1:
0xe: {  	[tilespmem:s2], [sflag:$0x7] =	stream.linear.gather [hbm4b:s8+s2], $0x190, $0x38;
	[tilespmem:$0x19400] =	vst v63  }
0xf: {  	_ =	swait.ge [sflag:s13], $0x190  }
0x10: {  	[sflag:s13] =	ssyncset.done $0x0  }
0x11: {  	[sflag:s13] =	ssyncadd.s32 $0xFFFFFE70  }
0x12: {  	[tilespmem:s14], [sflag:$0x7] =	stream.linear.gather [hbm4b:s9+s2], $0x190, $0x38;
	[tilespmem:$0x19400] =	vst v63  }
0x13: {  	_ =	swait.ge [sflag:s13], $0x190  }
0x14: {  	[sflag:s13] =	ssyncset.done $0x0  }
0x15: {  	[sflag:s13] =	ssyncadd.s32 $0xFFFFFE70  }
0x16: {  	[tilespmem:s16], [sflag:$0x1] =	stream.indirect.gather [hbm4b:s3+s15], $0x80, s2, s15, $0xb8;
	[tilespmem:$0x19400] =	vst v63  }
0x17: {  	s0 =	simm.s32 $0x6800;
	s29 =	simm.s32 $0x0  }
0x18: {  	[tilespmem:s0], [sflag:$0x2] =	stream.indirect.gather [hbm4b:s3+s15], $0x80, s14, s15, $0xb8;
	[tilespmem:$0x19400] =	vst v63  }
.LBB2_2:
0x19: {  	p0 =	seq.s32 s29, $0x0  }
0x1a: {  	s0 =	simm.s32 @!p0 $0x6  }
0x1b: {  	_ =	swait.ge @!p0 [sflag:s0], $0x6400  }
0x1c: {  	[sflag:s0] =	ssyncset.done @!p0 $0x0  }
0x1d: {  	[sflag:s0] =	ssyncadd.s32 @!p0 $0xFFFF9C00  }
0x1e: {  	_ =	swait.ge [sflag:s18], $0x6400  }
0x1f: {  	[sflag:s18] =	ssyncset.done $0x0  }
0x20: {  	[sflag:s18] =	ssyncadd.s32 $0xFFFF9C00  }
0x21: {  	_ =	swait.ge [sflag:s19], $0x6400  }
0x22: {  	[sflag:s19] =	ssyncset.done $0x0  }
0x23: {  	[sflag:s19] =	ssyncadd.s32 $0xFFFF9C00  }
0x24: {  	[tilespmem:s20], [sflag:$0x4] =	stream.indirect.gather [hbm4b:s3+s15], $0x80, s15, s15, $0xb8;
	[tilespmem:$0x19400] =	vst v63  }
0x25: {  	s31 =	simm.s32 $0x500  }
0x26: {  	[tilespmem:s22], [sflag:$0x5] =	stream.indirect.gather [hbm4b:s3+s15], $0x80, s21, s15, $0xb8;
	[tilespmem:$0x19400] =	vst v63  }
0x27: {  	s30 =	simm.s32 $0x6900;
	v0 =	vld [tilespmem:s31+$0x80]  }
0x28: {  	v1 =	vld [tilespmem:s30+$0x80]  }
0x29: {  	v2 =	vld [tilespmem:s31+$0xFFFFFF80]  }
0x2a: {  	v3 =	vld [tilespmem:s30+$0xFFFFFF80]  }
0x2b: {  	v4 =	vld [tilespmem:s31+$0x0]  }
0x2c: {  	v5 =	vld [tilespmem:s30+$0x0]  }
0x2d: {  	v6 =	vld [tilespmem:s31+$0xFFFFFF00];
	v0 =	vadd.f32 v1, v0  }
0x2e: {  	v1 =	vld [tilespmem:s30+$0xFFFFFF00]  }
0x2f: {  	[tilespmem:s31+$0x80] =	vst v0;
	v0 =	vld [tilespmem:s31+$0x90]  }
0x30: {  	v2 =	vadd.f32 v3, v2;
	v3 =	vld [tilespmem:s30+$0x90]  }
0x31: {  	v7 =	vld [tilespmem:s31+$0xFFFFFF10]  }
0x32: {  	[tilespmem:s31+$0xFFFFFF80] =	vst v2;
	v2 =	vadd.f32 v5, v4;
	v4 =	vld [tilespmem:s31+$0xFFFFFF90]  }
0x33: {  	v5 =	vld [tilespmem:s30+$0xFFFFFF90];
	v1 =	vadd.f32 v1, v6  }
0x34: {  	[tilespmem:s31+$0x0] =	vst v2;
	v2 =	vld [tilespmem:s31+$0x10]  }
0x35: {  	v6 =	vld [tilespmem:s30+$0x10];
	[tilespmem:s31+$0xFFFFFF00] =	vst v1;
	v0 =	vadd.f32 v3, v0  }
0x36: {  	v1 =	vld [tilespmem:s30+$0xFFFFFF10]  }
0x37: {  	[tilespmem:s31+$0x90] =	vst v0;
	v0 =	vld [tilespmem:s31+$0xA0]  }
0x38: {  	v3 =	vadd.f32 v5, v4;
	v4 =	vld [tilespmem:s30+$0xA0]  }
0x39: {  	v5 =	vld [tilespmem:s31+$0xFFFFFF20]  }
0x3a: {  	[tilespmem:s31+$0xFFFFFF90] =	vst v3;
	v2 =	vadd.f32 v6, v2;
	v3 =	vld [tilespmem:s31+$0xFFFFFFA0]  }
0x3b: {  	v6 =	vld [tilespmem:s30+$0xFFFFFFA0];
	v1 =	vadd.f32 v1, v7  }
0x3c: {  	[tilespmem:s31+$0x10] =	vst v2;
	v2 =	vld [tilespmem:s31+$0x20]  }
0x3d: {  	v7 =	vld [tilespmem:s30+$0x20];
	[tilespmem:s31+$0xFFFFFF10] =	vst v1;
	v0 =	vadd.f32 v4, v0  }
0x3e: {  	v1 =	vld [tilespmem:s30+$0xFFFFFF20]  }
0x3f: {  	[tilespmem:s31+$0xA0] =	vst v0;
	v0 =	vld [tilespmem:s31+$0xB0]  }
0x40: {  	v3 =	vadd.f32 v6, v3;
	v4 =	vld [tilespmem:s30+$0xB0]  }
0x41: {  	v6 =	vld [tilespmem:s31+$0xFFFFFF30]  }
0x42: {  	[tilespmem:s31+$0xFFFFFFA0] =	vst v3;
	v2 =	vadd.f32 v7, v2;
	v3 =	vld [tilespmem:s31+$0xFFFFFFB0]  }
0x43: {  	v7 =	vld [tilespmem:s30+$0xFFFFFFB0];
	v1 =	vadd.f32 v1, v5  }
0x44: {  	[tilespmem:s31+$0x20] =	vst v2;
	v2 =	vld [tilespmem:s31+$0x30]  }
0x45: {  	v5 =	vld [tilespmem:s30+$0x30];
	[tilespmem:s31+$0xFFFFFF20] =	vst v1;
	v0 =	vadd.f32 v4, v0  }
0x46: {  	v1 =	vld [tilespmem:s30+$0xFFFFFF30]  }
0x47: {  	[tilespmem:s31+$0xB0] =	vst v0;
	v0 =	vld [tilespmem:s31+$0xC0]  }
0x48: {  	v3 =	vadd.f32 v7, v3;
	v4 =	vld [tilespmem:s30+$0xC0]  }
0x49: {  	v7 =	vld [tilespmem:s31+$0xFFFFFF40]  }
0x4a: {  	[tilespmem:s31+$0xFFFFFFB0] =	vst v3;
	v2 =	vadd.f32 v5, v2;
	v3 =	vld [tilespmem:s31+$0xFFFFFFC0]  }
0x4b: {  	v5 =	vld [tilespmem:s30+$0xFFFFFFC0];
	v1 =	vadd.f32 v1, v6  }
0x4c: {  	[tilespmem:s31+$0x30] =	vst v2;
	v2 =	vld [tilespmem:s31+$0x40]  }
0x4d: {  	v6 =	vld [tilespmem:s30+$0x40];
	[tilespmem:s31+$0xFFFFFF30] =	vst v1;
	v0 =	vadd.f32 v4, v0  }
0x4e: {  	v1 =	vld [tilespmem:s30+$0xFFFFFF40]  }
0x4f: {  	[tilespmem:s31+$0xC0] =	vst v0;
	v0 =	vld [tilespmem:s31+$0xD0]  }
0x50: {  	v3 =	vadd.f32 v5, v3;
	v4 =	vld [tilespmem:s30+$0xD0]  }
0x51: {  	v5 =	vld [tilespmem:s31+$0xFFFFFF50]  }
0x52: {  	[tilespmem:s31+$0xFFFFFFC0] =	vst v3;
	v2 =	vadd.f32 v6, v2;
	v3 =	vld [tilespmem:s31+$0xFFFFFFD0]  }
0x53: {  	v6 =	vld [tilespmem:s30+$0xFFFFFFD0];
	v1 =	vadd.f32 v1, v7  }
0x54: {  	[tilespmem:s31+$0x40] =	vst v2;
	v2 =	vld [tilespmem:s31+$0x50]  }
0x55: {  	v7 =	vld [tilespmem:s30+$0x50];
	[tilespmem:s31+$0xFFFFFF40] =	vst v1;
	v0 =	vadd.f32 v4, v0  }
0x56: {  	v1 =	vld [tilespmem:s30+$0xFFFFFF50]  }
0x57: {  	[tilespmem:s31+$0xD0] =	vst v0;
	v0 =	vld [tilespmem:s31+$0xE0]  }
0x58: {  	v3 =	vadd.f32 v6, v3;
	v4 =	vld [tilespmem:s30+$0xE0]  }
0x59: {  	v6 =	vld [tilespmem:s31+$0xFFFFFF60]  }
0x5a: {  	[tilespmem:s31+$0xFFFFFFD0] =	vst v3;
	v2 =	vadd.f32 v7, v2;
	v3 =	vld [tilespmem:s31+$0xFFFFFFE0]  }
0x5b: {  	v7 =	vld [tilespmem:s30+$0xFFFFFFE0];
	v1 =	vadd.f32 v1, v5  }
0x5c: {  	[tilespmem:s31+$0x50] =	vst v2;
	v2 =	vld [tilespmem:s31+$0x60]  }
0x5d: {  	v5 =	vld [tilespmem:s30+$0x60];
	[tilespmem:s31+$0xFFFFFF50] =	vst v1;
	v0 =	vadd.f32 v4, v0  }
0x5e: {  	v4 =	vld [tilespmem:s30+$0xFFFFFF60]  }
0x5f: {  	v8 =	vld [tilespmem:s31+$0xF0];
	[tilespmem:s31+$0xE0] =	vst v0  }
0x60: {  	v1 =	vadd.f32 v7, v3;
	v7 =	vld [tilespmem:s30+$0xF0]  }
0x61: {  	v0 =	vld [tilespmem:s31+$0xFFFFFF70]  }
0x62: {  	[tilespmem:s31+$0xFFFFFFE0] =	vst v1;
	v2 =	vadd.f32 v5, v2;
	v1 =	vld [tilespmem:s31+$0xFFFFFFF0]  }
0x63: {  	v3 =	vld [tilespmem:s30+$0xFFFFFFF0];
	v4 =	vadd.f32 v4, v6  }
0x64: {  	[tilespmem:s31+$0x60] =	vst v2;
	v2 =	vld [tilespmem:s31+$0x70]  }
0x65: {  	[tilespmem:s31+$0xFFFFFF60] =	vst v4;
	v4 =	vld [tilespmem:s30+$0x70];
	v6 =	vadd.f32 v7, v8  }
0x66: {  	s1 =	simm.s32 $0x700;
	s0 =	simm.s32 $0x0;
	v5 =	vld [tilespmem:s30+$0xFFFFFF70]  }
.LBB2_3:
0x67: {  	v7 =	vld [tilespmem:s1+$0x80];
	[tilespmem:s31+$0xF0] =	vst v6;
	s30 =	sadd.s32 $0x200, s30  }
0x68: {  	s0 =	sadd.s32 $0x4, s0;
	v6 =	vld [tilespmem:s30+$0x80];
	v1 =	vadd.f32 v3, v1  }
0x69: {  	p0 =	slt.u32 s0, $0xC4;
	v3 =	vld [tilespmem:s30+$0xFFFFFF00]  }
0x6a: {  	v8 =	vld [tilespmem:s1+$0xFFFFFF80];
	[tilespmem:s31+$0xFFFFFFF0] =	vst v1;
	v1 =	vadd.f32 v4, v2  }
0x6b: {  	v2 =	vld [tilespmem:s30+$0xFFFFFF80];
	v0 =	vadd.f32 v5, v0  }
0x6c: {  	v4 =	vld [tilespmem:s1+$0x0];
	[tilespmem:s31+$0x70] =	vst v1  }
0x6d: {  	v1 =	vld [tilespmem:s30+$0x0];
	v5 =	vadd.f32 v6, v7;
	[tilespmem:s31+$0xFFFFFF70] =	vst v0;
	s31 =	smov.u32 s1  }
0x6e: {  	v0 =	vld [tilespmem:s1+$0xFFFFFF00]  }
0x6f: {  	[tilespmem:s1+$0x80] =	vst v5;
	v5 =	vld [tilespmem:s1+$0x90]  }
0x70: {  	v2 =	vadd.f32 v2, v8;
	v6 =	vld [tilespmem:s30+$0x90]  }
0x71: {  	v7 =	vld [tilespmem:s1+$0xFFFFFF10]  }
0x72: {  	[tilespmem:s1+$0xFFFFFF80] =	vst v2;
	v2 =	vld [tilespmem:s1+$0xFFFFFF90];
	v1 =	vadd.f32 v1, v4  }
0x73: {  	v0 =	vadd.f32 v3, v0;
	v3 =	vld [tilespmem:s30+$0xFFFFFF90]  }
0x74: {  	[tilespmem:s1+$0x0] =	vst v1;
	v1 =	vld [tilespmem:s1+$0x10]  }
0x75: {  	[tilespmem:s1+$0xFFFFFF00] =	vst v0;
	v0 =	vld [tilespmem:s30+$0x10];
	v4 =	vadd.f32 v6, v5  }
0x76: {  	v5 =	vld [tilespmem:s30+$0xFFFFFF10]  }
0x77: {  	[tilespmem:s1+$0x90] =	vst v4;
	v4 =	vld [tilespmem:s1+$0xA0]  }
0x78: {  	v2 =	vadd.f32 v3, v2;
	v3 =	vld [tilespmem:s30+$0xA0]  }
0x79: {  	v6 =	vld [tilespmem:s1+$0xFFFFFF20]  }
0x7a: {  	[tilespmem:s1+$0xFFFFFF90] =	vst v2;
	v2 =	vld [tilespmem:s1+$0xFFFFFFA0];
	v0 =	vadd.f32 v0, v1  }
0x7b: {  	v1 =	vadd.f32 v5, v7;
	v5 =	vld [tilespmem:s30+$0xFFFFFFA0]  }
0x7c: {  	[tilespmem:s1+$0x10] =	vst v0;
	v0 =	vld [tilespmem:s1+$0x20]  }
0x7d: {  	[tilespmem:s1+$0xFFFFFF10] =	vst v1;
	v1 =	vld [tilespmem:s30+$0x20];
	v3 =	vadd.f32 v3, v4  }
0x7e: {  	v4 =	vld [tilespmem:s30+$0xFFFFFF20]  }
0x7f: {  	[tilespmem:s1+$0xA0] =	vst v3;
	v3 =	vld [tilespmem:s1+$0xB0]  }
0x80: {  	v2 =	vadd.f32 v5, v2;
	v5 =	vld [tilespmem:s30+$0xB0]  }
0x81: {  	v7 =	vld [tilespmem:s1+$0xFFFFFF30]  }
0x82: {  	[tilespmem:s1+$0xFFFFFFA0] =	vst v2;
	v2 =	vld [tilespmem:s1+$0xFFFFFFB0];
	v0 =	vadd.f32 v1, v0  }
0x83: {  	v1 =	vadd.f32 v4, v6;
	v4 =	vld [tilespmem:s30+$0xFFFFFFB0]  }
0x84: {  	[tilespmem:s1+$0x20] =	vst v0;
	v0 =	vld [tilespmem:s1+$0x30]  }
0x85: {  	[tilespmem:s1+$0xFFFFFF20] =	vst v1;
	v1 =	vld [tilespmem:s30+$0x30];
	v3 =	vadd.f32 v5, v3  }
0x86: {  	v5 =	vld [tilespmem:s30+$0xFFFFFF30]  }
0x87: {  	[tilespmem:s1+$0xB0] =	vst v3;
	v3 =	vld [tilespmem:s1+$0xC0]  }
0x88: {  	v2 =	vadd.f32 v4, v2;
	v4 =	vld [tilespmem:s30+$0xC0]  }
0x89: {  	v6 =	vld [tilespmem:s1+$0xFFFFFF40]  }
0x8a: {  	[tilespmem:s1+$0xFFFFFFB0] =	vst v2;
	v2 =	vld [tilespmem:s1+$0xFFFFFFC0];
	v0 =	vadd.f32 v1, v0  }
0x8b: {  	v1 =	vadd.f32 v5, v7;
	v5 =	vld [tilespmem:s30+$0xFFFFFFC0]  }
0x8c: {  	[tilespmem:s1+$0x30] =	vst v0;
	v0 =	vld [tilespmem:s1+$0x40]  }
0x8d: {  	[tilespmem:s1+$0xFFFFFF30] =	vst v1;
	v1 =	vld [tilespmem:s30+$0x40];
	v3 =	vadd.f32 v4, v3  }
0x8e: {  	v4 =	vld [tilespmem:s30+$0xFFFFFF40]  }
0x8f: {  	[tilespmem:s1+$0xC0] =	vst v3;
	v3 =	vld [tilespmem:s1+$0xD0]  }
0x90: {  	v2 =	vadd.f32 v5, v2;
	v5 =	vld [tilespmem:s30+$0xD0]  }
0x91: {  	v7 =	vld [tilespmem:s1+$0xFFFFFF50]  }
0x92: {  	[tilespmem:s1+$0xFFFFFFC0] =	vst v2;
	v2 =	vld [tilespmem:s1+$0xFFFFFFD0];
	v0 =	vadd.f32 v1, v0  }
0x93: {  	v1 =	vadd.f32 v4, v6;
	v4 =	vld [tilespmem:s30+$0xFFFFFFD0]  }
0x94: {  	[tilespmem:s1+$0x40] =	vst v0;
	v0 =	vld [tilespmem:s1+$0x50]  }
0x95: {  	[tilespmem:s1+$0xFFFFFF40] =	vst v1;
	v1 =	vld [tilespmem:s30+$0x50];
	v3 =	vadd.f32 v5, v3  }
0x96: {  	v5 =	vld [tilespmem:s30+$0xFFFFFF50]  }
0x97: {  	[tilespmem:s1+$0xD0] =	vst v3;
	v3 =	vld [tilespmem:s1+$0xE0]  }
0x98: {  	v2 =	vadd.f32 v4, v2;
	v4 =	vld [tilespmem:s30+$0xE0]  }
0x99: {  	v6 =	vld [tilespmem:s1+$0xFFFFFF60]  }
0x9a: {  	[tilespmem:s1+$0xFFFFFFD0] =	vst v2;
	v2 =	vld [tilespmem:s1+$0xFFFFFFE0];
	v0 =	vadd.f32 v1, v0  }
0x9b: {  	v1 =	vadd.f32 v5, v7;
	v5 =	vld [tilespmem:s30+$0xFFFFFFE0]  }
0x9c: {  	[tilespmem:s1+$0x50] =	vst v0;
	v7 =	vld [tilespmem:s1+$0x60]  }
0x9d: {  	[tilespmem:s1+$0xFFFFFF50] =	vst v1;
	v8 =	vld [tilespmem:s30+$0x60];
	v0 =	vadd.f32 v4, v3  }
0x9e: {  	v3 =	vld [tilespmem:s30+$0xFFFFFF60]  }
0x9f: {  	[tilespmem:s1+$0xE0] =	vst v0;
	v9 =	vld [tilespmem:s1+$0xF0]  }
0xa0: {  	v1 =	vadd.f32 v5, v2;
	v5 =	vld [tilespmem:s30+$0xF0]  }
0xa1: {  	v0 =	vld [tilespmem:s1+$0xFFFFFF70]  }
.Ltmp0:
0xa2: {  	[tilespmem:s1+$0xFFFFFFE0] =	vst v1;
	v1 =	vld [tilespmem:s1+$0xFFFFFFF0];
	v2 =	vadd.f32 v8, v7;
	(pc) =	sbr.rel @p0 .LBB2_3-.Ltmp0, $4  }
0xa3: {  	v4 =	vadd.f32 v3, v6;
	v3 =	vld [tilespmem:s30+$0xFFFFFFF0]  }
0xa4: {  	[tilespmem:s1+$0x60] =	vst v2;
	v2 =	vld [tilespmem:s1+$0x70]  }
0xa5: {  	[tilespmem:s1+$0xFFFFFF60] =	vst v4;
	v4 =	vld [tilespmem:s30+$0x70];
	v6 =	vadd.f32 v5, v9  }
0xa6: {  	s1 =	sadd.s32 $0x200, s1;
	v5 =	vld [tilespmem:s30+$0xFFFFFF70]  }
0xa7: {  	_ =	sdelay $0x1  }
0xa8: {  	s30 =	smul.u32 $0x190, s29;
	v1 =	vadd.f32 v3, v1  }
0xa9: {  	[tilespmem:s31+$0xF0] =	vst v6;
	v2 =	vadd.f32 v4, v2  }
0xaa: {  	s0 =	sadd.s32 s4, s30;
	[tilespmem:s31+$0xFFFFFFF0] =	vst v1;
	v0 =	vadd.f32 v5, v0  }
0xab: {  	s0 =	sshll.u32 s0, $0x4;
	[tilespmem:s31+$0x70] =	vst v2  }
0xac: {  	s0 =	sadd.s32 s7, s0;
	[tilespmem:s31+$0xFFFFFF70] =	vst v0  }
0xad: {  	[hbm4b:s0+s2] =	stream.linear.scatter [tilespmem:s16], [sflag:$0x3], $0x6400, $0x38;
	[tilespmem:$0x19400] =	vst v63  }
0xae: {  	_ =	swait.ge [sflag:s23], $0x6400  }
0xaf: {  	[sflag:s23] =	ssyncset.done $0x0  }
0xb0: {  	p0 =	seq.s32 s29, $0x18;
	[sflag:s23] =	ssyncadd.s32 $0xFFFF9C00  }
0xb1: {  	s0 =	sadd.s32 @!p0 s30, s10;
	_ =	swait.ge [sflag:s24], $0x6400  }
0xb2: {  	s0 =	sshrl.u32 @!p0 s0, $0x3;
	[sflag:s24] =	ssyncset.done $0x0  }
0xb3: {  	s17 =	simm.s32 @!p0 $0x0;
	s1 =	sadd.s32 @!p0 s5, s0;
	[sflag:s24] =	ssyncadd.s32 $0xFFFF9C00  }
0xb4: {  	[tilespmem:s17], [sflag:$0x7] =	stream.linear.gather @!p0 [hbm4b:s1+s17], $0x190, $0x38;
	[tilespmem:$0x19400] =	vst v63  }
0xb5: {  	s1 =	simm.s32 @!p0 $0x7  }
0xb6: {  	_ =	swait.ge @!p0 [sflag:s1], $0x190  }
0xb7: {  	[sflag:s1] =	ssyncset.done @!p0 $0x0  }
0xb8: {  	s31 =	simm.s32 @!p0 $0x200;
	s0 =	sadd.s32 @!p0 s6, s0;
	[sflag:s1] =	ssyncadd.s32 @!p0 $0xFFFFFE70  }
0xb9: {  	[tilespmem:s31], [sflag:$0x7] =	stream.linear.gather @!p0 [hbm4b:s0+s17], $0x190, $0x38;
	[tilespmem:$0x19400] =	vst v63  }
0xba: {  	_ =	swait.ge @!p0 [sflag:s1], $0x190  }
0xbb: {  	[sflag:s1] =	ssyncset.done @!p0 $0x0  }
0xbc: {  	s0 =	simm.s32 @!p0 $0x3;
	[sflag:s1] =	ssyncadd.s32 @!p0 $0xFFFFFE70  }
0xbd: {  	_ =	swait.ge @!p0 [sflag:s0], $0x6400  }
0xbe: {  	[sflag:s0] =	ssyncset.done @!p0 $0x0  }
0xbf: {  	s1 =	simm.s32 @!p0 $0x400;
	[sflag:s0] =	ssyncadd.s32 @!p0 $0xFFFF9C00;
	s0 =	simm.s32 @!p0 $0xC8  }
0xc0: {  	[tilespmem:s1], [sflag:$0x1] =	stream.indirect.gather @!p0 [hbm4b:s3+s0], $0x80, s17, s0, $0xb8;
	[tilespmem:$0x19400] =	vst v63  }
0xc1: {  	s1 =	simm.s32 @!p0 $0x6800  }
0xc2: {  	[tilespmem:s1], [sflag:$0x2] =	stream.indirect.gather @!p0 [hbm4b:s3+s0], $0x80, s31, s0, $0xb8;
	[tilespmem:$0x19400] =	vst v63  }
0xc3: {  	s31 =	simm.s32 $0xCD00  }
0xc4: {  	s0 =	simm.s32 $0x13100;
	v0 =	vld [tilespmem:s31+$0x80]  }
0xc5: {  	v1 =	vld [tilespmem:s0+$0x80]  }
0xc6: {  	v2 =	vld [tilespmem:s31+$0xFFFFFF80]  }
0xc7: {  	v3 =	vld [tilespmem:s0+$0xFFFFFF80]  }
0xc8: {  	v4 =	vld [tilespmem:s31+$0x0]  }
0xc9: {  	v5 =	vld [tilespmem:s0+$0x0]  }
0xca: {  	v6 =	vld [tilespmem:s31+$0xFFFFFF00];
	v0 =	vadd.f32 v1, v0  }
0xcb: {  	v1 =	vld [tilespmem:s0+$0xFFFFFF00]  }
0xcc: {  	[tilespmem:s31+$0x80] =	vst v0;
	v0 =	vld [tilespmem:s31+$0x90]  }
0xcd: {  	v2 =	vadd.f32 v3, v2;
	v3 =	vld [tilespmem:s0+$0x90]  }
0xce: {  	v7 =	vld [tilespmem:s31+$0xFFFFFF10]  }
0xcf: {  	[tilespmem:s31+$0xFFFFFF80] =	vst v2;
	v2 =	vadd.f32 v5, v4;
	v4 =	vld [tilespmem:s31+$0xFFFFFF90]  }
0xd0: {  	v5 =	vld [tilespmem:s0+$0xFFFFFF90];
	v1 =	vadd.f32 v1, v6  }
0xd1: {  	[tilespmem:s31+$0x0] =	vst v2;
	v2 =	vld [tilespmem:s31+$0x10]  }
0xd2: {  	v6 =	vld [tilespmem:s0+$0x10];
	[tilespmem:s31+$0xFFFFFF00] =	vst v1;
	v0 =	vadd.f32 v3, v0  }
0xd3: {  	v1 =	vld [tilespmem:s0+$0xFFFFFF10]  }
0xd4: {  	[tilespmem:s31+$0x90] =	vst v0;
	v0 =	vld [tilespmem:s31+$0xA0]  }
0xd5: {  	v3 =	vadd.f32 v5, v4;
	v4 =	vld [tilespmem:s0+$0xA0]  }
0xd6: {  	v5 =	vld [tilespmem:s31+$0xFFFFFF20]  }
0xd7: {  	[tilespmem:s31+$0xFFFFFF90] =	vst v3;
	v2 =	vadd.f32 v6, v2;
	v3 =	vld [tilespmem:s31+$0xFFFFFFA0]  }
0xd8: {  	v6 =	vld [tilespmem:s0+$0xFFFFFFA0];
	v1 =	vadd.f32 v1, v7  }
0xd9: {  	[tilespmem:s31+$0x10] =	vst v2;
	v2 =	vld [tilespmem:s31+$0x20]  }
0xda: {  	v7 =	vld [tilespmem:s0+$0x20];
	[tilespmem:s31+$0xFFFFFF10] =	vst v1;
	v0 =	vadd.f32 v4, v0  }
0xdb: {  	v1 =	vld [tilespmem:s0+$0xFFFFFF20]  }
0xdc: {  	[tilespmem:s31+$0xA0] =	vst v0;
	v0 =	vld [tilespmem:s31+$0xB0]  }
0xdd: {  	v3 =	vadd.f32 v6, v3;
	v4 =	vld [tilespmem:s0+$0xB0]  }
0xde: {  	v6 =	vld [tilespmem:s31+$0xFFFFFF30]  }
0xdf: {  	[tilespmem:s31+$0xFFFFFFA0] =	vst v3;
	v2 =	vadd.f32 v7, v2;
	v3 =	vld [tilespmem:s31+$0xFFFFFFB0]  }
0xe0: {  	v7 =	vld [tilespmem:s0+$0xFFFFFFB0];
	v1 =	vadd.f32 v1, v5  }
0xe1: {  	[tilespmem:s31+$0x20] =	vst v2;
	v2 =	vld [tilespmem:s31+$0x30]  }
0xe2: {  	v5 =	vld [tilespmem:s0+$0x30];
	[tilespmem:s31+$0xFFFFFF20] =	vst v1;
	v0 =	vadd.f32 v4, v0  }
0xe3: {  	v1 =	vld [tilespmem:s0+$0xFFFFFF30]  }
0xe4: {  	[tilespmem:s31+$0xB0] =	vst v0;
	v0 =	vld [tilespmem:s31+$0xC0]  }
0xe5: {  	v3 =	vadd.f32 v7, v3;
	v4 =	vld [tilespmem:s0+$0xC0]  }
0xe6: {  	v7 =	vld [tilespmem:s31+$0xFFFFFF40]  }
0xe7: {  	[tilespmem:s31+$0xFFFFFFB0] =	vst v3;
	v2 =	vadd.f32 v5, v2;
	v3 =	vld [tilespmem:s31+$0xFFFFFFC0]  }
0xe8: {  	v5 =	vld [tilespmem:s0+$0xFFFFFFC0];
	v1 =	vadd.f32 v1, v6  }
0xe9: {  	[tilespmem:s31+$0x30] =	vst v2;
	v2 =	vld [tilespmem:s31+$0x40]  }
0xea: {  	v6 =	vld [tilespmem:s0+$0x40];
	[tilespmem:s31+$0xFFFFFF30] =	vst v1;
	v0 =	vadd.f32 v4, v0  }
0xeb: {  	v1 =	vld [tilespmem:s0+$0xFFFFFF40]  }
0xec: {  	[tilespmem:s31+$0xC0] =	vst v0;
	v0 =	vld [tilespmem:s31+$0xD0]  }
0xed: {  	v3 =	vadd.f32 v5, v3;
	v4 =	vld [tilespmem:s0+$0xD0]  }
0xee: {  	v5 =	vld [tilespmem:s31+$0xFFFFFF50]  }
0xef: {  	[tilespmem:s31+$0xFFFFFFC0] =	vst v3;
	v2 =	vadd.f32 v6, v2;
	v3 =	vld [tilespmem:s31+$0xFFFFFFD0]  }
0xf0: {  	v6 =	vld [tilespmem:s0+$0xFFFFFFD0];
	v1 =	vadd.f32 v1, v7  }
0xf1: {  	[tilespmem:s31+$0x40] =	vst v2;
	v2 =	vld [tilespmem:s31+$0x50]  }
0xf2: {  	v7 =	vld [tilespmem:s0+$0x50];
	[tilespmem:s31+$0xFFFFFF40] =	vst v1;
	v0 =	vadd.f32 v4, v0  }
0xf3: {  	v1 =	vld [tilespmem:s0+$0xFFFFFF50]  }
0xf4: {  	[tilespmem:s31+$0xD0] =	vst v0;
	v0 =	vld [tilespmem:s31+$0xE0]  }
0xf5: {  	v3 =	vadd.f32 v6, v3;
	v4 =	vld [tilespmem:s0+$0xE0]  }
0xf6: {  	v6 =	vld [tilespmem:s31+$0xFFFFFF60]  }
0xf7: {  	[tilespmem:s31+$0xFFFFFFD0] =	vst v3;
	v2 =	vadd.f32 v7, v2;
	v3 =	vld [tilespmem:s31+$0xFFFFFFE0]  }
0xf8: {  	v7 =	vld [tilespmem:s0+$0xFFFFFFE0];
	v1 =	vadd.f32 v1, v5  }
0xf9: {  	[tilespmem:s31+$0x50] =	vst v2;
	v2 =	vld [tilespmem:s31+$0x60]  }
0xfa: {  	v5 =	vld [tilespmem:s0+$0x60];
	[tilespmem:s31+$0xFFFFFF50] =	vst v1;
	v0 =	vadd.f32 v4, v0  }
0xfb: {  	v4 =	vld [tilespmem:s0+$0xFFFFFF60]  }
0xfc: {  	v8 =	vld [tilespmem:s31+$0xF0];
	[tilespmem:s31+$0xE0] =	vst v0  }
0xfd: {  	v1 =	vadd.f32 v7, v3;
	v7 =	vld [tilespmem:s0+$0xF0]  }
0xfe: {  	v0 =	vld [tilespmem:s31+$0xFFFFFF70]  }
0xff: {  	[tilespmem:s31+$0xFFFFFFE0] =	vst v1;
	v2 =	vadd.f32 v5, v2;
	v1 =	vld [tilespmem:s31+$0xFFFFFFF0]  }
0x100: {  	v3 =	vld [tilespmem:s0+$0xFFFFFFF0];
	v4 =	vadd.f32 v4, v6  }
0x101: {  	[tilespmem:s31+$0x60] =	vst v2;
	v2 =	vld [tilespmem:s31+$0x70]  }
0x102: {  	[tilespmem:s31+$0xFFFFFF60] =	vst v4;
	v4 =	vld [tilespmem:s0+$0x70];
	v6 =	vadd.f32 v7, v8  }
0x103: {  	s17 =	simm.s32 $0xCF00;
	s1 =	simm.s32 $0x0;
	v5 =	vld [tilespmem:s0+$0xFFFFFF70]  }
.LBB2_5:
0x104: {  	v7 =	vld [tilespmem:s17+$0x80];
	[tilespmem:s31+$0xF0] =	vst v6;
	s0 =	sadd.s32 $0x200, s0  }
0x105: {  	s1 =	sadd.s32 $0x4, s1;
	v6 =	vld [tilespmem:s0+$0x80];
	v1 =	vadd.f32 v3, v1  }
0x106: {  	p0 =	slt.u32 s1, $0xC4;
	v3 =	vld [tilespmem:s0+$0xFFFFFF00]  }
0x107: {  	v8 =	vld [tilespmem:s17+$0xFFFFFF80];
	[tilespmem:s31+$0xFFFFFFF0] =	vst v1;
	v1 =	vadd.f32 v4, v2  }
0x108: {  	v2 =	vld [tilespmem:s0+$0xFFFFFF80];
	v0 =	vadd.f32 v5, v0  }
0x109: {  	v4 =	vld [tilespmem:s17+$0x0];
	[tilespmem:s31+$0x70] =	vst v1  }
0x10a: {  	v1 =	vld [tilespmem:s0+$0x0];
	v5 =	vadd.f32 v6, v7;
	[tilespmem:s31+$0xFFFFFF70] =	vst v0;
	s31 =	smov.u32 s17  }
0x10b: {  	v0 =	vld [tilespmem:s17+$0xFFFFFF00]  }
0x10c: {  	[tilespmem:s17+$0x80] =	vst v5;
	v5 =	vld [tilespmem:s17+$0x90]  }
0x10d: {  	v2 =	vadd.f32 v2, v8;
	v6 =	vld [tilespmem:s0+$0x90]  }
0x10e: {  	v7 =	vld [tilespmem:s17+$0xFFFFFF10]  }
0x10f: {  	[tilespmem:s17+$0xFFFFFF80] =	vst v2;
	v2 =	vld [tilespmem:s17+$0xFFFFFF90];
	v1 =	vadd.f32 v1, v4  }
0x110: {  	v0 =	vadd.f32 v3, v0;
	v3 =	vld [tilespmem:s0+$0xFFFFFF90]  }
0x111: {  	[tilespmem:s17+$0x0] =	vst v1;
	v1 =	vld [tilespmem:s17+$0x10]  }
0x112: {  	[tilespmem:s17+$0xFFFFFF00] =	vst v0;
	v0 =	vld [tilespmem:s0+$0x10];
	v4 =	vadd.f32 v6, v5  }
0x113: {  	v5 =	vld [tilespmem:s0+$0xFFFFFF10]  }
0x114: {  	[tilespmem:s17+$0x90] =	vst v4;
	v4 =	vld [tilespmem:s17+$0xA0]  }
0x115: {  	v2 =	vadd.f32 v3, v2;
	v3 =	vld [tilespmem:s0+$0xA0]  }
0x116: {  	v6 =	vld [tilespmem:s17+$0xFFFFFF20]  }
0x117: {  	[tilespmem:s17+$0xFFFFFF90] =	vst v2;
	v2 =	vld [tilespmem:s17+$0xFFFFFFA0];
	v0 =	vadd.f32 v0, v1  }
0x118: {  	v1 =	vadd.f32 v5, v7;
	v5 =	vld [tilespmem:s0+$0xFFFFFFA0]  }
0x119: {  	[tilespmem:s17+$0x10] =	vst v0;
	v0 =	vld [tilespmem:s17+$0x20]  }
0x11a: {  	[tilespmem:s17+$0xFFFFFF10] =	vst v1;
	v1 =	vld [tilespmem:s0+$0x20];
	v3 =	vadd.f32 v3, v4  }
0x11b: {  	v4 =	vld [tilespmem:s0+$0xFFFFFF20]  }
0x11c: {  	[tilespmem:s17+$0xA0] =	vst v3;
	v3 =	vld [tilespmem:s17+$0xB0]  }
0x11d: {  	v2 =	vadd.f32 v5, v2;
	v5 =	vld [tilespmem:s0+$0xB0]  }
0x11e: {  	v7 =	vld [tilespmem:s17+$0xFFFFFF30]  }
0x11f: {  	[tilespmem:s17+$0xFFFFFFA0] =	vst v2;
	v2 =	vld [tilespmem:s17+$0xFFFFFFB0];
	v0 =	vadd.f32 v1, v0  }
0x120: {  	v1 =	vadd.f32 v4, v6;
	v4 =	vld [tilespmem:s0+$0xFFFFFFB0]  }
0x121: {  	[tilespmem:s17+$0x20] =	vst v0;
	v0 =	vld [tilespmem:s17+$0x30]  }
0x122: {  	[tilespmem:s17+$0xFFFFFF20] =	vst v1;
	v1 =	vld [tilespmem:s0+$0x30];
	v3 =	vadd.f32 v5, v3  }
0x123: {  	v5 =	vld [tilespmem:s0+$0xFFFFFF30]  }
0x124: {  	[tilespmem:s17+$0xB0] =	vst v3;
	v3 =	vld [tilespmem:s17+$0xC0]  }
0x125: {  	v2 =	vadd.f32 v4, v2;
	v4 =	vld [tilespmem:s0+$0xC0]  }
0x126: {  	v6 =	vld [tilespmem:s17+$0xFFFFFF40]  }
0x127: {  	[tilespmem:s17+$0xFFFFFFB0] =	vst v2;
	v2 =	vld [tilespmem:s17+$0xFFFFFFC0];
	v0 =	vadd.f32 v1, v0  }
0x128: {  	v1 =	vadd.f32 v5, v7;
	v5 =	vld [tilespmem:s0+$0xFFFFFFC0]  }
0x129: {  	[tilespmem:s17+$0x30] =	vst v0;
	v0 =	vld [tilespmem:s17+$0x40]  }
0x12a: {  	[tilespmem:s17+$0xFFFFFF30] =	vst v1;
	v1 =	vld [tilespmem:s0+$0x40];
	v3 =	vadd.f32 v4, v3  }
0x12b: {  	v4 =	vld [tilespmem:s0+$0xFFFFFF40]  }
0x12c: {  	[tilespmem:s17+$0xC0] =	vst v3;
	v3 =	vld [tilespmem:s17+$0xD0]  }
0x12d: {  	v2 =	vadd.f32 v5, v2;
	v5 =	vld [tilespmem:s0+$0xD0]  }
0x12e: {  	v7 =	vld [tilespmem:s17+$0xFFFFFF50]  }
0x12f: {  	[tilespmem:s17+$0xFFFFFFC0] =	vst v2;
	v2 =	vld [tilespmem:s17+$0xFFFFFFD0];
	v0 =	vadd.f32 v1, v0  }
0x130: {  	v1 =	vadd.f32 v4, v6;
	v4 =	vld [tilespmem:s0+$0xFFFFFFD0]  }
0x131: {  	[tilespmem:s17+$0x40] =	vst v0;
	v0 =	vld [tilespmem:s17+$0x50]  }
0x132: {  	[tilespmem:s17+$0xFFFFFF40] =	vst v1;
	v1 =	vld [tilespmem:s0+$0x50];
	v3 =	vadd.f32 v5, v3  }
0x133: {  	v5 =	vld [tilespmem:s0+$0xFFFFFF50]  }
0x134: {  	[tilespmem:s17+$0xD0] =	vst v3;
	v3 =	vld [tilespmem:s17+$0xE0]  }
0x135: {  	v2 =	vadd.f32 v4, v2;
	v4 =	vld [tilespmem:s0+$0xE0]  }
0x136: {  	v6 =	vld [tilespmem:s17+$0xFFFFFF60]  }
0x137: {  	[tilespmem:s17+$0xFFFFFFD0] =	vst v2;
	v2 =	vld [tilespmem:s17+$0xFFFFFFE0];
	v0 =	vadd.f32 v1, v0  }
0x138: {  	v1 =	vadd.f32 v5, v7;
	v5 =	vld [tilespmem:s0+$0xFFFFFFE0]  }
0x139: {  	[tilespmem:s17+$0x50] =	vst v0;
	v7 =	vld [tilespmem:s17+$0x60]  }
0x13a: {  	[tilespmem:s17+$0xFFFFFF50] =	vst v1;
	v8 =	vld [tilespmem:s0+$0x60];
	v0 =	vadd.f32 v4, v3  }
0x13b: {  	v3 =	vld [tilespmem:s0+$0xFFFFFF60]  }
0x13c: {  	[tilespmem:s17+$0xE0] =	vst v0;
	v9 =	vld [tilespmem:s17+$0xF0]  }
0x13d: {  	v1 =	vadd.f32 v5, v2;
	v5 =	vld [tilespmem:s0+$0xF0]  }
0x13e: {  	v0 =	vld [tilespmem:s17+$0xFFFFFF70]  }
.Ltmp1:
0x13f: {  	[tilespmem:s17+$0xFFFFFFE0] =	vst v1;
	v1 =	vld [tilespmem:s17+$0xFFFFFFF0];
	v2 =	vadd.f32 v8, v7;
	(pc) =	sbr.rel @p0 .LBB2_5-.Ltmp1, $4  }
0x140: {  	v4 =	vadd.f32 v3, v6;
	v3 =	vld [tilespmem:s0+$0xFFFFFFF0]  }
0x141: {  	[tilespmem:s17+$0x60] =	vst v2;
	v2 =	vld [tilespmem:s17+$0x70]  }
0x142: {  	[tilespmem:s17+$0xFFFFFF60] =	vst v4;
	v4 =	vld [tilespmem:s0+$0x70];
	v6 =	vadd.f32 v5, v9  }
0x143: {  	s17 =	sadd.s32 $0x200, s17;
	v5 =	vld [tilespmem:s0+$0xFFFFFF70]  }
0x144: {  	_ = 	snop  }
0x145: {  	s29 =	sadd.s32 $0x1, s29  }
0x146: {  	v1 =	vadd.f32 v3, v1;
	p0 =	sne.s32 s29, $0x19  }
.Ltmp2:
0x147: {  	[tilespmem:s31+$0xF0] =	vst v6;
	v2 =	vadd.f32 v4, v2;
	(pc) =	sbr.rel @p0 .LBB2_2-.Ltmp2, $4  }
0x148: {  	s0 =	sadd.s32 s30, s11;
	[tilespmem:s31+$0xFFFFFFF0] =	vst v1;
	v0 =	vadd.f32 v5, v0  }
0x149: {  	s0 =	sshll.u32 s0, $0x4;
	[tilespmem:s31+$0x70] =	vst v2  }
0x14a: {  	s0 =	sadd.s32 s7, s0;
	[tilespmem:s31+$0xFFFFFF70] =	vst v0  }
0x14b: {  	[hbm4b:s0+s2] =	stream.linear.scatter [tilespmem:s20], [sflag:$0x6], $0x6400, $0x38;
	[tilespmem:$0x19400] =	vst v63  }
0x14c: {  	s28 =	sadd.s32 $0x1, s28  }
0x14d: {  	_ =	swait.ge [sflag:s25], $0x6400;
	p0 =	sne.s32 s28, s12  }
.Ltmp3:
0x14e: {  	[sflag:s25] =	ssyncset.done $0x0;
	(pc) =	sbr.rel @p0 .LBB2_1-.Ltmp3, $4  }
0x14f: {  	[sflag:s25] =	ssyncadd.s32 $0xFFFF9C00  }
0x150: {  	_ =	swait.ge [sflag:s26], $0x6400  }
0x151: {  	[sflag:s26] =	ssyncset.done $0x0  }
0x152: {  	[sflag:s26] =	ssyncadd.s32 $0xFFFF9C00  }
0x153: {  	_ =	sfence.sel $0x180000  }
0x154: {  	[bflag:$0x0] =	sbarrier.arrive $0xFFFF  }
0x155: {  	_ =	strace $0x9000004A  }
0x156: {  	s0 =	stileid.u32;
	[bflag:$0x2] =	sbarrier.arrive $0xFFFF  }
0x157: {  	p0 =	sne.s32 s0, $0x0;
	s0 =	rddreg [dreg:$0x1]  }
0x158: {  	s0 =	sadd.s32 @!p0 $0x100000, s0  }
0x159: {  	[sflag:s0] =	ssyncadd.tile.s32 @!p0 $0x1;
	_ =	shalt  }
.Lfunc_end2:
_tile_overlayer_lowered:
.L_overlay_start_2:
0x15a: {  	(tag) =	ssettag $0x2  }
0x15b: {  	s0 =	rddreg [dreg:$0x0];
	s2 =	stileid.u32  }
0x15c: {  	s1 =	rddreg [dreg:$0x1];
	p0 =	sne.s32 s2, $0x0  }
0x15d: {  	s3 =	rddreg [dreg:$0x2];
	[bflag:$0x3] =	sbarrier.arrive $0xFFFF;
	s2 =	simm.s32 @!p0 $0x1C07  }
0x15e: {  	[timem:s3], [sflag:s2] =	dma.local @!p0 [hbm:s0], s1  }
0x15f: {  	s0 =	simm.s32 @!p0 $0x7  }
0x160: {  	_ =	swait.ge @!p0 [sflag:s0], s1  }
0x161: {  	s1 =	ssub.s32 @!p0 $0x0, s1;
	[sflag:s0] =	ssyncset.done @!p0 $0x0  }
0x162: {  	[sflag:s0] =	ssyncadd.s32 @!p0 s1  }
0x163: {  	[bflag:$0x3] =	sbarrier.arrive $0xFFFF  }
0x164: {  	_ =	shalt  }

</sc_bundles>
